<compile_context>
chip_gen: v7x
topology: tpu7x:2x2x1
jax: 0.10.2.dev20260603
libtpu: 0.0.44.dev20260713+nightly
codegen_flags: <defaults>
</compile_context>

<pallas_src>
import functools

import jax
import jax.numpy as jnp
from jax import lax
from jax.experimental import pallas as pl
from jax.experimental.pallas import tpu as pltpu
from jax.experimental.pallas import tpu_sc as plsc

_RING = 4


def _gather_body(nc, b_per_w, n_tc_max,
                 x0_hbm, x1_hbm, idx_hbm, z0_hbm, z1_hbm,
                 idx_v, buf0, buf1, ob0, ob1, sems0, sems1):
    wid = lax.axis_index("s") * nc + lax.axis_index("c")
    base = wid * b_per_w
    pltpu.sync_copy(idx_hbm, idx_v)
    D = x0_hbm.shape[0]
    nf = D // 16
    zeros16 = jnp.zeros((16,), jnp.float32)
    zeros16i = jnp.zeros((16,), jnp.int32)
    iota16 = lax.iota(jnp.int32, 16)

    def getv(j):
        return plsc.load_gather(idx_v, [zeros16i + (base + j)])[0]

    def issue(j, slot):
        v = getv(j)
        tc = jnp.minimum(lax.shift_right_logical(v, 7), n_tc_max)
        off = tc * 128
        pltpu.async_copy(x0_hbm.at[:, pl.ds(off, 128)], buf0.at[slot],
                         sems0.at[slot])
        pltpu.async_copy(x1_hbm.at[:, pl.ds(off, 128)], buf1.at[slot],
                         sems1.at[slot])

    def process(j, slot):
        pltpu.make_async_copy(x0_hbm.at[:, pl.ds(0, 128)], buf0.at[slot],
                              sems0.at[slot]).wait()
        pltpu.make_async_copy(x1_hbm.at[:, pl.ds(0, 128)], buf1.at[slot],
                              sems1.at[slot]).wait()
        v = getv(j)
        lane = zeros16i + (v & 127)
        for g in range(nf):
            fvec = iota16 + (16 * g)
            ob0[pl.ds(j * 128 + 16 * g, 16)] = plsc.load_gather(
                buf0.at[slot], [fvec, lane])
            ob1[pl.ds(j * 128 + 16 * g, 16)] = plsc.load_gather(
                buf1.at[slot], [fvec, lane])
        for g in range(nf, 8):
            ob0[pl.ds(j * 128 + 16 * g, 16)] = zeros16
            ob1[pl.ds(j * 128 + 16 * g, 16)] = zeros16

    for b in range(_RING):
        issue(b, b)

    def group(g, _):
        for b in range(_RING):
            j = g * _RING + b
            process(j, b)
            issue(j + _RING, b)
        return 0

    n_groups = b_per_w // _RING
    lax.fori_loop(0, n_groups - 1, group, 0)
    for b in range(_RING):
        process((n_groups - 1) * _RING + b, b)

    pltpu.sync_copy(ob0, z0_hbm.at[pl.ds(base * 128, b_per_w * 128)])
    pltpu.sync_copy(ob1, z1_hbm.at[pl.ds(base * 128, b_per_w * 128)])


@functools.cache
def _make_gather(B: int, D: int, N: int):
    info = plsc.get_sparse_core_info()
    nc, ns = info.num_cores, info.num_subcores
    nw = nc * ns
    assert B % (8 * nw) == 0 and D % 16 == 0 and D <= 128
    b_per_w = B // nw
    assert b_per_w % _RING == 0
    n_tc_max = N // 128 - 1
    mesh = plsc.VectorSubcoreMesh(core_axis_name="c", subcore_axis_name="s")
    return pl.kernel(
        functools.partial(_gather_body, nc, b_per_w, n_tc_max),
        out_type=(jax.ShapeDtypeStruct((B * 128,), jnp.float32),
                  jax.ShapeDtypeStruct((B * 128,), jnp.float32)),
        mesh=mesh,
        scratch_types=[
            pltpu.VMEM((B,), jnp.int32),
            pltpu.VMEM((_RING, D, 128), jnp.float32),
            pltpu.VMEM((_RING, D, 128), jnp.float32),
            pltpu.VMEM((b_per_w * 128,), jnp.float32),
            pltpu.VMEM((b_per_w * 128,), jnp.float32),
            pltpu.SemaphoreType.DMA((_RING,)),
            pltpu.SemaphoreType.DMA((_RING,)),
        ],
        compiler_params=pltpu.CompilerParams(needs_layout_passes=False),
    )


def _pdist_body(tail_lo, s_ref, idx_ref, t0_ref, t1_ref, z0_ref, z1_ref,
                out_ref):
    w = jnp.log(1.0 + jnp.exp(s_ref[...]))
    w0 = w[0:1, 0:1]
    w1 = w[0:1, 1:2]
    B = z0_ref.shape[0]
    T = t0_ref.shape[0]
    idx = idx_ref[...]
    sel = (idx - tail_lo) == lax.broadcasted_iota(jnp.int32, (B, T), 1)
    self = sel.astype(jnp.float32)
    dn = (((1,), (1,)), ((), ()))
    zt0 = lax.dot_general(self, t0_ref[...], (((1,), (0,)), ((), ())),
                          preferred_element_type=jnp.float32)
    zt1 = lax.dot_general(self, t1_ref[...], (((1,), (0,)), ((), ())),
                          preferred_element_type=jnp.float32)
    is_tail = idx >= tail_lo
    z0 = jnp.where(is_tail, zt0, z0_ref[...])
    z1 = jnp.where(is_tail, zt1, z1_ref[...])
    e0 = z0 * z0
    e1 = z1 * z1
    ones = jnp.ones((1, z0.shape[1]), jnp.float32)
    sq0r = jnp.sum(e0, axis=1, keepdims=True)
    sq1r = jnp.sum(e1, axis=1, keepdims=True)
    sq0c = lax.dot_general(ones, e0, dn,
                           preferred_element_type=jnp.float32)
    sq1c = lax.dot_general(ones, e1, dn,
                           preferred_element_type=jnp.float32)
    g0 = lax.dot_general(z0, z0, dn, preferred_element_type=jnp.float32)
    g1 = lax.dot_general(z1, z1, dn, preferred_element_type=jnp.float32)
    d0 = jnp.maximum(sq0r + sq0c - 2.0 * g0, 0.0)
    d1 = jnp.maximum(sq1r + sq1c - 2.0 * g1, 0.0)
    out_ref[...] = w0 * d0 + w1 * d1


def kernel(x0, x1, s0, s1, idx):
    B = idx.shape[0]
    N, D = x0.shape
    idx = idx.astype(jnp.int32)
    z0f, z1f = _make_gather(B, D, N)(x0.T, x1.T, idx)
    z0 = z0f.reshape(B, 128)
    z1 = z1f.reshape(B, 128)
    tail_lo = (N // 128 - 1) * 128 + 128
    pad = ((0, 0), (0, 128 - D))
    t0 = jnp.pad(lax.slice(x0, (tail_lo, 0), (N, D)), pad)
    t1 = jnp.pad(lax.slice(x1, (tail_lo, 0), (N, D)), pad)
    s = jnp.stack([s0, s1]).astype(jnp.float32).reshape(1, 2)
    return pl.pallas_call(
        functools.partial(_pdist_body, tail_lo),
        out_shape=jax.ShapeDtypeStruct((B, B), jnp.float32),
    )(s, idx.reshape(B, 1), t0, t1, z0, z1)

# --- scband reference (transcript-rebuilt; emitter-appended) ---
"""Pipeline reference for scband-manifold-embedding-75041668596321 (READ-ONLY COPY).

The authoritative reference and input builder live on the scoring server;
editing this copy changes nothing except your own understanding.
"""

import jax, jax.numpy as jnp
import numpy as np

N = 100000
D = 64
B = 1024

def setup_inputs(seed: int = 0):
    key = jax.random.key(seed)
    k1, k2, k3 = jax.random.split(key, 3)
    x0 = jax.random.normal(k1, (N, D), dtype=jnp.float32)
    x1 = jax.random.normal(k2, (N, D), dtype=jnp.float32)
    s0 = jnp.array(0.5, dtype=jnp.float32)
    s1 = jnp.array(0.5, dtype=jnp.float32)
    idx = jax.random.randint(k3, (B,), 0, N)
    return {"x0": x0, "x1": x1, "s0": s0, "s1": s1, "idx": idx}

def _pdist_sq(z):
    # pairwise squared Euclidean distances (manifold.pdist with squared=True)
    sq = jnp.sum(z * z, axis=1)
    d2 = sq[:, None] + sq[None, :] - 2.0 * (z @ z.T)
    return jnp.maximum(d2, 0.0)

def reference(x0, x1, s0, s1, idx):
    # compute_dists(i): sum over components of softplus(scale) * manifold.pdist(x[i], squared=True)
    z0 = jnp.take(x0, idx, axis=0)
    z1 = jnp.take(x1, idx, axis=0)
    return jax.nn.softplus(s0) * _pdist_sq(z0) + jax.nn.softplus(s1) * _pdist_sq(z1)

if __name__ == "__main__":
    import jax
    _d = setup_inputs()
    print(jax.jit(kernel)(*tuple(_d.values())))

</pallas_src>

<mosaic_0001>
#map = affine_map<(d0, d1) -> (0, 0)>
#map1 = affine_map<(d0, d1) -> (0)>
module attributes {stable_mosaic.version = 14 : i64} {
  func.func @_gather_body(%arg0: i32, %arg1: i32, %arg2: memref<64x100000xf32, #tpu.memory_space<hbm>>, %arg3: memref<64x100000xf32, #tpu.memory_space<hbm>>, %arg4: memref<1024xi32, #tpu.memory_space<hbm>>, %arg5: memref<131072xf32, #tpu.memory_space<hbm>>, %arg6: memref<131072xf32, #tpu.memory_space<hbm>>, %arg7: memref<1024xi32, #tpu.memory_space<vmem>>, %arg8: memref<4x64x128xf32, #tpu.memory_space<vmem>>, %arg9: memref<4x64x128xf32, #tpu.memory_space<vmem>>, %arg10: memref<4096xf32, #tpu.memory_space<vmem>>, %arg11: memref<4096xf32, #tpu.memory_space<vmem>>, %arg12: memref<4x!tpu.dma_semaphore, #tpu.memory_space<semaphore_mem>>, %arg13: memref<4x!tpu.dma_semaphore, #tpu.memory_space<semaphore_mem>>) attributes {dimension_semantics = [#tpu.dimension_semantics<core_parallel>, #tpu.dimension_semantics<subcore_parallel>], iteration_bounds = array<i64: 2, 16>, scalar_prefetch = 0 : i64, scratch_operands = 7 : i64, tpu.core_type = #tpu.core_type<sc_vector_subcore>, window_params = [{transform_indices = #map}, {transform_indices = #map}, {transform_indices = #map1}, {transform_indices = #map1}, {transform_indices = #map1}]} {
    %mul3A = arith.constant 2 : i32
    %mul3A_0 = arith.muli %arg1, %mul3A : i32
    %add3A = arith.addi %mul3A_0, %arg0 : i32
    %mul3A_1 = arith.constant 32 : i32
    %mul3A_2 = arith.muli %add3A, %mul3A_1 : i32
    "tpu.region"() ({
      %run_scoped3A = tpu.sem_alloc : memref<!tpu.dma_semaphore, #tpu.memory_space<semaphore_mem>>
      tpu.enqueue_dma source(%arg4 : memref<1024xi32, #tpu.memory_space<hbm>>) target(%arg7 : memref<1024xi32, #tpu.memory_space<vmem>>) target_semaphore(%run_scoped3A : memref<!tpu.dma_semaphore, #tpu.memory_space<semaphore_mem>>)
      tpu.wait_dma2 semaphore(%run_scoped3A : memref<!tpu.dma_semaphore, #tpu.memory_space<semaphore_mem>>) src(%arg4 : memref<1024xi32, #tpu.memory_space<hbm>>) dst(%arg7 : memref<1024xi32, #tpu.memory_space<vmem>>)
      tpu.yield
    }) : () -> ()
    %broadcast_in_dim3A = arith.constant 0.000000e+00 : f32
    %broadcast_in_dim3A_3 = vector.broadcast %broadcast_in_dim3A : f32 to vector<16xf32>
    %broadcast_in_dim3A_4 = arith.constant 0 : i32
    %broadcast_in_dim3A_5 = vector.broadcast %broadcast_in_dim3A_4 : i32 to vector<16xi32>
    %iota3A = tpu.iota {dimensions = array<i32: 0>} : vector<16xi32>
    %add3A_6 = arith.constant 0 : i32
    %add3A_7 = arith.addi %mul3A_2, %add3A_6 : i32
    %add3A_8 = vector.broadcast %add3A_7 : i32 to vector<16xi32>
    %add3A_9 = arith.addi %broadcast_in_dim3A_5, %add3A_8 : vector<16xi32>
    %gather3A = tpu.vector_load_idx %arg7[%add3A_9] : memref<1024xi32, #tpu.memory_space<vmem>>[vector<16xi32>], vector<16xi32>,
    %slice3A = vector.extract_strided_slice %gather3A {offsets = [0], sizes = [1], strides = [1]} : vector<16xi32> to vector<1xi32>
    %squeeze3A = vector.extract %slice3A[0] : i32 from vector<1xi32>
    %shift_right_logical3A = arith.constant 7 : i32
    %shift_right_logical3A_10 = arith.shrui %squeeze3A, %shift_right_logical3A : i32
    %min3A = arith.constant 780 : i32
    %min3A_11 = arith.minsi %shift_right_logical3A_10, %min3A : i32
    %mul3A_12 = arith.constant 128 : i32
    %mul3A_13 = arith.muli %min3A_11, %mul3A_12 : i32
    %dma_start3A = arith.constant 0 : i32
    %dma_start3A_14 = arith.constant 0 : i32
    %dma_start3A_15 = arith.constant 0 : i32
    %dma_start3A_16 = arith.constant 0 : i32
    %dma_start3A_17 = tpu.memref_slice %arg8[%dma_start3A, %dma_start3A_15, %dma_start3A_16] : memref<4x64x128xf32, #tpu.memory_space<vmem>> -> memref<1x64x128xf32, #tpu.memory_space<vmem>>
    %dma_start3A_18 = tpu.memref_squeeze %dma_start3A_17 : memref<1x64x128xf32, #tpu.memory_space<vmem>> -> memref<64x128xf32, #tpu.memory_space<vmem>>
    %dma_start3A_19 = arith.constant 0 : i32
    %dma_start3A_20 = tpu.memref_slice %arg2[%dma_start3A_19, %mul3A_13] : memref<64x100000xf32, #tpu.memory_space<hbm>> -> memref<64x128xf32, #tpu.memory_space<hbm>>
    %dma_start3A_21 = tpu.memref_slice %arg12[%dma_start3A_14] : memref<4x!tpu.dma_semaphore, #tpu.memory_space<semaphore_mem>> -> memref<1x!tpu.dma_semaphore, #tpu.memory_space<semaphore_mem>>
    %dma_start3A_22 = tpu.memref_squeeze %dma_start3A_21 : memref<1x!tpu.dma_semaphore, #tpu.memory_space<semaphore_mem>> -> memref<!tpu.dma_semaphore, #tpu.memory_space<semaphore_mem>>
    %dma_start3A_23 = arith.constant 0 : i32
    %dma_start3A_24 = arith.constant 0 : i32
    %dma_start3A_25 = tpu.memref_slice %arg8[%dma_start3A, %dma_start3A_23, %dma_start3A_24] : memref<4x64x128xf32, #tpu.memory_space<vmem>> -> memref<1x64x128xf32, #tpu.memory_space<vmem>>
    %dma_start3A_26 = tpu.memref_squeeze %dma_start3A_25 : memref<1x64x128xf32, #tpu.memory_space<vmem>> -> memref<64x128xf32, #tpu.memory_space<vmem>>
    %dma_start3A_27 = arith.constant 0 : i32
    %dma_start3A_28 = tpu.memref_slice %arg2[%dma_start3A_27, %mul3A_13] : memref<64x100000xf32, #tpu.memory_space<hbm>> -> memref<64x128xf32, #tpu.memory_space<hbm>>
    tpu.enqueue_dma source(%dma_start3A_28 : memref<64x128xf32, #tpu.memory_space<hbm>>) target(%dma_start3A_26 : memref<64x128xf32, #tpu.memory_space<vmem>>) target_semaphore(%dma_start3A_22 : memref<!tpu.dma_semaphore, #tpu.memory_space<semaphore_mem>>)
    %dma_start3A_29 = arith.constant 0 : i32
    %dma_start3A_30 = arith.constant 0 : i32
    %dma_start3A_31 = arith.constant 0 : i32
    %dma_start3A_32 = arith.constant 0 : i32
    %dma_start3A_33 = tpu.memref_slice %arg9[%dma_start3A_29, %dma_start3A_31, %dma_start3A_32] : memref<4x64x128xf32, #tpu.memory_space<vmem>> -> memref<1x64x128xf32, #tpu.memory_space<vmem>>
    %dma_start3A_34 = tpu.memref_squeeze %dma_start3A_33 : memref<1x64x128xf32, #tpu.memory_space<vmem>> -> memref<64x128xf32, #tpu.memory_space<vmem>>
    %dma_start3A_35 = arith.constant 0 : i32
    %dma_start3A_36 = tpu.memref_slice %arg3[%dma_start3A_35, %mul3A_13] : memref<64x100000xf32, #tpu.memory_space<hbm>> -> memref<64x128xf32, #tpu.memory_space<hbm>>
    %dma_start3A_37 = tpu.memref_slice %arg13[%dma_start3A_30] : memref<4x!tpu.dma_semaphore, #tpu.memory_space<semaphore_mem>> -> memref<1x!tpu.dma_semaphore, #tpu.memory_space<semaphore_mem>>
    %dma_start3A_38 = tpu.memref_squeeze %dma_start3A_37 : memref<1x!tpu.dma_semaphore, #tpu.memory_space<semaphore_mem>> -> memref<!tpu.dma_semaphore, #tpu.memory_space<semaphore_mem>>
    %dma_start3A_39 = arith.constant 0 : i32
    %dma_start3A_40 = arith.constant 0 : i32
    %dma_start3A_41 = tpu.memref_slice %arg9[%dma_start3A_29, %dma_start3A_39, %dma_start3A_40] : memref<4x64x128xf32, #tpu.memory_space<vmem>> -> memref<1x64x128xf32, #tpu.memory_space<vmem>>
    %dma_start3A_42 = tpu.memref_squeeze %dma_start3A_41 : memref<1x64x128xf32, #tpu.memory_space<vmem>> -> memref<64x128xf32, #tpu.memory_space<vmem>>
    %dma_start3A_43 = arith.constant 0 : i32
    %dma_start3A_44 = tpu.memref_slice %arg3[%dma_start3A_43, %mul3A_13] : memref<64x100000xf32, #tpu.memory_space<hbm>> -> memref<64x128xf32, #tpu.memory_space<hbm>>
    tpu.enqueue_dma source(%dma_start3A_44 : memref<64x128xf32, #tpu.memory_space<hbm>>) target(%dma_start3A_42 : memref<64x128xf32, #tpu.memory_space<vmem>>) target_semaphore(%dma_start3A_38 : memref<!tpu.dma_semaphore, #tpu.memory_space<semaphore_mem>>)
    %add3A_45 = arith.constant 1 : i32
    %add3A_46 = arith.addi %mul3A_2, %add3A_45 : i32
    %add3A_47 = vector.broadcast %add3A_46 : i32 to vector<16xi32>
    %add3A_48 = arith.addi %broadcast_in_dim3A_5, %add3A_47 : vector<16xi32>
    %gather3A_49 = tpu.vector_load_idx %arg7[%add3A_48] : memref<1024xi32, #tpu.memory_space<vmem>>[vector<16xi32>], vector<16xi32>,
    %slice3A_50 = vector.extract_strided_slice %gather3A_49 {offsets = [0], sizes = [1], strides = [1]} : vector<16xi32> to vector<1xi32>
    %squeeze3A_51 = vector.extract %slice3A_50[0] : i32 from vector<1xi32>
    %shift_right_logical3A_52 = arith.constant 7 : i32
    %shift_right_logical3A_53 = arith.shrui %squeeze3A_51, %shift_right_logical3A_52 : i32
    %min3A_54 = arith.constant 780 : i32
    %min3A_55 = arith.minsi %shift_right_logical3A_53, %min3A_54 : i32
    %mul3A_56 = arith.constant 128 : i32
    %mul3A_57 = arith.muli %min3A_55, %mul3A_56 : i32
    %dma_start3A_58 = arith.constant 1 : i32
    %dma_start3A_59 = arith.constant 1 : i32
    %dma_start3A_60 = arith.constant 0 : i32
    %dma_start3A_61 = arith.constant 0 : i32
    %dma_start3A_62 = tpu.memref_slice %arg8[%dma_start3A_58, %dma_start3A_60, %dma_start3A_61] : memref<4x64x128xf32, #tpu.memory_space<vmem>> -> memref<1x64x128xf32, #tpu.memory_space<vmem>>
    %dma_start3A_63 = tpu.memref_squeeze %dma_start3A_62 : memref<1x64x128xf32, #tpu.memory_space<vmem>> -> memref<64x128xf32, #tpu.memory_space<vmem>>
    %dma_start3A_64 = arith.constant 0 : i32
    %dma_start3A_65 = tpu.memref_slice %arg2[%dma_start3A_64, %mul3A_57] : memref<64x100000xf32, #tpu.memory_space<hbm>> -> memref<64x128xf32, #tpu.memory_space<hbm>>
    %dma_start3A_66 = tpu.memref_slice %arg12[%dma_start3A_59] : memref<4x!tpu.dma_semaphore, #tpu.memory_space<semaphore_mem>> -> memref<1x!tpu.dma_semaphore, #tpu.memory_space<semaphore_mem>>
    %dma_start3A_67 = tpu.memref_squeeze %dma_start3A_66 : memref<1x!tpu.dma_semaphore, #tpu.memory_space<semaphore_mem>> -> memref<!tpu.dma_semaphore, #tpu.memory_space<semaphore_mem>>
    %dma_start3A_68 = arith.constant 0 : i32
    %dma_start3A_69 = arith.constant 0 : i32
    %dma_start3A_70 = tpu.memref_slice %arg8[%dma_start3A_58, %dma_start3A_68, %dma_start3A_69] : memref<4x64x128xf32, #tpu.memory_space<vmem>> -> memref<1x64x128xf32, #tpu.memory_space<vmem>>
    %dma_start3A_71 = tpu.memref_squeeze %dma_start3A_70 : memref<1x64x128xf32, #tpu.memory_space<vmem>> -> memref<64x128xf32, #tpu.memory_space<vmem>>
    %dma_start3A_72 = arith.constant 0 : i32
    %dma_start3A_73 = tpu.memref_slice %arg2[%dma_start3A_72, %mul3A_57] : memref<64x100000xf32, #tpu.memory_space<hbm>> -> memref<64x128xf32, #tpu.memory_space<hbm>>
    tpu.enqueue_dma source(%dma_start3A_73 : memref<64x128xf32, #tpu.memory_space<hbm>>) target(%dma_start3A_71 : memref<64x128xf32, #tpu.memory_space<vmem>>) target_semaphore(%dma_start3A_67 : memref<!tpu.dma_semaphore, #tpu.memory_space<semaphore_mem>>)
    %dma_start3A_74 = arith.constant 1 : i32
    %dma_start3A_75 = arith.constant 1 : i32
    %dma_start3A_76 = arith.constant 0 : i32
    %dma_start3A_77 = arith.constant 0 : i32
    %dma_start3A_78 = tpu.memref_slice %arg9[%dma_start3A_74, %dma_start3A_76, %dma_start3A_77] : memref<4x64x128xf32, #tpu.memory_space<vmem>> -> memref<1x64x128xf32, #tpu.memory_space<vmem>>
    %dma_start3A_79 = tpu.memref_squeeze %dma_start3A_78 : memref<1x64x128xf32, #tpu.memory_space<vmem>> -> memref<64x128xf32, #tpu.memory_space<vmem>>
    %dma_start3A_80 = arith.constant 0 : i32
    %dma_start3A_81 = tpu.memref_slice %arg3[%dma_start3A_80, %mul3A_57] : memref<64x100000xf32, #tpu.memory_space<hbm>> -> memref<64x128xf32, #tpu.memory_space<hbm>>
    %dma_start3A_82 = tpu.memref_slice %arg13[%dma_start3A_75] : memref<4x!tpu.dma_semaphore, #tpu.memory_space<semaphore_mem>> -> memref<1x!tpu.dma_semaphore, #tpu.memory_space<semaphore_mem>>
    %dma_start3A_83 = tpu.memref_squeeze %dma_start3A_82 : memref<1x!tpu.dma_semaphore, #tpu.memory_space<semaphore_mem>> -> memref<!tpu.dma_semaphore, #tpu.memory_space<semaphore_mem>>
    %dma_start3A_84 = arith.constant 0 : i32
    %dma_start3A_85 = arith.constant 0 : i32
    %dma_start3A_86 = tpu.memref_slice %arg9[%dma_start3A_74, %dma_start3A_84, %dma_start3A_85] : memref<4x64x128xf32, #tpu.memory_space<vmem>> -> memref<1x64x128xf32, #tpu.memory_space<vmem>>
    %dma_start3A_87 = tpu.memref_squeeze %dma_start3A_86 : memref<1x64x128xf32, #tpu.memory_space<vmem>> -> memref<64x128xf32, #tpu.memory_space<vmem>>
    %dma_start3A_88 = arith.constant 0 : i32
    %dma_start3A_89 = tpu.memref_slice %arg3[%dma_start3A_88, %mul3A_57] : memref<64x100000xf32, #tpu.memory_space<hbm>> -> memref<64x128xf32, #tpu.memory_space<hbm>>
    tpu.enqueue_dma source(%dma_start3A_89 : memref<64x128xf32, #tpu.memory_space<hbm>>) target(%dma_start3A_87 : memref<64x128xf32, #tpu.memory_space<vmem>>) target_semaphore(%dma_start3A_83 : memref<!tpu.dma_semaphore, #tpu.memory_space<semaphore_mem>>)
    %add3A_90 = arith.constant 2 : i32
    %add3A_91 = arith.addi %mul3A_2, %add3A_90 : i32
    %add3A_92 = vector.broadcast %add3A_91 : i32 to vector<16xi32>
    %add3A_93 = arith.addi %broadcast_in_dim3A_5, %add3A_92 : vector<16xi32>
    %gather3A_94 = tpu.vector_load_idx %arg7[%add3A_93] : memref<1024xi32, #tpu.memory_space<vmem>>[vector<16xi32>], vector<16xi32>,
    %slice3A_95 = vector.extract_strided_slice %gather3A_94 {offsets = [0], sizes = [1], strides = [1]} : vector<16xi32> to vector<1xi32>
    %squeeze3A_96 = vector.extract %slice3A_95[0] : i32 from vector<1xi32>
    %shift_right_logical3A_97 = arith.constant 7 : i32
    %shift_right_logical3A_98 = arith.shrui %squeeze3A_96, %shift_right_logical3A_97 : i32
    %min3A_99 = arith.constant 780 : i32
    %min3A_100 = arith.minsi %shift_right_logical3A_98, %min3A_99 : i32
    %mul3A_101 = arith.constant 128 : i32
    %mul3A_102 = arith.muli %min3A_100, %mul3A_101 : i32
    %dma_start3A_103 = arith.constant 2 : i32
    %dma_start3A_104 = arith.constant 2 : i32
    %dma_start3A_105 = arith.constant 0 : i32
    %dma_start3A_106 = arith.constant 0 : i32
    %dma_start3A_107 = tpu.memref_slice %arg8[%dma_start3A_103, %dma_start3A_105, %dma_start3A_106] : memref<4x64x128xf32, #tpu.memory_space<vmem>> -> memref<1x64x128xf32, #tpu.memory_space<vmem>>
    %dma_start3A_108 = tpu.memref_squeeze %dma_start3A_107 : memref<1x64x128xf32, #tpu.memory_space<vmem>> -> memref<64x128xf32, #tpu.memory_space<vmem>>
    %dma_start3A_109 = arith.constant 0 : i32
    %dma_start3A_110 = tpu.memref_slice %arg2[%dma_start3A_109, %mul3A_102] : memref<64x100000xf32, #tpu.memory_space<hbm>> -> memref<64x128xf32, #tpu.memory_space<hbm>>
    %dma_start3A_111 = tpu.memref_slice %arg12[%dma_start3A_104] : memref<4x!tpu.dma_semaphore, #tpu.memory_space<semaphore_mem>> -> memref<1x!tpu.dma_semaphore, #tpu.memory_space<semaphore_mem>>
    %dma_start3A_112 = tpu.memref_squeeze %dma_start3A_111 : memref<1x!tpu.dma_semaphore, #tpu.memory_space<semaphore_mem>> -> memref<!tpu.dma_semaphore, #tpu.memory_space<semaphore_mem>>
    %dma_start3A_113 = arith.constant 0 : i32
    %dma_start3A_114 = arith.constant 0 : i32
    %dma_start3A_115 = tpu.memref_slice %arg8[%dma_start3A_103, %dma_start3A_113, %dma_start3A_114] : memref<4x64x128xf32, #tpu.memory_space<vmem>> -> memref<1x64x128xf32, #tpu.memory_space<vmem>>
    %dma_start3A_116 = tpu.memref_squeeze %dma_start3A_115 : memref<1x64x128xf32, #tpu.memory_space<vmem>> -> memref<64x128xf32, #tpu.memory_space<vmem>>
    %dma_start3A_117 = arith.constant 0 : i32
    %dma_start3A_118 = tpu.memref_slice %arg2[%dma_start3A_117, %mul3A_102] : memref<64x100000xf32, #tpu.memory_space<hbm>> -> memref<64x128xf32, #tpu.memory_space<hbm>>
    tpu.enqueue_dma source(%dma_start3A_118 : memref<64x128xf32, #tpu.memory_space<hbm>>) target(%dma_start3A_116 : memref<64x128xf32, #tpu.memory_space<vmem>>) target_semaphore(%dma_start3A_112 : memref<!tpu.dma_semaphore, #tpu.memory_space<semaphore_mem>>)
    %dma_start3A_119 = arith.constant 2 : i32
    %dma_start3A_120 = arith.constant 2 : i32
    %dma_start3A_121 = arith.constant 0 : i32
    %dma_start3A_122 = arith.constant 0 : i32
    %dma_start3A_123 = tpu.memref_slice %arg9[%dma_start3A_119, %dma_start3A_121, %dma_start3A_122] : memref<4x64x128xf32, #tpu.memory_space<vmem>> -> memref<1x64x128xf32, #tpu.memory_space<vmem>>
    %dma_start3A_124 = tpu.memref_squeeze %dma_start3A_123 : memref<1x64x128xf32, #tpu.memory_space<vmem>> -> memref<64x128xf32, #tpu.memory_space<vmem>>
    %dma_start3A_125 = arith.constant 0 : i32
    %dma_start3A_126 = tpu.memref_slice %arg3[%dma_start3A_125, %mul3A_102] : memref<64x100000xf32, #tpu.memory_space<hbm>> -> memref<64x128xf32, #tpu.memory_space<hbm>>
    %dma_start3A_127 = tpu.memref_slice %arg13[%dma_start3A_120] : memref<4x!tpu.dma_semaphore, #tpu.memory_space<semaphore_mem>> -> memref<1x!tpu.dma_semaphore, #tpu.memory_space<semaphore_mem>>
    %dma_start3A_128 = tpu.memref_squeeze %dma_start3A_127 : memref<1x!tpu.dma_semaphore, #tpu.memory_space<semaphore_mem>> -> memref<!tpu.dma_semaphore, #tpu.memory_space<semaphore_mem>>
    %dma_start3A_129 = arith.constant 0 : i32
    %dma_start3A_130 = arith.constant 0 : i32
    %dma_start3A_131 = tpu.memref_slice %arg9[%dma_start3A_119, %dma_start3A_129, %dma_start3A_130] : memref<4x64x128xf32, #tpu.memory_space<vmem>> -> memref<1x64x128xf32, #tpu.memory_space<vmem>>
    %dma_start3A_132 = tpu.memref_squeeze %dma_start3A_131 : memref<1x64x128xf32, #tpu.memory_space<vmem>> -> memref<64x128xf32, #tpu.memory_space<vmem>>
    %dma_start3A_133 = arith.constant 0 : i32
    %dma_start3A_134 = tpu.memref_slice %arg3[%dma_start3A_133, %mul3A_102] : memref<64x100000xf32, #tpu.memory_space<hbm>> -> memref<64x128xf32, #tpu.memory_space<hbm>>
    tpu.enqueue_dma source(%dma_start3A_134 : memref<64x128xf32, #tpu.memory_space<hbm>>) target(%dma_start3A_132 : memref<64x128xf32, #tpu.memory_space<vmem>>) target_semaphore(%dma_start3A_128 : memref<!tpu.dma_semaphore, #tpu.memory_space<semaphore_mem>>)
    %add3A_135 = arith.constant 3 : i32
    %add3A_136 = arith.addi %mul3A_2, %add3A_135 : i32
    %add3A_137 = vector.broadcast %add3A_136 : i32 to vector<16xi32>
    %add3A_138 = arith.addi %broadcast_in_dim3A_5, %add3A_137 : vector<16xi32>
    %gather3A_139 = tpu.vector_load_idx %arg7[%add3A_138] : memref<1024xi32, #tpu.memory_space<vmem>>[vector<16xi32>], vector<16xi32>,
    %slice3A_140 = vector.extract_strided_slice %gather3A_139 {offsets = [0], sizes = [1], strides = [1]} : vector<16xi32> to vector<1xi32>
    %squeeze3A_141 = vector.extract %slice3A_140[0] : i32 from vector<1xi32>
    %shift_right_logical3A_142 = arith.constant 7 : i32
    %shift_right_logical3A_143 = arith.shrui %squeeze3A_141, %shift_right_logical3A_142 : i32
    %min3A_144 = arith.constant 780 : i32
    %min3A_145 = arith.minsi %shift_right_logical3A_143, %min3A_144 : i32
    %mul3A_146 = arith.constant 128 : i32
    %mul3A_147 = arith.muli %min3A_145, %mul3A_146 : i32
    %dma_start3A_148 = arith.constant 3 : i32
    %dma_start3A_149 = arith.constant 3 : i32
    %dma_start3A_150 = arith.constant 0 : i32
    %dma_start3A_151 = arith.constant 0 : i32
    %dma_start3A_152 = tpu.memref_slice %arg8[%dma_start3A_148, %dma_start3A_150, %dma_start3A_151] : memref<4x64x128xf32, #tpu.memory_space<vmem>> -> memref<1x64x128xf32, #tpu.memory_space<vmem>>
    %dma_start3A_153 = tpu.memref_squeeze %dma_start3A_152 : memref<1x64x128xf32, #tpu.memory_space<vmem>> -> memref<64x128xf32, #tpu.memory_space<vmem>>
    %dma_start3A_154 = arith.constant 0 : i32
    %dma_start3A_155 = tpu.memref_slice %arg2[%dma_start3A_154, %mul3A_147] : memref<64x100000xf32, #tpu.memory_space<hbm>> -> memref<64x128xf32, #tpu.memory_space<hbm>>
    %dma_start3A_156 = tpu.memref_slice %arg12[%dma_start3A_149] : memref<4x!tpu.dma_semaphore, #tpu.memory_space<semaphore_mem>> -> memref<1x!tpu.dma_semaphore, #tpu.memory_space<semaphore_mem>>
    %dma_start3A_157 = tpu.memref_squeeze %dma_start3A_156 : memref<1x!tpu.dma_semaphore, #tpu.memory_space<semaphore_mem>> -> memref<!tpu.dma_semaphore, #tpu.memory_space<semaphore_mem>>
    %dma_start3A_158 = arith.constant 0 : i32
    %dma_start3A_159 = arith.constant 0 : i32
    %dma_start3A_160 = tpu.memref_slice %arg8[%dma_start3A_148, %dma_start3A_158, %dma_start3A_159] : memref<4x64x128xf32, #tpu.memory_space<vmem>> -> memref<1x64x128xf32, #tpu.memory_space<vmem>>
    %dma_start3A_161 = tpu.memref_squeeze %dma_start3A_160 : memref<1x64x128xf32, #tpu.memory_space<vmem>> -> memref<64x128xf32, #tpu.memory_space<vmem>>
    %dma_start3A_162 = arith.constant 0 : i32
    %dma_start3A_163 = tpu.memref_slice %arg2[%dma_start3A_162, %mul3A_147] : memref<64x100000xf32, #tpu.memory_space<hbm>> -> memref<64x128xf32, #tpu.memory_space<hbm>>
    tpu.enqueue_dma source(%dma_start3A_163 : memref<64x128xf32, #tpu.memory_space<hbm>>) target(%dma_start3A_161 : memref<64x128xf32, #tpu.memory_space<vmem>>) target_semaphore(%dma_start3A_157 : memref<!tpu.dma_semaphore, #tpu.memory_space<semaphore_mem>>)
    %dma_start3A_164 = arith.constant 3 : i32
    %dma_start3A_165 = arith.constant 3 : i32
    %dma_start3A_166 = arith.constant 0 : i32
    %dma_start3A_167 = arith.constant 0 : i32
    %dma_start3A_168 = tpu.memref_slice %arg9[%dma_start3A_164, %dma_start3A_166, %dma_start3A_167] : memref<4x64x128xf32, #tpu.memory_space<vmem>> -> memref<1x64x128xf32, #tpu.memory_space<vmem>>
    %dma_start3A_169 = tpu.memref_squeeze %dma_start3A_168 : memref<1x64x128xf32, #tpu.memory_space<vmem>> -> memref<64x128xf32, #tpu.memory_space<vmem>>
    %dma_start3A_170 = arith.constant 0 : i32
    %dma_start3A_171 = tpu.memref_slice %arg3[%dma_start3A_170, %mul3A_147] : memref<64x100000xf32, #tpu.memory_space<hbm>> -> memref<64x128xf32, #tpu.memory_space<hbm>>
    %dma_start3A_172 = tpu.memref_slice %arg13[%dma_start3A_165] : memref<4x!tpu.dma_semaphore, #tpu.memory_space<semaphore_mem>> -> memref<1x!tpu.dma_semaphore, #tpu.memory_space<semaphore_mem>>
    %dma_start3A_173 = tpu.memref_squeeze %dma_start3A_172 : memref<1x!tpu.dma_semaphore, #tpu.memory_space<semaphore_mem>> -> memref<!tpu.dma_semaphore, #tpu.memory_space<semaphore_mem>>
    %dma_start3A_174 = arith.constant 0 : i32
    %dma_start3A_175 = arith.constant 0 : i32
    %dma_start3A_176 = tpu.memref_slice %arg9[%dma_start3A_164, %dma_start3A_174, %dma_start3A_175] : memref<4x64x128xf32, #tpu.memory_space<vmem>> -> memref<1x64x128xf32, #tpu.memory_space<vmem>>
    %dma_start3A_177 = tpu.memref_squeeze %dma_start3A_176 : memref<1x64x128xf32, #tpu.memory_space<vmem>> -> memref<64x128xf32, #tpu.memory_space<vmem>>
    %dma_start3A_178 = arith.constant 0 : i32
    %dma_start3A_179 = tpu.memref_slice %arg3[%dma_start3A_178, %mul3A_147] : memref<64x100000xf32, #tpu.memory_space<hbm>> -> memref<64x128xf32, #tpu.memory_space<hbm>>
    tpu.enqueue_dma source(%dma_start3A_179 : memref<64x128xf32, #tpu.memory_space<hbm>>) target(%dma_start3A_177 : memref<64x128xf32, #tpu.memory_space<vmem>>) target_semaphore(%dma_start3A_173 : memref<!tpu.dma_semaphore, #tpu.memory_space<semaphore_mem>>)
    %scan3A = arith.constant 0 : i32
    %scan3A_180 = arith.constant 0 : i32
    %scan3A_181 = arith.constant 7 : i32
    %scan3A_182 = arith.addi %scan3A_180, %scan3A_181 : i32
    %scan3A_183 = arith.constant 1 : i32
    %scan3A_184 = scf.for %scan3A_743 = %scan3A_180 to %scan3A_182 step %scan3A_183 iter_args(%scan3A_744 = %scan3A) -> (i32)  : i32 {
      %mul3A_745 = arith.constant 4 : i32
      %mul3A_746 = arith.muli %scan3A_743, %mul3A_745 : i32
      %add3A_747 = arith.constant 0 : i32
      %add3A_748 = arith.addi %mul3A_746, %add3A_747 : i32
      %dma_wait3A_749 = arith.constant 0 : i32
      %dma_wait3A_750 = arith.constant 0 : i32
      %dma_wait3A_751 = arith.constant 0 : i32
      %dma_wait3A_752 = arith.constant 0 : i32
      %dma_wait3A_753 = tpu.memref_slice %arg8[%dma_wait3A_749, %dma_wait3A_751, %dma_wait3A_752] : memref<4x64x128xf32, #tpu.memory_space<vmem>> -> memref<1x64x128xf32, #tpu.memory_space<vmem>>
      %dma_wait3A_754 = tpu.memref_squeeze %dma_wait3A_753 : memref<1x64x128xf32, #tpu.memory_space<vmem>> -> memref<64x128xf32, #tpu.memory_space<vmem>>
      %dma_wait3A_755 = arith.constant 0 : i32
      %dma_wait3A_756 = arith.constant 0 : i32
      %dma_wait3A_757 = tpu.memref_slice %arg2[%dma_wait3A_755, %dma_wait3A_756] : memref<64x100000xf32, #tpu.memory_space<hbm>> -> memref<64x128xf32, #tpu.memory_space<hbm>>
      %dma_wait3A_758 = tpu.memref_slice %arg12[%dma_wait3A_750] : memref<4x!tpu.dma_semaphore, #tpu.memory_space<semaphore_mem>> -> memref<1x!tpu.dma_semaphore, #tpu.memory_space<semaphore_mem>>
      %dma_wait3A_759 = tpu.memref_squeeze %dma_wait3A_758 : memref<1x!tpu.dma_semaphore, #tpu.memory_space<semaphore_mem>> -> memref<!tpu.dma_semaphore, #tpu.memory_space<semaphore_mem>>
      %dma_wait3A_760 = arith.constant 0 : i32
      %dma_wait3A_761 = arith.constant 0 : i32
      %dma_wait3A_762 = tpu.memref_slice %arg8[%dma_wait3A_749, %dma_wait3A_760, %dma_wait3A_761] : memref<4x64x128xf32, #tpu.memory_space<vmem>> -> memref<1x64x128xf32, #tpu.memory_space<vmem>>
      %dma_wait3A_763 = tpu.memref_squeeze %dma_wait3A_762 : memref<1x64x128xf32, #tpu.memory_space<vmem>> -> memref<64x128xf32, #tpu.memory_space<vmem>>
      %dma_wait3A_764 = arith.constant 0 : i32
      %dma_wait3A_765 = arith.constant 0 : i32
      %dma_wait3A_766 = tpu.memref_slice %arg2[%dma_wait3A_764, %dma_wait3A_765] : memref<64x100000xf32, #tpu.memory_space<hbm>> -> memref<64x128xf32, #tpu.memory_space<hbm>>
      tpu.wait_dma2 semaphore(%dma_wait3A_759 : memref<!tpu.dma_semaphore, #tpu.memory_space<semaphore_mem>>) src(%dma_wait3A_766 : memref<64x128xf32, #tpu.memory_space<hbm>>) dst(%dma_wait3A_763 : memref<64x128xf32, #tpu.memory_space<vmem>>)
      %dma_wait3A_767 = arith.constant 0 : i32
      %dma_wait3A_768 = arith.constant 0 : i32
      %dma_wait3A_769 = arith.constant 0 : i32
      %dma_wait3A_770 = arith.constant 0 : i32
      %dma_wait3A_771 = tpu.memref_slice %arg9[%dma_wait3A_767, %dma_wait3A_769, %dma_wait3A_770] : memref<4x64x128xf32, #tpu.memory_space<vmem>> -> memref<1x64x128xf32, #tpu.memory_space<vmem>>
      %dma_wait3A_772 = tpu.memref_squeeze %dma_wait3A_771 : memref<1x64x128xf32, #tpu.memory_space<vmem>> -> memref<64x128xf32, #tpu.memory_space<vmem>>
      %dma_wait3A_773 = arith.constant 0 : i32
      %dma_wait3A_774 = arith.constant 0 : i32
      %dma_wait3A_775 = tpu.memref_slice %arg3[%dma_wait3A_773, %dma_wait3A_774] : memref<64x100000xf32, #tpu.memory_space<hbm>> -> memref<64x128xf32, #tpu.memory_space<hbm>>
      %dma_wait3A_776 = tpu.memref_slice %arg13[%dma_wait3A_768] : memref<4x!tpu.dma_semaphore, #tpu.memory_space<semaphore_mem>> -> memref<1x!tpu.dma_semaphore, #tpu.memory_space<semaphore_mem>>
      %dma_wait3A_777 = tpu.memref_squeeze %dma_wait3A_776 : memref<1x!tpu.dma_semaphore, #tpu.memory_space<semaphore_mem>> -> memref<!tpu.dma_semaphore, #tpu.memory_space<semaphore_mem>>
      %dma_wait3A_778 = arith.constant 0 : i32
      %dma_wait3A_779 = arith.constant 0 : i32
      %dma_wait3A_780 = tpu.memref_slice %arg9[%dma_wait3A_767, %dma_wait3A_778, %dma_wait3A_779] : memref<4x64x128xf32, #tpu.memory_space<vmem>> -> memref<1x64x128xf32, #tpu.memory_space<vmem>>
      %dma_wait3A_781 = tpu.memref_squeeze %dma_wait3A_780 : memref<1x64x128xf32, #tpu.memory_space<vmem>> -> memref<64x128xf32, #tpu.memory_space<vmem>>
      %dma_wait3A_782 = arith.constant 0 : i32
      %dma_wait3A_783 = arith.constant 0 : i32
      %dma_wait3A_784 = tpu.memref_slice %arg3[%dma_wait3A_782, %dma_wait3A_783] : memref<64x100000xf32, #tpu.memory_space<hbm>> -> memref<64x128xf32, #tpu.memory_space<hbm>>
      tpu.wait_dma2 semaphore(%dma_wait3A_777 : memref<!tpu.dma_semaphore, #tpu.memory_space<semaphore_mem>>) src(%dma_wait3A_784 : memref<64x128xf32, #tpu.memory_space<hbm>>) dst(%dma_wait3A_781 : memref<64x128xf32, #tpu.memory_space<vmem>>)
      %add3A_785 = arith.addi %mul3A_2, %add3A_748 : i32
      %add3A_786 = vector.broadcast %add3A_785 : i32 to vector<16xi32>
      %add3A_787 = arith.addi %broadcast_in_dim3A_5, %add3A_786 : vector<16xi32>
      %gather3A_788 = tpu.vector_load_idx %arg7[%add3A_787] : memref<1024xi32, #tpu.memory_space<vmem>>[vector<16xi32>], vector<16xi32>,
      %slice3A_789 = vector.extract_strided_slice %gather3A_788 {offsets = [0], sizes = [1], strides = [1]} : vector<16xi32> to vector<1xi32>
      %squeeze3A_790 = vector.extract %slice3A_789[0] : i32 from vector<1xi32>
      %and3A_791 = arith.constant 127 : i32
      %and3A_792 = arith.andi %squeeze3A_790, %and3A_791 : i32
      %add3A_793 = vector.broadcast %and3A_792 : i32 to vector<16xi32>
      %add3A_794 = arith.addi %broadcast_in_dim3A_5, %add3A_793 : vector<16xi32>
      %add3A_795 = arith.constant 0 : i32
      %add3A_796 = vector.broadcast %add3A_795 : i32 to vector<16xi32>
      %add3A_797 = arith.addi %iota3A, %add3A_796 : vector<16xi32>
      %gather3A_798 = arith.constant 0 : i32
      %gather3A_799 = arith.constant 0 : i32
      %gather3A_800 = arith.constant 0 : i32
      %gather3A_801 = tpu.memref_slice %arg8[%gather3A_798, %gather3A_799, %gather3A_800] : memref<4x64x128xf32, #tpu.memory_space<vmem>> -> memref<1x64x128xf32, #tpu.memory_space<vmem>>
      %gather3A_802 = tpu.memref_squeeze %gather3A_801 : memref<1x64x128xf32, #tpu.memory_space<vmem>> -> memref<64x128xf32, #tpu.memory_space<vmem>>
      %gather3A_803 = tpu.vector_load_idx %gather3A_802[%add3A_797, %add3A_794] : memref<64x128xf32, #tpu.memory_space<vmem>>[vector<16xi32>, vector<16xi32>], vector<16xf32>,
      %mul3A_804 = arith.constant 128 : i32
      %mul3A_805 = arith.muli %add3A_748, %mul3A_804 : i32
      %add3A_806 = arith.constant 0 : i32
      %add3A_807 = arith.addi %mul3A_805, %add3A_806 : i32
      %swap3A_808 = arith.index_cast %add3A_807 : i32 to index
      %swap3A_809 = tpu.vector_load %arg10[%swap3A_808] {strides = array<i32>} : memref<4096xf32, #tpu.memory_space<vmem>>, vector<16xf32>,
      tpu.vector_store %arg10[%swap3A_808], %gather3A_803 {strides = array<i32>} : memref<4096xf32, #tpu.memory_space<vmem>>, vector<16xf32>,
      %gather3A_810 = arith.constant 0 : i32
      %gather3A_811 = arith.constant 0 : i32
      %gather3A_812 = arith.constant 0 : i32
      %gather3A_813 = tpu.memref_slice %arg9[%gather3A_810, %gather3A_811, %gather3A_812] : memref<4x64x128xf32, #tpu.memory_space<vmem>> -> memref<1x64x128xf32, #tpu.memory_space<vmem>>
      %gather3A_814 = tpu.memref_squeeze %gather3A_813 : memref<1x64x128xf32, #tpu.memory_space<vmem>> -> memref<64x128xf32, #tpu.memory_space<vmem>>
      %gather3A_815 = tpu.vector_load_idx %gather3A_814[%add3A_797, %add3A_794] : memref<64x128xf32, #tpu.memory_space<vmem>>[vector<16xi32>, vector<16xi32>], vector<16xf32>,
      %mul3A_816 = arith.constant 128 : i32
      %mul3A_817 = arith.muli %add3A_748, %mul3A_816 : i32
      %add3A_818 = arith.constant 0 : i32
      %add3A_819 = arith.addi %mul3A_817, %add3A_818 : i32
      %swap3A_820 = arith.index_cast %add3A_819 : i32 to index
      %swap3A_821 = tpu.vector_load %arg11[%swap3A_820] {strides = array<i32>} : memref<4096xf32, #tpu.memory_space<vmem>>, vector<16xf32>,
      tpu.vector_store %arg11[%swap3A_820], %gather3A_815 {strides = array<i32>} : memref<4096xf32, #tpu.memory_space<vmem>>, vector<16xf32>,
      %add3A_822 = arith.constant 16 : i32
      %add3A_823 = vector.broadcast %add3A_822 : i32 to vector<16xi32>
      %add3A_824 = arith.addi %iota3A, %add3A_823 : vector<16xi32>
      %gather3A_825 = arith.constant 0 : i32
      %gather3A_826 = arith.constant 0 : i32
      %gather3A_827 = arith.constant 0 : i32
      %gather3A_828 = tpu.memref_slice %arg8[%gather3A_825, %gather3A_826, %gather3A_827] : memref<4x64x128xf32, #tpu.memory_space<vmem>> -> memref<1x64x128xf32, #tpu.memory_space<vmem>>
      %gather3A_829 = tpu.memref_squeeze %gather3A_828 : memref<1x64x128xf32, #tpu.memory_space<vmem>> -> memref<64x128xf32, #tpu.memory_space<vmem>>
      %gather3A_830 = tpu.vector_load_idx %gather3A_829[%add3A_824, %add3A_794] : memref<64x128xf32, #tpu.memory_space<vmem>>[vector<16xi32>, vector<16xi32>], vector<16xf32>,
      %mul3A_831 = arith.constant 128 : i32
      %mul3A_832 = arith.muli %add3A_748, %mul3A_831 : i32
      %add3A_833 = arith.constant 16 : i32
      %add3A_834 = arith.addi %mul3A_832, %add3A_833 : i32
      %swap3A_835 = arith.index_cast %add3A_834 : i32 to index
      %swap3A_836 = tpu.vector_load %arg10[%swap3A_835] {strides = array<i32>} : memref<4096xf32, #tpu.memory_space<vmem>>, vector<16xf32>,
      tpu.vector_store %arg10[%swap3A_835], %gather3A_830 {strides = array<i32>} : memref<4096xf32, #tpu.memory_space<vmem>>, vector<16xf32>,
      %gather3A_837 = arith.constant 0 : i32
      %gather3A_838 = arith.constant 0 : i32
      %gather3A_839 = arith.constant 0 : i32
      %gather3A_840 = tpu.memref_slice %arg9[%gather3A_837, %gather3A_838, %gather3A_839] : memref<4x64x128xf32, #tpu.memory_space<vmem>> -> memref<1x64x128xf32, #tpu.memory_space<vmem>>
      %gather3A_841 = tpu.memref_squeeze %gather3A_840 : memref<1x64x128xf32, #tpu.memory_space<vmem>> -> memref<64x128xf32, #tpu.memory_space<vmem>>
      %gather3A_842 = tpu.vector_load_idx %gather3A_841[%add3A_824, %add3A_794] : memref<64x128xf32, #tpu.memory_space<vmem>>[vector<16xi32>, vector<16xi32>], vector<16xf32>,
      %mul3A_843 = arith.constant 128 : i32
      %mul3A_844 = arith.muli %add3A_748, %mul3A_843 : i32
      %add3A_845 = arith.constant 16 : i32
      %add3A_846 = arith.addi %mul3A_844, %add3A_845 : i32
      %swap3A_847 = arith.index_cast %add3A_846 : i32 to index
      %swap3A_848 = tpu.vector_load %arg11[%swap3A_847] {strides = array<i32>} : memref<4096xf32, #tpu.memory_space<vmem>>, vector<16xf32>,
      tpu.vector_store %arg11[%swap3A_847], %gather3A_842 {strides = array<i32>} : memref<4096xf32, #tpu.memory_space<vmem>>, vector<16xf32>,
      %add3A_849 = arith.constant 32 : i32
      %add3A_850 = vector.broadcast %add3A_849 : i32 to vector<16xi32>
      %add3A_851 = arith.addi %iota3A, %add3A_850 : vector<16xi32>
      %gather3A_852 = arith.constant 0 : i32
      %gather3A_853 = arith.constant 0 : i32
      %gather3A_854 = arith.constant 0 : i32
      %gather3A_855 = tpu.memref_slice %arg8[%gather3A_852, %gather3A_853, %gather3A_854] : memref<4x64x128xf32, #tpu.memory_space<vmem>> -> memref<1x64x128xf32, #tpu.memory_space<vmem>>
      %gather3A_856 = tpu.memref_squeeze %gather3A_855 : memref<1x64x128xf32, #tpu.memory_space<vmem>> -> memref<64x128xf32, #tpu.memory_space<vmem>>
      %gather3A_857 = tpu.vector_load_idx %gather3A_856[%add3A_851, %add3A_794] : memref<64x128xf32, #tpu.memory_space<vmem>>[vector<16xi32>, vector<16xi32>], vector<16xf32>,
      %mul3A_858 = arith.constant 128 : i32
      %mul3A_859 = arith.muli %add3A_748, %mul3A_858 : i32
      %add3A_860 = arith.constant 32 : i32
      %add3A_861 = arith.addi %mul3A_859, %add3A_860 : i32
      %swap3A_862 = arith.index_cast %add3A_861 : i32 to index
      %swap3A_863 = tpu.vector_load %arg10[%swap3A_862] {strides = array<i32>} : memref<4096xf32, #tpu.memory_space<vmem>>, vector<16xf32>,
      tpu.vector_store %arg10[%swap3A_862], %gather3A_857 {strides = array<i32>} : memref<4096xf32, #tpu.memory_space<vmem>>, vector<16xf32>,
      %gather3A_864 = arith.constant 0 : i32
      %gather3A_865 = arith.constant 0 : i32
      %gather3A_866 = arith.constant 0 : i32
      %gather3A_867 = tpu.memref_slice %arg9[%gather3A_864, %gather3A_865, %gather3A_866] : memref<4x64x128xf32, #tpu.memory_space<vmem>> -> memref<1x64x128xf32, #tpu.memory_space<vmem>>
      %gather3A_868 = tpu.memref_squeeze %gather3A_867 : memref<1x64x128xf32, #tpu.memory_space<vmem>> -> memref<64x128xf32, #tpu.memory_space<vmem>>
      %gather3A_869 = tpu.vector_load_idx %gather3A_868[%add3A_851, %add3A_794] : memref<64x128xf32, #tpu.memory_space<vmem>>[vector<16xi32>, vector<16xi32>], vector<16xf32>,
      %mul3A_870 = arith.constant 128 : i32
      %mul3A_871 = arith.muli %add3A_748, %mul3A_870 : i32
      %add3A_872 = arith.constant 32 : i32
      %add3A_873 = arith.addi %mul3A_871, %add3A_872 : i32
      %swap3A_874 = arith.index_cast %add3A_873 : i32 to index
      %swap3A_875 = tpu.vector_load %arg11[%swap3A_874] {strides = array<i32>} : memref<4096xf32, #tpu.memory_space<vmem>>, vector<16xf32>,
      tpu.vector_store %arg11[%swap3A_874], %gather3A_869 {strides = array<i32>} : memref<4096xf32, #tpu.memory_space<vmem>>, vector<16xf32>,
      %add3A_876 = arith.constant 48 : i32
      %add3A_877 = vector.broadcast %add3A_876 : i32 to vector<16xi32>
      %add3A_878 = arith.addi %iota3A, %add3A_877 : vector<16xi32>
      %gather3A_879 = arith.constant 0 : i32
      %gather3A_880 = arith.constant 0 : i32
      %gather3A_881 = arith.constant 0 : i32
      %gather3A_882 = tpu.memref_slice %arg8[%gather3A_879, %gather3A_880, %gather3A_881] : memref<4x64x128xf32, #tpu.memory_space<vmem>> -> memref<1x64x128xf32, #tpu.memory_space<vmem>>
      %gather3A_883 = tpu.memref_squeeze %gather3A_882 : memref<1x64x128xf32, #tpu.memory_space<vmem>> -> memref<64x128xf32, #tpu.memory_space<vmem>>
      %gather3A_884 = tpu.vector_load_idx %gather3A_883[%add3A_878, %add3A_794] : memref<64x128xf32, #tpu.memory_space<vmem>>[vector<16xi32>, vector<16xi32>], vector<16xf32>,
      %mul3A_885 = arith.constant 128 : i32
      %mul3A_886 = arith.muli %add3A_748, %mul3A_885 : i32
      %add3A_887 = arith.constant 48 : i32
      %add3A_888 = arith.addi %mul3A_886, %add3A_887 : i32
      %swap3A_889 = arith.index_cast %add3A_888 : i32 to index
      %swap3A_890 = tpu.vector_load %arg10[%swap3A_889] {strides = array<i32>} : memref<4096xf32, #tpu.memory_space<vmem>>, vector<16xf32>,
      tpu.vector_store %arg10[%swap3A_889], %gather3A_884 {strides = array<i32>} : memref<4096xf32, #tpu.memory_space<vmem>>, vector<16xf32>,
      %gather3A_891 = arith.constant 0 : i32
      %gather3A_892 = arith.constant 0 : i32
      %gather3A_893 = arith.constant 0 : i32
      %gather3A_894 = tpu.memref_slice %arg9[%gather3A_891, %gather3A_892, %gather3A_893] : memref<4x64x128xf32, #tpu.memory_space<vmem>> -> memref<1x64x128xf32, #tpu.memory_space<vmem>>
      %gather3A_895 = tpu.memref_squeeze %gather3A_894 : memref<1x64x128xf32, #tpu.memory_space<vmem>> -> memref<64x128xf32, #tpu.memory_space<vmem>>
      %gather3A_896 = tpu.vector_load_idx %gather3A_895[%add3A_878, %add3A_794] : memref<64x128xf32, #tpu.memory_space<vmem>>[vector<16xi32>, vector<16xi32>], vector<16xf32>,
      %mul3A_897 = arith.constant 128 : i32
      %mul3A_898 = arith.muli %add3A_748, %mul3A_897 : i32
      %add3A_899 = arith.constant 48 : i32
      %add3A_900 = arith.addi %mul3A_898, %add3A_899 : i32
      %swap3A_901 = arith.index_cast %add3A_900 : i32 to index
      %swap3A_902 = tpu.vector_load %arg11[%swap3A_901] {strides = array<i32>} : memref<4096xf32, #tpu.memory_space<vmem>>, vector<16xf32>,
      tpu.vector_store %arg11[%swap3A_901], %gather3A_896 {strides = array<i32>} : memref<4096xf32, #tpu.memory_space<vmem>>, vector<16xf32>,
      %mul3A_903 = arith.constant 128 : i32
      %mul3A_904 = arith.muli %add3A_748, %mul3A_903 : i32
      %add3A_905 = arith.constant 64 : i32
      %add3A_906 = arith.addi %mul3A_904, %add3A_905 : i32
      %swap3A_907 = arith.index_cast %add3A_906 : i32 to index
      %swap3A_908 = tpu.vector_load %arg10[%swap3A_907] {strides = array<i32>} : memref<4096xf32, #tpu.memory_space<vmem>>, vector<16xf32>,
      tpu.vector_store %arg10[%swap3A_907], %broadcast_in_dim3A_3 {strides = array<i32>} : memref<4096xf32, #tpu.memory_space<vmem>>, vector<16xf32>,
      %mul3A_909 = arith.constant 128 : i32
      %mul3A_910 = arith.muli %add3A_748, %mul3A_909 : i32
      %add3A_911 = arith.constant 64 : i32
      %add3A_912 = arith.addi %mul3A_910, %add3A_911 : i32
      %swap3A_913 = arith.index_cast %add3A_912 : i32 to index
      %swap3A_914 = tpu.vector_load %arg11[%swap3A_913] {strides = array<i32>} : memref<4096xf32, #tpu.memory_space<vmem>>, vector<16xf32>,
      tpu.vector_store %arg11[%swap3A_913], %broadcast_in_dim3A_3 {strides = array<i32>} : memref<4096xf32, #tpu.memory_space<vmem>>, vector<16xf32>,
      %mul3A_915 = arith.constant 128 : i32
      %mul3A_916 = arith.muli %add3A_748, %mul3A_915 : i32
      %add3A_917 = arith.constant 80 : i32
      %add3A_918 = arith.addi %mul3A_916, %add3A_917 : i32
      %swap3A_919 = arith.index_cast %add3A_918 : i32 to index
      %swap3A_920 = tpu.vector_load %arg10[%swap3A_919] {strides = array<i32>} : memref<4096xf32, #tpu.memory_space<vmem>>, vector<16xf32>,
      tpu.vector_store %arg10[%swap3A_919], %broadcast_in_dim3A_3 {strides = array<i32>} : memref<4096xf32, #tpu.memory_space<vmem>>, vector<16xf32>,
      %mul3A_921 = arith.constant 128 : i32
      %mul3A_922 = arith.muli %add3A_748, %mul3A_921 : i32
      %add3A_923 = arith.constant 80 : i32
      %add3A_924 = arith.addi %mul3A_922, %add3A_923 : i32
      %swap3A_925 = arith.index_cast %add3A_924 : i32 to index
      %swap3A_926 = tpu.vector_load %arg11[%swap3A_925] {strides = array<i32>} : memref<4096xf32, #tpu.memory_space<vmem>>, vector<16xf32>,
      tpu.vector_store %arg11[%swap3A_925], %broadcast_in_dim3A_3 {strides = array<i32>} : memref<4096xf32, #tpu.memory_space<vmem>>, vector<16xf32>,
      %mul3A_927 = arith.constant 128 : i32
      %mul3A_928 = arith.muli %add3A_748, %mul3A_927 : i32
      %add3A_929 = arith.constant 96 : i32
      %add3A_930 = arith.addi %mul3A_928, %add3A_929 : i32
      %swap3A_931 = arith.index_cast %add3A_930 : i32 to index
      %swap3A_932 = tpu.vector_load %arg10[%swap3A_931] {strides = array<i32>} : memref<4096xf32, #tpu.memory_space<vmem>>, vector<16xf32>,
      tpu.vector_store %arg10[%swap3A_931], %broadcast_in_dim3A_3 {strides = array<i32>} : memref<4096xf32, #tpu.memory_space<vmem>>, vector<16xf32>,
      %mul3A_933 = arith.constant 128 : i32
      %mul3A_934 = arith.muli %add3A_748, %mul3A_933 : i32
      %add3A_935 = arith.constant 96 : i32
      %add3A_936 = arith.addi %mul3A_934, %add3A_935 : i32
      %swap3A_937 = arith.index_cast %add3A_936 : i32 to index
      %swap3A_938 = tpu.vector_load %arg11[%swap3A_937] {strides = array<i32>} : memref<4096xf32, #tpu.memory_space<vmem>>, vector<16xf32>,
      tpu.vector_store %arg11[%swap3A_937], %broadcast_in_dim3A_3 {strides = array<i32>} : memref<4096xf32, #tpu.memory_space<vmem>>, vector<16xf32>,
      %mul3A_939 = arith.constant 128 : i32
      %mul3A_940 = arith.muli %add3A_748, %mul3A_939 : i32
      %add3A_941 = arith.constant 112 : i32
      %add3A_942 = arith.addi %mul3A_940, %add3A_941 : i32
      %swap3A_943 = arith.index_cast %add3A_942 : i32 to index
      %swap3A_944 = tpu.vector_load %arg10[%swap3A_943] {strides = array<i32>} : memref<4096xf32, #tpu.memory_space<vmem>>, vector<16xf32>,
      tpu.vector_store %arg10[%swap3A_943], %broadcast_in_dim3A_3 {strides = array<i32>} : memref<4096xf32, #tpu.memory_space<vmem>>, vector<16xf32>,
      %mul3A_945 = arith.constant 128 : i32
      %mul3A_946 = arith.muli %add3A_748, %mul3A_945 : i32
      %add3A_947 = arith.constant 112 : i32
      %add3A_948 = arith.addi %mul3A_946, %add3A_947 : i32
      %swap3A_949 = arith.index_cast %add3A_948 : i32 to index
      %swap3A_950 = tpu.vector_load %arg11[%swap3A_949] {strides = array<i32>} : memref<4096xf32, #tpu.memory_space<vmem>>, vector<16xf32>,
      tpu.vector_store %arg11[%swap3A_949], %broadcast_in_dim3A_3 {strides = array<i32>} : memref<4096xf32, #tpu.memory_space<vmem>>, vector<16xf32>,
      %add3A_951 = arith.constant 4 : i32
      %add3A_952 = arith.addi %add3A_748, %add3A_951 : i32
      %add3A_953 = arith.addi %mul3A_2, %add3A_952 : i32
      %add3A_954 = vector.broadcast %add3A_953 : i32 to vector<16xi32>
      %add3A_955 = arith.addi %broadcast_in_dim3A_5, %add3A_954 : vector<16xi32>
      %gather3A_956 = tpu.vector_load_idx %arg7[%add3A_955] : memref<1024xi32, #tpu.memory_space<vmem>>[vector<16xi32>], vector<16xi32>,
      %slice3A_957 = vector.extract_strided_slice %gather3A_956 {offsets = [0], sizes = [1], strides = [1]} : vector<16xi32> to vector<1xi32>
      %squeeze3A_958 = vector.extract %slice3A_957[0] : i32 from vector<1xi32>
      %shift_right_logical3A_959 = arith.constant 7 : i32
      %shift_right_logical3A_960 = arith.shrui %squeeze3A_958, %shift_right_logical3A_959 : i32
      %min3A_961 = arith.constant 780 : i32
      %min3A_962 = arith.minsi %shift_right_logical3A_960, %min3A_961 : i32
      %mul3A_963 = arith.constant 128 : i32
      %mul3A_964 = arith.muli %min3A_962, %mul3A_963 : i32
      %dma_start3A_965 = arith.constant 0 : i32
      %dma_start3A_966 = arith.constant 0 : i32
      %dma_start3A_967 = arith.constant 0 : i32
      %dma_start3A_968 = arith.constant 0 : i32
      %dma_start3A_969 = tpu.memref_slice %arg8[%dma_start3A_965, %dma_start3A_967, %dma_start3A_968] : memref<4x64x128xf32, #tpu.memory_space<vmem>> -> memref<1x64x128xf32, #tpu.memory_space<vmem>>
      %dma_start3A_970 = tpu.memref_squeeze %dma_start3A_969 : memref<1x64x128xf32, #tpu.memory_space<vmem>> -> memref<64x128xf32, #tpu.memory_space<vmem>>
      %dma_start3A_971 = arith.constant 0 : i32
      %dma_start3A_972 = tpu.memref_slice %arg2[%dma_start3A_971, %mul3A_964] : memref<64x100000xf32, #tpu.memory_space<hbm>> -> memref<64x128xf32, #tpu.memory_space<hbm>>
      %dma_start3A_973 = tpu.memref_slice %arg12[%dma_start3A_966] : memref<4x!tpu.dma_semaphore, #tpu.memory_space<semaphore_mem>> -> memref<1x!tpu.dma_semaphore, #tpu.memory_space<semaphore_mem>>
      %dma_start3A_974 = tpu.memref_squeeze %dma_start3A_973 : memref<1x!tpu.dma_semaphore, #tpu.memory_space<semaphore_mem>> -> memref<!tpu.dma_semaphore, #tpu.memory_space<semaphore_mem>>
      %dma_start3A_975 = arith.constant 0 : i32
      %dma_start3A_976 = arith.constant 0 : i32
      %dma_start3A_977 = tpu.memref_slice %arg8[%dma_start3A_965, %dma_start3A_975, %dma_start3A_976] : memref<4x64x128xf32, #tpu.memory_space<vmem>> -> memref<1x64x128xf32, #tpu.memory_space<vmem>>
      %dma_start3A_978 = tpu.memref_squeeze %dma_start3A_977 : memref<1x64x128xf32, #tpu.memory_space<vmem>> -> memref<64x128xf32, #tpu.memory_space<vmem>>
      %dma_start3A_979 = arith.constant 0 : i32
      %dma_start3A_980 = tpu.memref_slice %arg2[%dma_start3A_979, %mul3A_964] : memref<64x100000xf32, #tpu.memory_space<hbm>> -> memref<64x128xf32, #tpu.memory_space<hbm>>
      tpu.enqueue_dma source(%dma_start3A_980 : memref<64x128xf32, #tpu.memory_space<hbm>>) target(%dma_start3A_978 : memref<64x128xf32, #tpu.memory_space<vmem>>) target_semaphore(%dma_start3A_974 : memref<!tpu.dma_semaphore, #tpu.memory_space<semaphore_mem>>)
      %dma_start3A_981 = arith.constant 0 : i32
      %dma_start3A_982 = arith.constant 0 : i32
      %dma_start3A_983 = arith.constant 0 : i32
      %dma_start3A_984 = arith.constant 0 : i32
      %dma_start3A_985 = tpu.memref_slice %arg9[%dma_start3A_981, %dma_start3A_983, %dma_start3A_984] : memref<4x64x128xf32, #tpu.memory_space<vmem>> -> memref<1x64x128xf32, #tpu.memory_space<vmem>>
      %dma_start3A_986 = tpu.memref_squeeze %dma_start3A_985 : memref<1x64x128xf32, #tpu.memory_space<vmem>> -> memref<64x128xf32, #tpu.memory_space<vmem>>
      %dma_start3A_987 = arith.constant 0 : i32
      %dma_start3A_988 = tpu.memref_slice %arg3[%dma_start3A_987, %mul3A_964] : memref<64x100000xf32, #tpu.memory_space<hbm>> -> memref<64x128xf32, #tpu.memory_space<hbm>>
      %dma_start3A_989 = tpu.memref_slice %arg13[%dma_start3A_982] : memref<4x!tpu.dma_semaphore, #tpu.memory_space<semaphore_mem>> -> memref<1x!tpu.dma_semaphore, #tpu.memory_space<semaphore_mem>>
      %dma_start3A_990 = tpu.memref_squeeze %dma_start3A_989 : memref<1x!tpu.dma_semaphore, #tpu.memory_space<semaphore_mem>> -> memref<!tpu.dma_semaphore, #tpu.memory_space<semaphore_mem>>
      %dma_start3A_991 = arith.constant 0 : i32
      %dma_start3A_992 = arith.constant 0 : i32
      %dma_start3A_993 = tpu.memref_slice %arg9[%dma_start3A_981, %dma_start3A_991, %dma_start3A_992] : memref<4x64x128xf32, #tpu.memory_space<vmem>> -> memref<1x64x128xf32, #tpu.memory_space<vmem>>
      %dma_start3A_994 = tpu.memref_squeeze %dma_start3A_993 : memref<1x64x128xf32, #tpu.memory_space<vmem>> -> memref<64x128xf32, #tpu.memory_space<vmem>>
      %dma_start3A_995 = arith.constant 0 : i32
      %dma_start3A_996 = tpu.memref_slice %arg3[%dma_start3A_995, %mul3A_964] : memref<64x100000xf32, #tpu.memory_space<hbm>> -> memref<64x128xf32, #tpu.memory_space<hbm>>
      tpu.enqueue_dma source(%dma_start3A_996 : memref<64x128xf32, #tpu.memory_space<hbm>>) target(%dma_start3A_994 : memref<64x128xf32, #tpu.memory_space<vmem>>) target_semaphore(%dma_start3A_990 : memref<!tpu.dma_semaphore, #tpu.memory_space<semaphore_mem>>)
      %mul3A_997 = arith.constant 4 : i32
      %mul3A_998 = arith.muli %scan3A_743, %mul3A_997 : i32
      %add3A_999 = arith.constant 1 : i32
      %add3A_1000 = arith.addi %mul3A_998, %add3A_999 : i32
      %dma_wait3A_1001 = arith.constant 1 : i32
      %dma_wait3A_1002 = arith.constant 1 : i32
      %dma_wait3A_1003 = arith.constant 0 : i32
      %dma_wait3A_1004 = arith.constant 0 : i32
      %dma_wait3A_1005 = tpu.memref_slice %arg8[%dma_wait3A_1001, %dma_wait3A_1003, %dma_wait3A_1004] : memref<4x64x128xf32, #tpu.memory_space<vmem>> -> memref<1x64x128xf32, #tpu.memory_space<vmem>>
      %dma_wait3A_1006 = tpu.memref_squeeze %dma_wait3A_1005 : memref<1x64x128xf32, #tpu.memory_space<vmem>> -> memref<64x128xf32, #tpu.memory_space<vmem>>
      %dma_wait3A_1007 = arith.constant 0 : i32
      %dma_wait3A_1008 = arith.constant 0 : i32
      %dma_wait3A_1009 = tpu.memref_slice %arg2[%dma_wait3A_1007, %dma_wait3A_1008] : memref<64x100000xf32, #tpu.memory_space<hbm>> -> memref<64x128xf32, #tpu.memory_space<hbm>>
      %dma_wait3A_1010 = tpu.memref_slice %arg12[%dma_wait3A_1002] : memref<4x!tpu.dma_semaphore, #tpu.memory_space<semaphore_mem>> -> memref<1x!tpu.dma_semaphore, #tpu.memory_space<semaphore_mem>>
      %dma_wait3A_1011 = tpu.memref_squeeze %dma_wait3A_1010 : memref<1x!tpu.dma_semaphore, #tpu.memory_space<semaphore_mem>> -> memref<!tpu.dma_semaphore, #tpu.memory_space<semaphore_mem>>
      %dma_wait3A_1012 = arith.constant 0 : i32
      %dma_wait3A_1013 = arith.constant 0 : i32
      %dma_wait3A_1014 = tpu.memref_slice %arg8[%dma_wait3A_1001, %dma_wait3A_1012, %dma_wait3A_1013] : memref<4x64x128xf32, #tpu.memory_space<vmem>> -> memref<1x64x128xf32, #tpu.memory_space<vmem>>
      %dma_wait3A_1015 = tpu.memref_squeeze %dma_wait3A_1014 : memref<1x64x128xf32, #tpu.memory_space<vmem>> -> memref<64x128xf32, #tpu.memory_space<vmem>>
      %dma_wait3A_1016 = arith.constant 0 : i32
      %dma_wait3A_1017 = arith.constant 0 : i32
      %dma_wait3A_1018 = tpu.memref_slice %arg2[%dma_wait3A_1016, %dma_wait3A_1017] : memref<64x100000xf32, #tpu.memory_space<hbm>> -> memref<64x128xf32, #tpu.memory_space<hbm>>
      tpu.wait_dma2 semaphore(%dma_wait3A_1011 : memref<!tpu.dma_semaphore, #tpu.memory_space<semaphore_mem>>) src(%dma_wait3A_1018 : memref<64x128xf32, #tpu.memory_space<hbm>>) dst(%dma_wait3A_1015 : memref<64x128xf32, #tpu.memory_space<vmem>>)
      %dma_wait3A_1019 = arith.constant 1 : i32
      %dma_wait3A_1020 = arith.constant 1 : i32
      %dma_wait3A_1021 = arith.constant 0 : i32
      %dma_wait3A_1022 = arith.constant 0 : i32
      %dma_wait3A_1023 = tpu.memref_slice %arg9[%dma_wait3A_1019, %dma_wait3A_1021, %dma_wait3A_1022] : memref<4x64x128xf32, #tpu.memory_space<vmem>> -> memref<1x64x128xf32, #tpu.memory_space<vmem>>
      %dma_wait3A_1024 = tpu.memref_squeeze %dma_wait3A_1023 : memref<1x64x128xf32, #tpu.memory_space<vmem>> -> memref<64x128xf32, #tpu.memory_space<vmem>>
      %dma_wait3A_1025 = arith.constant 0 : i32
      %dma_wait3A_1026 = arith.constant 0 : i32
      %dma_wait3A_1027 = tpu.memref_slice %arg3[%dma_wait3A_1025, %dma_wait3A_1026] : memref<64x100000xf32, #tpu.memory_space<hbm>> -> memref<64x128xf32, #tpu.memory_space<hbm>>
      %dma_wait3A_1028 = tpu.memref_slice %arg13[%dma_wait3A_1020] : memref<4x!tpu.dma_semaphore, #tpu.memory_space<semaphore_mem>> -> memref<1x!tpu.dma_semaphore, #tpu.memory_space<semaphore_mem>>
      %dma_wait3A_1029 = tpu.memref_squeeze %dma_wait3A_1028 : memref<1x!tpu.dma_semaphore, #tpu.memory_space<semaphore_mem>> -> memref<!tpu.dma_semaphore, #tpu.memory_space<semaphore_mem>>
      %dma_wait3A_1030 = arith.constant 0 : i32
      %dma_wait3A_1031 = arith.constant 0 : i32
      %dma_wait3A_1032 = tpu.memref_slice %arg9[%dma_wait3A_1019, %dma_wait3A_1030, %dma_wait3A_1031] : memref<4x64x128xf32, #tpu.memory_space<vmem>> -> memref<1x64x128xf32, #tpu.memory_space<vmem>>
      %dma_wait3A_1033 = tpu.memref_squeeze %dma_wait3A_1032 : memref<1x64x128xf32, #tpu.memory_space<vmem>> -> memref<64x128xf32, #tpu.memory_space<vmem>>
      %dma_wait3A_1034 = arith.constant 0 : i32
      %dma_wait3A_1035 = arith.constant 0 : i32
      %dma_wait3A_1036 = tpu.memref_slice %arg3[%dma_wait3A_1034, %dma_wait3A_1035] : memref<64x100000xf32, #tpu.memory_space<hbm>> -> memref<64x128xf32, #tpu.memory_space<hbm>>
      tpu.wait_dma2 semaphore(%dma_wait3A_1029 : memref<!tpu.dma_semaphore, #tpu.memory_space<semaphore_mem>>) src(%dma_wait3A_1036 : memref<64x128xf32, #tpu.memory_space<hbm>>) dst(%dma_wait3A_1033 : memref<64x128xf32, #tpu.memory_space<vmem>>)
      %add3A_1037 = arith.addi %mul3A_2, %add3A_1000 : i32
      %add3A_1038 = vector.broadcast %add3A_1037 : i32 to vector<16xi32>
      %add3A_1039 = arith.addi %broadcast_in_dim3A_5, %add3A_1038 : vector<16xi32>
      %gather3A_1040 = tpu.vector_load_idx %arg7[%add3A_1039] : memref<1024xi32, #tpu.memory_space<vmem>>[vector<16xi32>], vector<16xi32>,
      %slice3A_1041 = vector.extract_strided_slice %gather3A_1040 {offsets = [0], sizes = [1], strides = [1]} : vector<16xi32> to vector<1xi32>
      %squeeze3A_1042 = vector.extract %slice3A_1041[0] : i32 from vector<1xi32>
      %and3A_1043 = arith.constant 127 : i32
      %and3A_1044 = arith.andi %squeeze3A_1042, %and3A_1043 : i32
      %add3A_1045 = vector.broadcast %and3A_1044 : i32 to vector<16xi32>
      %add3A_1046 = arith.addi %broadcast_in_dim3A_5, %add3A_1045 : vector<16xi32>
      %add3A_1047 = arith.constant 0 : i32
      %add3A_1048 = vector.broadcast %add3A_1047 : i32 to vector<16xi32>
      %add3A_1049 = arith.addi %iota3A, %add3A_1048 : vector<16xi32>
      %gather3A_1050 = arith.constant 1 : i32
      %gather3A_1051 = arith.constant 0 : i32
      %gather3A_1052 = arith.constant 0 : i32
      %gather3A_1053 = tpu.memref_slice %arg8[%gather3A_1050, %gather3A_1051, %gather3A_1052] : memref<4x64x128xf32, #tpu.memory_space<vmem>> -> memref<1x64x128xf32, #tpu.memory_space<vmem>>
      %gather3A_1054 = tpu.memref_squeeze %gather3A_1053 : memref<1x64x128xf32, #tpu.memory_space<vmem>> -> memref<64x128xf32, #tpu.memory_space<vmem>>
      %gather3A_1055 = tpu.vector_load_idx %gather3A_1054[%add3A_1049, %add3A_1046] : memref<64x128xf32, #tpu.memory_space<vmem>>[vector<16xi32>, vector<16xi32>], vector<16xf32>,
      %mul3A_1056 = arith.constant 128 : i32
      %mul3A_1057 = arith.muli %add3A_1000, %mul3A_1056 : i32
      %add3A_1058 = arith.constant 0 : i32
      %add3A_1059 = arith.addi %mul3A_1057, %add3A_1058 : i32
      %swap3A_1060 = arith.index_cast %add3A_1059 : i32 to index
      %swap3A_1061 = tpu.vector_load %arg10[%swap3A_1060] {strides = array<i32>} : memref<4096xf32, #tpu.memory_space<vmem>>, vector<16xf32>,
      tpu.vector_store %arg10[%swap3A_1060], %gather3A_1055 {strides = array<i32>} : memref<4096xf32, #tpu.memory_space<vmem>>, vector<16xf32>,
      %gather3A_1062 = arith.constant 1 : i32
      %gather3A_1063 = arith.constant 0 : i32
      %gather3A_1064 = arith.constant 0 : i32
      %gather3A_1065 = tpu.memref_slice %arg9[%gather3A_1062, %gather3A_1063, %gather3A_1064] : memref<4x64x128xf32, #tpu.memory_space<vmem>> -> memref<1x64x128xf32, #tpu.memory_space<vmem>>
      %gather3A_1066 = tpu.memref_squeeze %gather3A_1065 : memref<1x64x128xf32, #tpu.memory_space<vmem>> -> memref<64x128xf32, #tpu.memory_space<vmem>>
      %gather3A_1067 = tpu.vector_load_idx %gather3A_1066[%add3A_1049, %add3A_1046] : memref<64x128xf32, #tpu.memory_space<vmem>>[vector<16xi32>, vector<16xi32>], vector<16xf32>,
      %mul3A_1068 = arith.constant 128 : i32
      %mul3A_1069 = arith.muli %add3A_1000, %mul3A_1068 : i32
      %add3A_1070 = arith.constant 0 : i32
      %add3A_1071 = arith.addi %mul3A_1069, %add3A_1070 : i32
      %swap3A_1072 = arith.index_cast %add3A_1071 : i32 to index
      %swap3A_1073 = tpu.vector_load %arg11[%swap3A_1072] {strides = array<i32>} : memref<4096xf32, #tpu.memory_space<vmem>>, vector<16xf32>,
      tpu.vector_store %arg11[%swap3A_1072], %gather3A_1067 {strides = array<i32>} : memref<4096xf32, #tpu.memory_space<vmem>>, vector<16xf32>,
      %add3A_1074 = arith.constant 16 : i32
      %add3A_1075 = vector.broadcast %add3A_1074 : i32 to vector<16xi32>
      %add3A_1076 = arith.addi %iota3A, %add3A_1075 : vector<16xi32>
      %gather3A_1077 = arith.constant 1 : i32
      %gather3A_1078 = arith.constant 0 : i32
      %gather3A_1079 = arith.constant 0 : i32
      %gather3A_1080 = tpu.memref_slice %arg8[%gather3A_1077, %gather3A_1078, %gather3A_1079] : memref<4x64x128xf32, #tpu.memory_space<vmem>> -> memref<1x64x128xf32, #tpu.memory_space<vmem>>
      %gather3A_1081 = tpu.memref_squeeze %gather3A_1080 : memref<1x64x128xf32, #tpu.memory_space<vmem>> -> memref<64x128xf32, #tpu.memory_space<vmem>>
      %gather3A_1082 = tpu.vector_load_idx %gather3A_1081[%add3A_1076, %add3A_1046] : memref<64x128xf32, #tpu.memory_space<vmem>>[vector<16xi32>, vector<16xi32>], vector<16xf32>,
      %mul3A_1083 = arith.constant 128 : i32
      %mul3A_1084 = arith.muli %add3A_1000, %mul3A_1083 : i32
      %add3A_1085 = arith.constant 16 : i32
      %add3A_1086 = arith.addi %mul3A_1084, %add3A_1085 : i32
      %swap3A_1087 = arith.index_cast %add3A_1086 : i32 to index
      %swap3A_1088 = tpu.vector_load %arg10[%swap3A_1087] {strides = array<i32>} : memref<4096xf32, #tpu.memory_space<vmem>>, vector<16xf32>,
      tpu.vector_store %arg10[%swap3A_1087], %gather3A_1082 {strides = array<i32>} : memref<4096xf32, #tpu.memory_space<vmem>>, vector<16xf32>,
      %gather3A_1089 = arith.constant 1 : i32
      %gather3A_1090 = arith.constant 0 : i32
      %gather3A_1091 = arith.constant 0 : i32
      %gather3A_1092 = tpu.memref_slice %arg9[%gather3A_1089, %gather3A_1090, %gather3A_1091] : memref<4x64x128xf32, #tpu.memory_space<vmem>> -> memref<1x64x128xf32, #tpu.memory_space<vmem>>
      %gather3A_1093 = tpu.memref_squeeze %gather3A_1092 : memref<1x64x128xf32, #tpu.memory_space<vmem>> -> memref<64x128xf32, #tpu.memory_space<vmem>>
      %gather3A_1094 = tpu.vector_load_idx %gather3A_1093[%add3A_1076, %add3A_1046] : memref<64x128xf32, #tpu.memory_space<vmem>>[vector<16xi32>, vector<16xi32>], vector<16xf32>,
      %mul3A_1095 = arith.constant 128 : i32
      %mul3A_1096 = arith.muli %add3A_1000, %mul3A_1095 : i32
      %add3A_1097 = arith.constant 16 : i32
      %add3A_1098 = arith.addi %mul3A_1096, %add3A_1097 : i32
      %swap3A_1099 = arith.index_cast %add3A_1098 : i32 to index
      %swap3A_1100 = tpu.vector_load %arg11[%swap3A_1099] {strides = array<i32>} : memref<4096xf32, #tpu.memory_space<vmem>>, vector<16xf32>,
      tpu.vector_store %arg11[%swap3A_1099], %gather3A_1094 {strides = array<i32>} : memref<4096xf32, #tpu.memory_space<vmem>>, vector<16xf32>,
      %add3A_1101 = arith.constant 32 : i32
      %add3A_1102 = vector.broadcast %add3A_1101 : i32 to vector<16xi32>
      %add3A_1103 = arith.addi %iota3A, %add3A_1102 : vector<16xi32>
      %gather3A_1104 = arith.constant 1 : i32
      %gather3A_1105 = arith.constant 0 : i32
      %gather3A_1106 = arith.constant 0 : i32
      %gather3A_1107 = tpu.memref_slice %arg8[%gather3A_1104, %gather3A_1105, %gather3A_1106] : memref<4x64x128xf32, #tpu.memory_space<vmem>> -> memref<1x64x128xf32, #tpu.memory_space<vmem>>
      %gather3A_1108 = tpu.memref_squeeze %gather3A_1107 : memref<1x64x128xf32, #tpu.memory_space<vmem>> -> memref<64x128xf32, #tpu.memory_space<vmem>>
      %gather3A_1109 = tpu.vector_load_idx %gather3A_1108[%add3A_1103, %add3A_1046] : memref<64x128xf32, #tpu.memory_space<vmem>>[vector<16xi32>, vector<16xi32>], vector<16xf32>,
      %mul3A_1110 = arith.constant 128 : i32
      %mul3A_1111 = arith.muli %add3A_1000, %mul3A_1110 : i32
      %add3A_1112 = arith.constant 32 : i32
      %add3A_1113 = arith.addi %mul3A_1111, %add3A_1112 : i32
      %swap3A_1114 = arith.index_cast %add3A_1113 : i32 to index
      %swap3A_1115 = tpu.vector_load %arg10[%swap3A_1114] {strides = array<i32>} : memref<4096xf32, #tpu.memory_space<vmem>>, vector<16xf32>,
      tpu.vector_store %arg10[%swap3A_1114], %gather3A_1109 {strides = array<i32>} : memref<4096xf32, #tpu.memory_space<vmem>>, vector<16xf32>,
      %gather3A_1116 = arith.constant 1 : i32
      %gather3A_1117 = arith.constant 0 : i32
      %gather3A_1118 = arith.constant 0 : i32
      %gather3A_1119 = tpu.memref_slice %arg9[%gather3A_1116, %gather3A_1117, %gather3A_1118] : memref<4x64x128xf32, #tpu.memory_space<vmem>> -> memref<1x64x128xf32, #tpu.memory_space<vmem>>
      %gather3A_1120 = tpu.memref_squeeze %gather3A_1119 : memref<1x64x128xf32, #tpu.memory_space<vmem>> -> memref<64x128xf32, #tpu.memory_space<vmem>>
      %gather3A_1121 = tpu.vector_load_idx %gather3A_1120[%add3A_1103, %add3A_1046] : memref<64x128xf32, #tpu.memory_space<vmem>>[vector<16xi32>, vector<16xi32>], vector<16xf32>,
      %mul3A_1122 = arith.constant 128 : i32
      %mul3A_1123 = arith.muli %add3A_1000, %mul3A_1122 : i32
      %add3A_1124 = arith.constant 32 : i32
      %add3A_1125 = arith.addi %mul3A_1123, %add3A_1124 : i32
      %swap3A_1126 = arith.index_cast %add3A_1125 : i32 to index
      %swap3A_1127 = tpu.vector_load %arg11[%swap3A_1126] {strides = array<i32>} : memref<4096xf32, #tpu.memory_space<vmem>>, vector<16xf32>,
      tpu.vector_store %arg11[%swap3A_1126], %gather3A_1121 {strides = array<i32>} : memref<4096xf32, #tpu.memory_space<vmem>>, vector<16xf32>,
      %add3A_1128 = arith.constant 48 : i32
      %add3A_1129 = vector.broadcast %add3A_1128 : i32 to vector<16xi32>
      %add3A_1130 = arith.addi %iota3A, %add3A_1129 : vector<16xi32>
      %gather3A_1131 = arith.constant 1 : i32
      %gather3A_1132 = arith.constant 0 : i32
      %gather3A_1133 = arith.constant 0 : i32
      %gather3A_1134 = tpu.memref_slice %arg8[%gather3A_1131, %gather3A_1132, %gather3A_1133] : memref<4x64x128xf32, #tpu.memory_space<vmem>> -> memref<1x64x128xf32, #tpu.memory_space<vmem>>
      %gather3A_1135 = tpu.memref_squeeze %gather3A_1134 : memref<1x64x128xf32, #tpu.memory_space<vmem>> -> memref<64x128xf32, #tpu.memory_space<vmem>>
      %gather3A_1136 = tpu.vector_load_idx %gather3A_1135[%add3A_1130, %add3A_1046] : memref<64x128xf32, #tpu.memory_space<vmem>>[vector<16xi32>, vector<16xi32>], vector<16xf32>,
      %mul3A_1137 = arith.constant 128 : i32
      %mul3A_1138 = arith.muli %add3A_1000, %mul3A_1137 : i32
      %add3A_1139 = arith.constant 48 : i32
      %add3A_1140 = arith.addi %mul3A_1138, %add3A_1139 : i32
      %swap3A_1141 = arith.index_cast %add3A_1140 : i32 to index
      %swap3A_1142 = tpu.vector_load %arg10[%swap3A_1141] {strides = array<i32>} : memref<4096xf32, #tpu.memory_space<vmem>>, vector<16xf32>,
      tpu.vector_store %arg10[%swap3A_1141], %gather3A_1136 {strides = array<i32>} : memref<4096xf32, #tpu.memory_space<vmem>>, vector<16xf32>,
      %gather3A_1143 = arith.constant 1 : i32
      %gather3A_1144 = arith.constant 0 : i32
      %gather3A_1145 = arith.constant 0 : i32
      %gather3A_1146 = tpu.memref_slice %arg9[%gather3A_1143, %gather3A_1144, %gather3A_1145] : memref<4x64x128xf32, #tpu.memory_space<vmem>> -> memref<1x64x128xf32, #tpu.memory_space<vmem>>
      %gather3A_1147 = tpu.memref_squeeze %gather3A_1146 : memref<1x64x128xf32, #tpu.memory_space<vmem>> -> memref<64x128xf32, #tpu.memory_space<vmem>>
      %gather3A_1148 = tpu.vector_load_idx %gather3A_1147[%add3A_1130, %add3A_1046] : memref<64x128xf32, #tpu.memory_space<vmem>>[vector<16xi32>, vector<16xi32>], vector<16xf32>,
      %mul3A_1149 = arith.constant 128 : i32
      %mul3A_1150 = arith.muli %add3A_1000, %mul3A_1149 : i32
      %add3A_1151 = arith.constant 48 : i32
      %add3A_1152 = arith.addi %mul3A_1150, %add3A_1151 : i32
      %swap3A_1153 = arith.index_cast %add3A_1152 : i32 to index
      %swap3A_1154 = tpu.vector_load %arg11[%swap3A_1153] {strides = array<i32>} : memref<4096xf32, #tpu.memory_space<vmem>>, vector<16xf32>,
      tpu.vector_store %arg11[%swap3A_1153], %gather3A_1148 {strides = array<i32>} : memref<4096xf32, #tpu.memory_space<vmem>>, vector<16xf32>,
      %mul3A_1155 = arith.constant 128 : i32
      %mul3A_1156 = arith.muli %add3A_1000, %mul3A_1155 : i32
      %add3A_1157 = arith.constant 64 : i32
      %add3A_1158 = arith.addi %mul3A_1156, %add3A_1157 : i32
      %swap3A_1159 = arith.index_cast %add3A_1158 : i32 to index
      %swap3A_1160 = tpu.vector_load %arg10[%swap3A_1159] {strides = array<i32>} : memref<4096xf32, #tpu.memory_space<vmem>>, vector<16xf32>,
      tpu.vector_store %arg10[%swap3A_1159], %broadcast_in_dim3A_3 {strides = array<i32>} : memref<4096xf32, #tpu.memory_space<vmem>>, vector<16xf32>,
      %mul3A_1161 = arith.constant 128 : i32
      %mul3A_1162 = arith.muli %add3A_1000, %mul3A_1161 : i32
      %add3A_1163 = arith.constant 64 : i32
      %add3A_1164 = arith.addi %mul3A_1162, %add3A_1163 : i32
      %swap3A_1165 = arith.index_cast %add3A_1164 : i32 to index
      %swap3A_1166 = tpu.vector_load %arg11[%swap3A_1165] {strides = array<i32>} : memref<4096xf32, #tpu.memory_space<vmem>>, vector<16xf32>,
      tpu.vector_store %arg11[%swap3A_1165], %broadcast_in_dim3A_3 {strides = array<i32>} : memref<4096xf32, #tpu.memory_space<vmem>>, vector<16xf32>,
      %mul3A_1167 = arith.constant 128 : i32
      %mul3A_1168 = arith.muli %add3A_1000, %mul3A_1167 : i32
      %add3A_1169 = arith.constant 80 : i32
      %add3A_1170 = arith.addi %mul3A_1168, %add3A_1169 : i32
      %swap3A_1171 = arith.index_cast %add3A_1170 : i32 to index
      %swap3A_1172 = tpu.vector_load %arg10[%swap3A_1171] {strides = array<i32>} : memref<4096xf32, #tpu.memory_space<vmem>>, vector<16xf32>,
      tpu.vector_store %arg10[%swap3A_1171], %broadcast_in_dim3A_3 {strides = array<i32>} : memref<4096xf32, #tpu.memory_space<vmem>>, vector<16xf32>,
      %mul3A_1173 = arith.constant 128 : i32
      %mul3A_1174 = arith.muli %add3A_1000, %mul3A_1173 : i32
      %add3A_1175 = arith.constant 80 : i32
      %add3A_1176 = arith.addi %mul3A_1174, %add3A_1175 : i32
      %swap3A_1177 = arith.index_cast %add3A_1176 : i32 to index
      %swap3A_1178 = tpu.vector_load %arg11[%swap3A_1177] {strides = array<i32>} : memref<4096xf32, #tpu.memory_space<vmem>>, vector<16xf32>,
      tpu.vector_store %arg11[%swap3A_1177], %broadcast_in_dim3A_3 {strides = array<i32>} : memref<4096xf32, #tpu.memory_space<vmem>>, vector<16xf32>,
      %mul3A_1179 = arith.constant 128 : i32
      %mul3A_1180 = arith.muli %add3A_1000, %mul3A_1179 : i32
      %add3A_1181 = arith.constant 96 : i32
      %add3A_1182 = arith.addi %mul3A_1180, %add3A_1181 : i32
      %swap3A_1183 = arith.index_cast %add3A_1182 : i32 to index
      %swap3A_1184 = tpu.vector_load %arg10[%swap3A_1183] {strides = array<i32>} : memref<4096xf32, #tpu.memory_space<vmem>>, vector<16xf32>,
      tpu.vector_store %arg10[%swap3A_1183], %broadcast_in_dim3A_3 {strides = array<i32>} : memref<4096xf32, #tpu.memory_space<vmem>>, vector<16xf32>,
      %mul3A_1185 = arith.constant 128 : i32
      %mul3A_1186 = arith.muli %add3A_1000, %mul3A_1185 : i32
      %add3A_1187 = arith.constant 96 : i32
      %add3A_1188 = arith.addi %mul3A_1186, %add3A_1187 : i32
      %swap3A_1189 = arith.index_cast %add3A_1188 : i32 to index
      %swap3A_1190 = tpu.vector_load %arg11[%swap3A_1189] {strides = array<i32>} : memref<4096xf32, #tpu.memory_space<vmem>>, vector<16xf32>,
      tpu.vector_store %arg11[%swap3A_1189], %broadcast_in_dim3A_3 {strides = array<i32>} : memref<4096xf32, #tpu.memory_space<vmem>>, vector<16xf32>,
      %mul3A_1191 = arith.constant 128 : i32
      %mul3A_1192 = arith.muli %add3A_1000, %mul3A_1191 : i32
      %add3A_1193 = arith.constant 112 : i32
      %add3A_1194 = arith.addi %mul3A_1192, %add3A_1193 : i32
      %swap3A_1195 = arith.index_cast %add3A_1194 : i32 to index
      %swap3A_1196 = tpu.vector_load %arg10[%swap3A_1195] {strides = array<i32>} : memref<4096xf32, #tpu.memory_space<vmem>>, vector<16xf32>,
      tpu.vector_store %arg10[%swap3A_1195], %broadcast_in_dim3A_3 {strides = array<i32>} : memref<4096xf32, #tpu.memory_space<vmem>>, vector<16xf32>,
      %mul3A_1197 = arith.constant 128 : i32
      %mul3A_1198 = arith.muli %add3A_1000, %mul3A_1197 : i32
      %add3A_1199 = arith.constant 112 : i32
      %add3A_1200 = arith.addi %mul3A_1198, %add3A_1199 : i32
      %swap3A_1201 = arith.index_cast %add3A_1200 : i32 to index
      %swap3A_1202 = tpu.vector_load %arg11[%swap3A_1201] {strides = array<i32>} : memref<4096xf32, #tpu.memory_space<vmem>>, vector<16xf32>,
      tpu.vector_store %arg11[%swap3A_1201], %broadcast_in_dim3A_3 {strides = array<i32>} : memref<4096xf32, #tpu.memory_space<vmem>>, vector<16xf32>,
      %add3A_1203 = arith.constant 4 : i32
      %add3A_1204 = arith.addi %add3A_1000, %add3A_1203 : i32
      %add3A_1205 = arith.addi %mul3A_2, %add3A_1204 : i32
      %add3A_1206 = vector.broadcast %add3A_1205 : i32 to vector<16xi32>
      %add3A_1207 = arith.addi %broadcast_in_dim3A_5, %add3A_1206 : vector<16xi32>
      %gather3A_1208 = tpu.vector_load_idx %arg7[%add3A_1207] : memref<1024xi32, #tpu.memory_space<vmem>>[vector<16xi32>], vector<16xi32>,
      %slice3A_1209 = vector.extract_strided_slice %gather3A_1208 {offsets = [0], sizes = [1], strides = [1]} : vector<16xi32> to vector<1xi32>
      %squeeze3A_1210 = vector.extract %slice3A_1209[0] : i32 from vector<1xi32>
      %shift_right_logical3A_1211 = arith.constant 7 : i32
      %shift_right_logical3A_1212 = arith.shrui %squeeze3A_1210, %shift_right_logical3A_1211 : i32
      %min3A_1213 = arith.constant 780 : i32
      %min3A_1214 = arith.minsi %shift_right_logical3A_1212, %min3A_1213 : i32
      %mul3A_1215 = arith.constant 128 : i32
      %mul3A_1216 = arith.muli %min3A_1214, %mul3A_1215 : i32
      %dma_start3A_1217 = arith.constant 1 : i32
      %dma_start3A_1218 = arith.constant 1 : i32
      %dma_start3A_1219 = arith.constant 0 : i32
      %dma_start3A_1220 = arith.constant 0 : i32
      %dma_start3A_1221 = tpu.memref_slice %arg8[%dma_start3A_1217, %dma_start3A_1219, %dma_start3A_1220] : memref<4x64x128xf32, #tpu.memory_space<vmem>> -> memref<1x64x128xf32, #tpu.memory_space<vmem>>
      %dma_start3A_1222 = tpu.memref_squeeze %dma_start3A_1221 : memref<1x64x128xf32, #tpu.memory_space<vmem>> -> memref<64x128xf32, #tpu.memory_space<vmem>>
      %dma_start3A_1223 = arith.constant 0 : i32
      %dma_start3A_1224 = tpu.memref_slice %arg2[%dma_start3A_1223, %mul3A_1216] : memref<64x100000xf32, #tpu.memory_space<hbm>> -> memref<64x128xf32, #tpu.memory_space<hbm>>
      %dma_start3A_1225 = tpu.memref_slice %arg12[%dma_start3A_1218] : memref<4x!tpu.dma_semaphore, #tpu.memory_space<semaphore_mem>> -> memref<1x!tpu.dma_semaphore, #tpu.memory_space<semaphore_mem>>
      %dma_start3A_1226 = tpu.memref_squeeze %dma_start3A_1225 : memref<1x!tpu.dma_semaphore, #tpu.memory_space<semaphore_mem>> -> memref<!tpu.dma_semaphore, #tpu.memory_space<semaphore_mem>>
      %dma_start3A_1227 = arith.constant 0 : i32
      %dma_start3A_1228 = arith.constant 0 : i32
      %dma_start3A_1229 = tpu.memref_slice %arg8[%dma_start3A_1217, %dma_start3A_1227, %dma_start3A_1228] : memref<4x64x128xf32, #tpu.memory_space<vmem>> -> memref<1x64x128xf32, #tpu.memory_space<vmem>>
      %dma_start3A_1230 = tpu.memref_squeeze %dma_start3A_1229 : memref<1x64x128xf32, #tpu.memory_space<vmem>> -> memref<64x128xf32, #tpu.memory_space<vmem>>
      %dma_start3A_1231 = arith.constant 0 : i32
      %dma_start3A_1232 = tpu.memref_slice %arg2[%dma_start3A_1231, %mul3A_1216] : memref<64x100000xf32, #tpu.memory_space<hbm>> -> memref<64x128xf32, #tpu.memory_space<hbm>>
      tpu.enqueue_dma source(%dma_start3A_1232 : memref<64x128xf32, #tpu.memory_space<hbm>>) target(%dma_start3A_1230 : memref<64x128xf32, #tpu.memory_space<vmem>>) target_semaphore(%dma_start3A_1226 : memref<!tpu.dma_semaphore, #tpu.memory_space<semaphore_mem>>)
      %dma_start3A_1233 = arith.constant 1 : i32
      %dma_start3A_1234 = arith.constant 1 : i32
      %dma_start3A_1235 = arith.constant 0 : i32
      %dma_start3A_1236 = arith.constant 0 : i32
      %dma_start3A_1237 = tpu.memref_slice %arg9[%dma_start3A_1233, %dma_start3A_1235, %dma_start3A_1236] : memref<4x64x128xf32, #tpu.memory_space<vmem>> -> memref<1x64x128xf32, #tpu.memory_space<vmem>>
      %dma_start3A_1238 = tpu.memref_squeeze %dma_start3A_1237 : memref<1x64x128xf32, #tpu.memory_space<vmem>> -> memref<64x128xf32, #tpu.memory_space<vmem>>
      %dma_start3A_1239 = arith.constant 0 : i32
      %dma_start3A_1240 = tpu.memref_slice %arg3[%dma_start3A_1239, %mul3A_1216] : memref<64x100000xf32, #tpu.memory_space<hbm>> -> memref<64x128xf32, #tpu.memory_space<hbm>>
      %dma_start3A_1241 = tpu.memref_slice %arg13[%dma_start3A_1234] : memref<4x!tpu.dma_semaphore, #tpu.memory_space<semaphore_mem>> -> memref<1x!tpu.dma_semaphore, #tpu.memory_space<semaphore_mem>>
      %dma_start3A_1242 = tpu.memref_squeeze %dma_start3A_1241 : memref<1x!tpu.dma_semaphore, #tpu.memory_space<semaphore_mem>> -> memref<!tpu.dma_semaphore, #tpu.memory_space<semaphore_mem>>
      %dma_start3A_1243 = arith.constant 0 : i32
      %dma_start3A_1244 = arith.constant 0 : i32
      %dma_start3A_1245 = tpu.memref_slice %arg9[%dma_start3A_1233, %dma_start3A_1243, %dma_start3A_1244] : memref<4x64x128xf32, #tpu.memory_space<vmem>> -> memref<1x64x128xf32, #tpu.memory_space<vmem>>
      %dma_start3A_1246 = tpu.memref_squeeze %dma_start3A_1245 : memref<1x64x128xf32, #tpu.memory_space<vmem>> -> memref<64x128xf32, #tpu.memory_space<vmem>>
      %dma_start3A_1247 = arith.constant 0 : i32
      %dma_start3A_1248 = tpu.memref_slice %arg3[%dma_start3A_1247, %mul3A_1216] : memref<64x100000xf32, #tpu.memory_space<hbm>> -> memref<64x128xf32, #tpu.memory_space<hbm>>
      tpu.enqueue_dma source(%dma_start3A_1248 : memref<64x128xf32, #tpu.memory_space<hbm>>) target(%dma_start3A_1246 : memref<64x128xf32, #tpu.memory_space<vmem>>) target_semaphore(%dma_start3A_1242 : memref<!tpu.dma_semaphore, #tpu.memory_space<semaphore_mem>>)
      %mul3A_1249 = arith.constant 4 : i32
      %mul3A_1250 = arith.muli %scan3A_743, %mul3A_1249 : i32
      %add3A_1251 = arith.constant 2 : i32
      %add3A_1252 = arith.addi %mul3A_1250, %add3A_1251 : i32
      %dma_wait3A_1253 = arith.constant 2 : i32
      %dma_wait3A_1254 = arith.constant 2 : i32
      %dma_wait3A_1255 = arith.constant 0 : i32
      %dma_wait3A_1256 = arith.constant 0 : i32
      %dma_wait3A_1257 = tpu.memref_slice %arg8[%dma_wait3A_1253, %dma_wait3A_1255, %dma_wait3A_1256] : memref<4x64x128xf32, #tpu.memory_space<vmem>> -> memref<1x64x128xf32, #tpu.memory_space<vmem>>
      %dma_wait3A_1258 = tpu.memref_squeeze %dma_wait3A_1257 : memref<1x64x128xf32, #tpu.memory_space<vmem>> -> memref<64x128xf32, #tpu.memory_space<vmem>>
      %dma_wait3A_1259 = arith.constant 0 : i32
      %dma_wait3A_1260 = arith.constant 0 : i32
      %dma_wait3A_1261 = tpu.memref_slice %arg2[%dma_wait3A_1259, %dma_wait3A_1260] : memref<64x100000xf32, #tpu.memory_space<hbm>> -> memref<64x128xf32, #tpu.memory_space<hbm>>
      %dma_wait3A_1262 = tpu.memref_slice %arg12[%dma_wait3A_1254] : memref<4x!tpu.dma_semaphore, #tpu.memory_space<semaphore_mem>> -> memref<1x!tpu.dma_semaphore, #tpu.memory_space<semaphore_mem>>
      %dma_wait3A_1263 = tpu.memref_squeeze %dma_wait3A_1262 : memref<1x!tpu.dma_semaphore, #tpu.memory_space<semaphore_mem>> -> memref<!tpu.dma_semaphore, #tpu.memory_space<semaphore_mem>>
      %dma_wait3A_1264 = arith.constant 0 : i32
      %dma_wait3A_1265 = arith.constant 0 : i32
      %dma_wait3A_1266 = tpu.memref_slice %arg8[%dma_wait3A_1253, %dma_wait3A_1264, %dma_wait3A_1265] : memref<4x64x128xf32, #tpu.memory_space<vmem>> -> memref<1x64x128xf32, #tpu.memory_space<vmem>>
      %dma_wait3A_1267 = tpu.memref_squeeze %dma_wait3A_1266 : memref<1x64x128xf32, #tpu.memory_space<vmem>> -> memref<64x128xf32, #tpu.memory_space<vmem>>
      %dma_wait3A_1268 = arith.constant 0 : i32
      %dma_wait3A_1269 = arith.constant 0 : i32
      %dma_wait3A_1270 = tpu.memref_slice %arg2[%dma_wait3A_1268, %dma_wait3A_1269] : memref<64x100000xf32, #tpu.memory_space<hbm>> -> memref<64x128xf32, #tpu.memory_space<hbm>>
      tpu.wait_dma2 semaphore(%dma_wait3A_1263 : memref<!tpu.dma_semaphore, #tpu.memory_space<semaphore_mem>>) src(%dma_wait3A_1270 : memref<64x128xf32, #tpu.memory_space<hbm>>) dst(%dma_wait3A_1267 : memref<64x128xf32, #tpu.memory_space<vmem>>)
      %dma_wait3A_1271 = arith.constant 2 : i32
      %dma_wait3A_1272 = arith.constant 2 : i32
      %dma_wait3A_1273 = arith.constant 0 : i32
      %dma_wait3A_1274 = arith.constant 0 : i32
      %dma_wait3A_1275 = tpu.memref_slice %arg9[%dma_wait3A_1271, %dma_wait3A_1273, %dma_wait3A_1274] : memref<4x64x128xf32, #tpu.memory_space<vmem>> -> memref<1x64x128xf32, #tpu.memory_space<vmem>>
      %dma_wait3A_1276 = tpu.memref_squeeze %dma_wait3A_1275 : memref<1x64x128xf32, #tpu.memory_space<vmem>> -> memref<64x128xf32, #tpu.memory_space<vmem>>
      %dma_wait3A_1277 = arith.constant 0 : i32
      %dma_wait3A_1278 = arith.constant 0 : i32
      %dma_wait3A_1279 = tpu.memref_slice %arg3[%dma_wait3A_1277, %dma_wait3A_1278] : memref<64x100000xf32, #tpu.memory_space<hbm>> -> memref<64x128xf32, #tpu.memory_space<hbm>>
      %dma_wait3A_1280 = tpu.memref_slice %arg13[%dma_wait3A_1272] : memref<4x!tpu.dma_semaphore, #tpu.memory_space<semaphore_mem>> -> memref<1x!tpu.dma_semaphore, #tpu.memory_space<semaphore_mem>>
      %dma_wait3A_1281 = tpu.memref_squeeze %dma_wait3A_1280 : memref<1x!tpu.dma_semaphore, #tpu.memory_space<semaphore_mem>> -> memref<!tpu.dma_semaphore, #tpu.memory_space<semaphore_mem>>
      %dma_wait3A_1282 = arith.constant 0 : i32
      %dma_wait3A_1283 = arith.constant 0 : i32
      %dma_wait3A_1284 = tpu.memref_slice %arg9[%dma_wait3A_1271, %dma_wait3A_1282, %dma_wait3A_1283] : memref<4x64x128xf32, #tpu.memory_space<vmem>> -> memref<1x64x128xf32, #tpu.memory_space<vmem>>
      %dma_wait3A_1285 = tpu.memref_squeeze %dma_wait3A_1284 : memref<1x64x128xf32, #tpu.memory_space<vmem>> -> memref<64x128xf32, #tpu.memory_space<vmem>>
      %dma_wait3A_1286 = arith.constant 0 : i32
      %dma_wait3A_1287 = arith.constant 0 : i32
      %dma_wait3A_1288 = tpu.memref_slice %arg3[%dma_wait3A_1286, %dma_wait3A_1287] : memref<64x100000xf32, #tpu.memory_space<hbm>> -> memref<64x128xf32, #tpu.memory_space<hbm>>
      tpu.wait_dma2 semaphore(%dma_wait3A_1281 : memref<!tpu.dma_semaphore, #tpu.memory_space<semaphore_mem>>) src(%dma_wait3A_1288 : memref<64x128xf32, #tpu.memory_space<hbm>>) dst(%dma_wait3A_1285 : memref<64x128xf32, #tpu.memory_space<vmem>>)
      %add3A_1289 = arith.addi %mul3A_2, %add3A_1252 : i32
      %add3A_1290 = vector.broadcast %add3A_1289 : i32 to vector<16xi32>
      %add3A_1291 = arith.addi %broadcast_in_dim3A_5, %add3A_1290 : vector<16xi32>
      %gather3A_1292 = tpu.vector_load_idx %arg7[%add3A_1291] : memref<1024xi32, #tpu.memory_space<vmem>>[vector<16xi32>], vector<16xi32>,
      %slice3A_1293 = vector.extract_strided_slice %gather3A_1292 {offsets = [0], sizes = [1], strides = [1]} : vector<16xi32> to vector<1xi32>
      %squeeze3A_1294 = vector.extract %slice3A_1293[0] : i32 from vector<1xi32>
      %and3A_1295 = arith.constant 127 : i32
      %and3A_1296 = arith.andi %squeeze3A_1294, %and3A_1295 : i32
      %add3A_1297 = vector.broadcast %and3A_1296 : i32 to vector<16xi32>
      %add3A_1298 = arith.addi %broadcast_in_dim3A_5, %add3A_1297 : vector<16xi32>
      %add3A_1299 = arith.constant 0 : i32
      %add3A_1300 = vector.broadcast %add3A_1299 : i32 to vector<16xi32>
      %add3A_1301 = arith.addi %iota3A, %add3A_1300 : vector<16xi32>
      %gather3A_1302 = arith.constant 2 : i32
      %gather3A_1303 = arith.constant 0 : i32
      %gather3A_1304 = arith.constant 0 : i32
      %gather3A_1305 = tpu.memref_slice %arg8[%gather3A_1302, %gather3A_1303, %gather3A_1304] : memref<4x64x128xf32, #tpu.memory_space<vmem>> -> memref<1x64x128xf32, #tpu.memory_space<vmem>>
      %gather3A_1306 = tpu.memref_squeeze %gather3A_1305 : memref<1x64x128xf32, #tpu.memory_space<vmem>> -> memref<64x128xf32, #tpu.memory_space<vmem>>
      %gather3A_1307 = tpu.vector_load_idx %gather3A_1306[%add3A_1301, %add3A_1298] : memref<64x128xf32, #tpu.memory_space<vmem>>[vector<16xi32>, vector<16xi32>], vector<16xf32>,
      %mul3A_1308 = arith.constant 128 : i32
      %mul3A_1309 = arith.muli %add3A_1252, %mul3A_1308 : i32
      %add3A_1310 = arith.constant 0 : i32
      %add3A_1311 = arith.addi %mul3A_1309, %add3A_1310 : i32
      %swap3A_1312 = arith.index_cast %add3A_1311 : i32 to index
      %swap3A_1313 = tpu.vector_load %arg10[%swap3A_1312] {strides = array<i32>} : memref<4096xf32, #tpu.memory_space<vmem>>, vector<16xf32>,
      tpu.vector_store %arg10[%swap3A_1312], %gather3A_1307 {strides = array<i32>} : memref<4096xf32, #tpu.memory_space<vmem>>, vector<16xf32>,
      %gather3A_1314 = arith.constant 2 : i32
      %gather3A_1315 = arith.constant 0 : i32
      %gather3A_1316 = arith.constant 0 : i32
      %gather3A_1317 = tpu.memref_slice %arg9[%gather3A_1314, %gather3A_1315, %gather3A_1316] : memref<4x64x128xf32, #tpu.memory_space<vmem>> -> memref<1x64x128xf32, #tpu.memory_space<vmem>>
      %gather3A_1318 = tpu.memref_squeeze %gather3A_1317 : memref<1x64x128xf32, #tpu.memory_space<vmem>> -> memref<64x128xf32, #tpu.memory_space<vmem>>
      %gather3A_1319 = tpu.vector_load_idx %gather3A_1318[%add3A_1301, %add3A_1298] : memref<64x128xf32, #tpu.memory_space<vmem>>[vector<16xi32>, vector<16xi32>], vector<16xf32>,
      %mul3A_1320 = arith.constant 128 : i32
      %mul3A_1321 = arith.muli %add3A_1252, %mul3A_1320 : i32
      %add3A_1322 = arith.constant 0 : i32
      %add3A_1323 = arith.addi %mul3A_1321, %add3A_1322 : i32
      %swap3A_1324 = arith.index_cast %add3A_1323 : i32 to index
      %swap3A_1325 = tpu.vector_load %arg11[%swap3A_1324] {strides = array<i32>} : memref<4096xf32, #tpu.memory_space<vmem>>, vector<16xf32>,
      tpu.vector_store %arg11[%swap3A_1324], %gather3A_1319 {strides = array<i32>} : memref<4096xf32, #tpu.memory_space<vmem>>, vector<16xf32>,
      %add3A_1326 = arith.constant 16 : i32
      %add3A_1327 = vector.broadcast %add3A_1326 : i32 to vector<16xi32>
      %add3A_1328 = arith.addi %iota3A, %add3A_1327 : vector<16xi32>
      %gather3A_1329 = arith.constant 2 : i32
      %gather3A_1330 = arith.constant 0 : i32
      %gather3A_1331 = arith.constant 0 : i32
      %gather3A_1332 = tpu.memref_slice %arg8[%gather3A_1329, %gather3A_1330, %gather3A_1331] : memref<4x64x128xf32, #tpu.memory_space<vmem>> -> memref<1x64x128xf32, #tpu.memory_space<vmem>>
      %gather3A_1333 = tpu.memref_squeeze %gather3A_1332 : memref<1x64x128xf32, #tpu.memory_space<vmem>> -> memref<64x128xf32, #tpu.memory_space<vmem>>
      %gather3A_1334 = tpu.vector_load_idx %gather3A_1333[%add3A_1328, %add3A_1298] : memref<64x128xf32, #tpu.memory_space<vmem>>[vector<16xi32>, vector<16xi32>], vector<16xf32>,
      %mul3A_1335 = arith.constant 128 : i32
      %mul3A_1336 = arith.muli %add3A_1252, %mul3A_1335 : i32
      %add3A_1337 = arith.constant 16 : i32
      %add3A_1338 = arith.addi %mul3A_1336, %add3A_1337 : i32
      %swap3A_1339 = arith.index_cast %add3A_1338 : i32 to index
      %swap3A_1340 = tpu.vector_load %arg10[%swap3A_1339] {strides = array<i32>} : memref<4096xf32, #tpu.memory_space<vmem>>, vector<16xf32>,
      tpu.vector_store %arg10[%swap3A_1339], %gather3A_1334 {strides = array<i32>} : memref<4096xf32, #tpu.memory_space<vmem>>, vector<16xf32>,
      %gather3A_1341 = arith.constant 2 : i32
      %gather3A_1342 = arith.constant 0 : i32
      %gather3A_1343 = arith.constant 0 : i32
      %gather3A_1344 = tpu.memref_slice %arg9[%gather3A_1341, %gather3A_1342, %gather3A_1343] : memref<4x64x128xf32, #tpu.memory_space<vmem>> -> memref<1x64x128xf32, #tpu.memory_space<vmem>>
      %gather3A_1345 = tpu.memref_squeeze %gather3A_1344 : memref<1x64x128xf32, #tpu.memory_space<vmem>> -> memref<64x128xf32, #tpu.memory_space<vmem>>
      %gather3A_1346 = tpu.vector_load_idx %gather3A_1345[%add3A_1328, %add3A_1298] : memref<64x128xf32, #tpu.memory_space<vmem>>[vector<16xi32>, vector<16xi32>], vector<16xf32>,
      %mul3A_1347 = arith.constant 128 : i32
      %mul3A_1348 = arith.muli %add3A_1252, %mul3A_1347 : i32
      %add3A_1349 = arith.constant 16 : i32
      %add3A_1350 = arith.addi %mul3A_1348, %add3A_1349 : i32
      %swap3A_1351 = arith.index_cast %add3A_1350 : i32 to index
      %swap3A_1352 = tpu.vector_load %arg11[%swap3A_1351] {strides = array<i32>} : memref<4096xf32, #tpu.memory_space<vmem>>, vector<16xf32>,
      tpu.vector_store %arg11[%swap3A_1351], %gather3A_1346 {strides = array<i32>} : memref<4096xf32, #tpu.memory_space<vmem>>, vector<16xf32>,
      %add3A_1353 = arith.constant 32 : i32
      %add3A_1354 = vector.broadcast %add3A_1353 : i32 to vector<16xi32>
      %add3A_1355 = arith.addi %iota3A, %add3A_1354 : vector<16xi32>
      %gather3A_1356 = arith.constant 2 : i32
      %gather3A_1357 = arith.constant 0 : i32
      %gather3A_1358 = arith.constant 0 : i32
      %gather3A_1359 = tpu.memref_slice %arg8[%gather3A_1356, %gather3A_1357, %gather3A_1358] : memref<4x64x128xf32, #tpu.memory_space<vmem>> -> memref<1x64x128xf32, #tpu.memory_space<vmem>>
      %gather3A_1360 = tpu.memref_squeeze %gather3A_1359 : memref<1x64x128xf32, #tpu.memory_space<vmem>> -> memref<64x128xf32, #tpu.memory_space<vmem>>
      %gather3A_1361 = tpu.vector_load_idx %gather3A_1360[%add3A_1355, %add3A_1298] : memref<64x128xf32, #tpu.memory_space<vmem>>[vector<16xi32>, vector<16xi32>], vector<16xf32>,
      %mul3A_1362 = arith.constant 128 : i32
      %mul3A_1363 = arith.muli %add3A_1252, %mul3A_1362 : i32
      %add3A_1364 = arith.constant 32 : i32
      %add3A_1365 = arith.addi %mul3A_1363, %add3A_1364 : i32
      %swap3A_1366 = arith.index_cast %add3A_1365 : i32 to index
      %swap3A_1367 = tpu.vector_load %arg10[%swap3A_1366] {strides = array<i32>} : memref<4096xf32, #tpu.memory_space<vmem>>, vector<16xf32>,
      tpu.vector_store %arg10[%swap3A_1366], %gather3A_1361 {strides = array<i32>} : memref<4096xf32, #tpu.memory_space<vmem>>, vector<16xf32>,
      %gather3A_1368 = arith.constant 2 : i32
      %gather3A_1369 = arith.constant 0 : i32
      %gather3A_1370 = arith.constant 0 : i32
      %gather3A_1371 = tpu.memref_slice %arg9[%gather3A_1368, %gather3A_1369, %gather3A_1370] : memref<4x64x128xf32, #tpu.memory_space<vmem>> -> memref<1x64x128xf32, #tpu.memory_space<vmem>>
      %gather3A_1372 = tpu.memref_squeeze %gather3A_1371 : memref<1x64x128xf32, #tpu.memory_space<vmem>> -> memref<64x128xf32, #tpu.memory_space<vmem>>
      %gather3A_1373 = tpu.vector_load_idx %gather3A_1372[%add3A_1355, %add3A_1298] : memref<64x128xf32, #tpu.memory_space<vmem>>[vector<16xi32>, vector<16xi32>], vector<16xf32>,
      %mul3A_1374 = arith.constant 128 : i32
      %mul3A_1375 = arith.muli %add3A_1252, %mul3A_1374 : i32
      %add3A_1376 = arith.constant 32 : i32
      %add3A_1377 = arith.addi %mul3A_1375, %add3A_1376 : i32
      %swap3A_1378 = arith.index_cast %add3A_1377 : i32 to index
      %swap3A_1379 = tpu.vector_load %arg11[%swap3A_1378] {strides = array<i32>} : memref<4096xf32, #tpu.memory_space<vmem>>, vector<16xf32>,
      tpu.vector_store %arg11[%swap3A_1378], %gather3A_1373 {strides = array<i32>} : memref<4096xf32, #tpu.memory_space<vmem>>, vector<16xf32>,
      %add3A_1380 = arith.constant 48 : i32
      %add3A_1381 = vector.broadcast %add3A_1380 : i32 to vector<16xi32>
      %add3A_1382 = arith.addi %iota3A, %add3A_1381 : vector<16xi32>
      %gather3A_1383 = arith.constant 2 : i32
      %gather3A_1384 = arith.constant 0 : i32
      %gather3A_1385 = arith.constant 0 : i32
      %gather3A_1386 = tpu.memref_slice %arg8[%gather3A_1383, %gather3A_1384, %gather3A_1385] : memref<4x64x128xf32, #tpu.memory_space<vmem>> -> memref<1x64x128xf32, #tpu.memory_space<vmem>>
      %gather3A_1387 = tpu.memref_squeeze %gather3A_1386 : memref<1x64x128xf32, #tpu.memory_space<vmem>> -> memref<64x128xf32, #tpu.memory_space<vmem>>
      %gather3A_1388 = tpu.vector_load_idx %gather3A_1387[%add3A_1382, %add3A_1298] : memref<64x128xf32, #tpu.memory_space<vmem>>[vector<16xi32>, vector<16xi32>], vector<16xf32>,
      %mul3A_1389 = arith.constant 128 : i32
      %mul3A_1390 = arith.muli %add3A_1252, %mul3A_1389 : i32
      %add3A_1391 = arith.constant 48 : i32
      %add3A_1392 = arith.addi %mul3A_1390, %add3A_1391 : i32
      %swap3A_1393 = arith.index_cast %add3A_1392 : i32 to index
      %swap3A_1394 = tpu.vector_load %arg10[%swap3A_1393] {strides = array<i32>} : memref<4096xf32, #tpu.memory_space<vmem>>, vector<16xf32>,
      tpu.vector_store %arg10[%swap3A_1393], %gather3A_1388 {strides = array<i32>} : memref<4096xf32, #tpu.memory_space<vmem>>, vector<16xf32>,
      %gather3A_1395 = arith.constant 2 : i32
      %gather3A_1396 = arith.constant 0 : i32
      %gather3A_1397 = arith.constant 0 : i32
      %gather3A_1398 = tpu.memref_slice %arg9[%gather3A_1395, %gather3A_1396, %gather3A_1397] : memref<4x64x128xf32, #tpu.memory_space<vmem>> -> memref<1x64x128xf32, #tpu.memory_space<vmem>>
      %gather3A_1399 = tpu.memref_squeeze %gather3A_1398 : memref<1x64x128xf32, #tpu.memory_space<vmem>> -> memref<64x128xf32, #tpu.memory_space<vmem>>
      %gather3A_1400 = tpu.vector_load_idx %gather3A_1399[%add3A_1382, %add3A_1298] : memref<64x128xf32, #tpu.memory_space<vmem>>[vector<16xi32>, vector<16xi32>], vector<16xf32>,
      %mul3A_1401 = arith.constant 128 : i32
      %mul3A_1402 = arith.muli %add3A_1252, %mul3A_1401 : i32
      %add3A_1403 = arith.constant 48 : i32
      %add3A_1404 = arith.addi %mul3A_1402, %add3A_1403 : i32
      %swap3A_1405 = arith.index_cast %add3A_1404 : i32 to index
      %swap3A_1406 = tpu.vector_load %arg11[%swap3A_1405] {strides = array<i32>} : memref<4096xf32, #tpu.memory_space<vmem>>, vector<16xf32>,
      tpu.vector_store %arg11[%swap3A_1405], %gather3A_1400 {strides = array<i32>} : memref<4096xf32, #tpu.memory_space<vmem>>, vector<16xf32>,
      %mul3A_1407 = arith.constant 128 : i32
      %mul3A_1408 = arith.muli %add3A_1252, %mul3A_1407 : i32
      %add3A_1409 = arith.constant 64 : i32
      %add3A_1410 = arith.addi %mul3A_1408, %add3A_1409 : i32
      %swap3A_1411 = arith.index_cast %add3A_1410 : i32 to index
      %swap3A_1412 = tpu.vector_load %arg10[%swap3A_1411] {strides = array<i32>} : memref<4096xf32, #tpu.memory_space<vmem>>, vector<16xf32>,
      tpu.vector_store %arg10[%swap3A_1411], %broadcast_in_dim3A_3 {strides = array<i32>} : memref<4096xf32, #tpu.memory_space<vmem>>, vector<16xf32>,
      %mul3A_1413 = arith.constant 128 : i32
      %mul3A_1414 = arith.muli %add3A_1252, %mul3A_1413 : i32
      %add3A_1415 = arith.constant 64 : i32
      %add3A_1416 = arith.addi %mul3A_1414, %add3A_1415 : i32
      %swap3A_1417 = arith.index_cast %add3A_1416 : i32 to index
      %swap3A_1418 = tpu.vector_load %arg11[%swap3A_1417] {strides = array<i32>} : memref<4096xf32, #tpu.memory_space<vmem>>, vector<16xf32>,
      tpu.vector_store %arg11[%swap3A_1417], %broadcast_in_dim3A_3 {strides = array<i32>} : memref<4096xf32, #tpu.memory_space<vmem>>, vector<16xf32>,
      %mul3A_1419 = arith.constant 128 : i32
      %mul3A_1420 = arith.muli %add3A_1252, %mul3A_1419 : i32
      %add3A_1421 = arith.constant 80 : i32
      %add3A_1422 = arith.addi %mul3A_1420, %add3A_1421 : i32
      %swap3A_1423 = arith.index_cast %add3A_1422 : i32 to index
      %swap3A_1424 = tpu.vector_load %arg10[%swap3A_1423] {strides = array<i32>} : memref<4096xf32, #tpu.memory_space<vmem>>, vector<16xf32>,
      tpu.vector_store %arg10[%swap3A_1423], %broadcast_in_dim3A_3 {strides = array<i32>} : memref<4096xf32, #tpu.memory_space<vmem>>, vector<16xf32>,
      %mul3A_1425 = arith.constant 128 : i32
      %mul3A_1426 = arith.muli %add3A_1252, %mul3A_1425 : i32
      %add3A_1427 = arith.constant 80 : i32
      %add3A_1428 = arith.addi %mul3A_1426, %add3A_1427 : i32
      %swap3A_1429 = arith.index_cast %add3A_1428 : i32 to index
      %swap3A_1430 = tpu.vector_load %arg11[%swap3A_1429] {strides = array<i32>} : memref<4096xf32, #tpu.memory_space<vmem>>, vector<16xf32>,
      tpu.vector_store %arg11[%swap3A_1429], %broadcast_in_dim3A_3 {strides = array<i32>} : memref<4096xf32, #tpu.memory_space<vmem>>, vector<16xf32>,
      %mul3A_1431 = arith.constant 128 : i32
      %mul3A_1432 = arith.muli %add3A_1252, %mul3A_1431 : i32
      %add3A_1433 = arith.constant 96 : i32
      %add3A_1434 = arith.addi %mul3A_1432, %add3A_1433 : i32
      %swap3A_1435 = arith.index_cast %add3A_1434 : i32 to index
      %swap3A_1436 = tpu.vector_load %arg10[%swap3A_1435] {strides = array<i32>} : memref<4096xf32, #tpu.memory_space<vmem>>, vector<16xf32>,
      tpu.vector_store %arg10[%swap3A_1435], %broadcast_in_dim3A_3 {strides = array<i32>} : memref<4096xf32, #tpu.memory_space<vmem>>, vector<16xf32>,
      %mul3A_1437 = arith.constant 128 : i32
      %mul3A_1438 = arith.muli %add3A_1252, %mul3A_1437 : i32
      %add3A_1439 = arith.constant 96 : i32
      %add3A_1440 = arith.addi %mul3A_1438, %add3A_1439 : i32
      %swap3A_1441 = arith.index_cast %add3A_1440 : i32 to index
      %swap3A_1442 = tpu.vector_load %arg11[%swap3A_1441] {strides = array<i32>} : memref<4096xf32, #tpu.memory_space<vmem>>, vector<16xf32>,
      tpu.vector_store %arg11[%swap3A_1441], %broadcast_in_dim3A_3 {strides = array<i32>} : memref<4096xf32, #tpu.memory_space<vmem>>, vector<16xf32>,
      %mul3A_1443 = arith.constant 128 : i32
      %mul3A_1444 = arith.muli %add3A_1252, %mul3A_1443 : i32
      %add3A_1445 = arith.constant 112 : i32
      %add3A_1446 = arith.addi %mul3A_1444, %add3A_1445 : i32
      %swap3A_1447 = arith.index_cast %add3A_1446 : i32 to index
      %swap3A_1448 = tpu.vector_load %arg10[%swap3A_1447] {strides = array<i32>} : memref<4096xf32, #tpu.memory_space<vmem>>, vector<16xf32>,
      tpu.vector_store %arg10[%swap3A_1447], %broadcast_in_dim3A_3 {strides = array<i32>} : memref<4096xf32, #tpu.memory_space<vmem>>, vector<16xf32>,
      %mul3A_1449 = arith.constant 128 : i32
      %mul3A_1450 = arith.muli %add3A_1252, %mul3A_1449 : i32
      %add3A_1451 = arith.constant 112 : i32
      %add3A_1452 = arith.addi %mul3A_1450, %add3A_1451 : i32
      %swap3A_1453 = arith.index_cast %add3A_1452 : i32 to index
      %swap3A_1454 = tpu.vector_load %arg11[%swap3A_1453] {strides = array<i32>} : memref<4096xf32, #tpu.memory_space<vmem>>, vector<16xf32>,
      tpu.vector_store %arg11[%swap3A_1453], %broadcast_in_dim3A_3 {strides = array<i32>} : memref<4096xf32, #tpu.memory_space<vmem>>, vector<16xf32>,
      %add3A_1455 = arith.constant 4 : i32
      %add3A_1456 = arith.addi %add3A_1252, %add3A_1455 : i32
      %add3A_1457 = arith.addi %mul3A_2, %add3A_1456 : i32
      %add3A_1458 = vector.broadcast %add3A_1457 : i32 to vector<16xi32>
      %add3A_1459 = arith.addi %broadcast_in_dim3A_5, %add3A_1458 : vector<16xi32>
      %gather3A_1460 = tpu.vector_load_idx %arg7[%add3A_1459] : memref<1024xi32, #tpu.memory_space<vmem>>[vector<16xi32>], vector<16xi32>,
      %slice3A_1461 = vector.extract_strided_slice %gather3A_1460 {offsets = [0], sizes = [1], strides = [1]} : vector<16xi32> to vector<1xi32>
      %squeeze3A_1462 = vector.extract %slice3A_1461[0] : i32 from vector<1xi32>
      %shift_right_logical3A_1463 = arith.constant 7 : i32
      %shift_right_logical3A_1464 = arith.shrui %squeeze3A_1462, %shift_right_logical3A_1463 : i32
      %min3A_1465 = arith.constant 780 : i32
      %min3A_1466 = arith.minsi %shift_right_logical3A_1464, %min3A_1465 : i32
      %mul3A_1467 = arith.constant 128 : i32
      %mul3A_1468 = arith.muli %min3A_1466, %mul3A_1467 : i32
      %dma_start3A_1469 = arith.constant 2 : i32
      %dma_start3A_1470 = arith.constant 2 : i32
      %dma_start3A_1471 = arith.constant 0 : i32
      %dma_start3A_1472 = arith.constant 0 : i32
      %dma_start3A_1473 = tpu.memref_slice %arg8[%dma_start3A_1469, %dma_start3A_1471, %dma_start3A_1472] : memref<4x64x128xf32, #tpu.memory_space<vmem>> -> memref<1x64x128xf32, #tpu.memory_space<vmem>>
      %dma_start3A_1474 = tpu.memref_squeeze %dma_start3A_1473 : memref<1x64x128xf32, #tpu.memory_space<vmem>> -> memref<64x128xf32, #tpu.memory_space<vmem>>
      %dma_start3A_1475 = arith.constant 0 : i32
      %dma_start3A_1476 = tpu.memref_slice %arg2[%dma_start3A_1475, %mul3A_1468] : memref<64x100000xf32, #tpu.memory_space<hbm>> -> memref<64x128xf32, #tpu.memory_space<hbm>>
      %dma_start3A_1477 = tpu.memref_slice %arg12[%dma_start3A_1470] : memref<4x!tpu.dma_semaphore, #tpu.memory_space<semaphore_mem>> -> memref<1x!tpu.dma_semaphore, #tpu.memory_space<semaphore_mem>>
      %dma_start3A_1478 = tpu.memref_squeeze %dma_start3A_1477 : memref<1x!tpu.dma_semaphore, #tpu.memory_space<semaphore_mem>> -> memref<!tpu.dma_semaphore, #tpu.memory_space<semaphore_mem>>
      %dma_start3A_1479 = arith.constant 0 : i32
      %dma_start3A_1480 = arith.constant 0 : i32
      %dma_start3A_1481 = tpu.memref_slice %arg8[%dma_start3A_1469, %dma_start3A_1479, %dma_start3A_1480] : memref<4x64x128xf32, #tpu.memory_space<vmem>> -> memref<1x64x128xf32, #tpu.memory_space<vmem>>
      %dma_start3A_1482 = tpu.memref_squeeze %dma_start3A_1481 : memref<1x64x128xf32, #tpu.memory_space<vmem>> -> memref<64x128xf32, #tpu.memory_space<vmem>>
      %dma_start3A_1483 = arith.constant 0 : i32
      %dma_start3A_1484 = tpu.memref_slice %arg2[%dma_start3A_1483, %mul3A_1468] : memref<64x100000xf32, #tpu.memory_space<hbm>> -> memref<64x128xf32, #tpu.memory_space<hbm>>
      tpu.enqueue_dma source(%dma_start3A_1484 : memref<64x128xf32, #tpu.memory_space<hbm>>) target(%dma_start3A_1482 : memref<64x128xf32, #tpu.memory_space<vmem>>) target_semaphore(%dma_start3A_1478 : memref<!tpu.dma_semaphore, #tpu.memory_space<semaphore_mem>>)
      %dma_start3A_1485 = arith.constant 2 : i32
      %dma_start3A_1486 = arith.constant 2 : i32
      %dma_start3A_1487 = arith.constant 0 : i32
      %dma_start3A_1488 = arith.constant 0 : i32
      %dma_start3A_1489 = tpu.memref_slice %arg9[%dma_start3A_1485, %dma_start3A_1487, %dma_start3A_1488] : memref<4x64x128xf32, #tpu.memory_space<vmem>> -> memref<1x64x128xf32, #tpu.memory_space<vmem>>
      %dma_start3A_1490 = tpu.memref_squeeze %dma_start3A_1489 : memref<1x64x128xf32, #tpu.memory_space<vmem>> -> memref<64x128xf32, #tpu.memory_space<vmem>>
      %dma_start3A_1491 = arith.constant 0 : i32
      %dma_start3A_1492 = tpu.memref_slice %arg3[%dma_start3A_1491, %mul3A_1468] : memref<64x100000xf32, #tpu.memory_space<hbm>> -> memref<64x128xf32, #tpu.memory_space<hbm>>
      %dma_start3A_1493 = tpu.memref_slice %arg13[%dma_start3A_1486] : memref<4x!tpu.dma_semaphore, #tpu.memory_space<semaphore_mem>> -> memref<1x!tpu.dma_semaphore, #tpu.memory_space<semaphore_mem>>
      %dma_start3A_1494 = tpu.memref_squeeze %dma_start3A_1493 : memref<1x!tpu.dma_semaphore, #tpu.memory_space<semaphore_mem>> -> memref<!tpu.dma_semaphore, #tpu.memory_space<semaphore_mem>>
      %dma_start3A_1495 = arith.constant 0 : i32
      %dma_start3A_1496 = arith.constant 0 : i32
      %dma_start3A_1497 = tpu.memref_slice %arg9[%dma_start3A_1485, %dma_start3A_1495, %dma_start3A_1496] : memref<4x64x128xf32, #tpu.memory_space<vmem>> -> memref<1x64x128xf32, #tpu.memory_space<vmem>>
      %dma_start3A_1498 = tpu.memref_squeeze %dma_start3A_1497 : memref<1x64x128xf32, #tpu.memory_space<vmem>> -> memref<64x128xf32, #tpu.memory_space<vmem>>
      %dma_start3A_1499 = arith.constant 0 : i32
      %dma_start3A_1500 = tpu.memref_slice %arg3[%dma_start3A_1499, %mul3A_1468] : memref<64x100000xf32, #tpu.memory_space<hbm>> -> memref<64x128xf32, #tpu.memory_space<hbm>>
      tpu.enqueue_dma source(%dma_start3A_1500 : memref<64x128xf32, #tpu.memory_space<hbm>>) target(%dma_start3A_1498 : memref<64x128xf32, #tpu.memory_space<vmem>>) target_semaphore(%dma_start3A_1494 : memref<!tpu.dma_semaphore, #tpu.memory_space<semaphore_mem>>)
      %mul3A_1501 = arith.constant 4 : i32
      %mul3A_1502 = arith.muli %scan3A_743, %mul3A_1501 : i32
      %add3A_1503 = arith.constant 3 : i32
      %add3A_1504 = arith.addi %mul3A_1502, %add3A_1503 : i32
      %dma_wait3A_1505 = arith.constant 3 : i32
      %dma_wait3A_1506 = arith.constant 3 : i32
      %dma_wait3A_1507 = arith.constant 0 : i32
      %dma_wait3A_1508 = arith.constant 0 : i32
      %dma_wait3A_1509 = tpu.memref_slice %arg8[%dma_wait3A_1505, %dma_wait3A_1507, %dma_wait3A_1508] : memref<4x64x128xf32, #tpu.memory_space<vmem>> -> memref<1x64x128xf32, #tpu.memory_space<vmem>>
      %dma_wait3A_1510 = tpu.memref_squeeze %dma_wait3A_1509 : memref<1x64x128xf32, #tpu.memory_space<vmem>> -> memref<64x128xf32, #tpu.memory_space<vmem>>
      %dma_wait3A_1511 = arith.constant 0 : i32
      %dma_wait3A_1512 = arith.constant 0 : i32
      %dma_wait3A_1513 = tpu.memref_slice %arg2[%dma_wait3A_1511, %dma_wait3A_1512] : memref<64x100000xf32, #tpu.memory_space<hbm>> -> memref<64x128xf32, #tpu.memory_space<hbm>>
      %dma_wait3A_1514 = tpu.memref_slice %arg12[%dma_wait3A_1506] : memref<4x!tpu.dma_semaphore, #tpu.memory_space<semaphore_mem>> -> memref<1x!tpu.dma_semaphore, #tpu.memory_space<semaphore_mem>>
      %dma_wait3A_1515 = tpu.memref_squeeze %dma_wait3A_1514 : memref<1x!tpu.dma_semaphore, #tpu.memory_space<semaphore_mem>> -> memref<!tpu.dma_semaphore, #tpu.memory_space<semaphore_mem>>
      %dma_wait3A_1516 = arith.constant 0 : i32
      %dma_wait3A_1517 = arith.constant 0 : i32
      %dma_wait3A_1518 = tpu.memref_slice %arg8[%dma_wait3A_1505, %dma_wait3A_1516, %dma_wait3A_1517] : memref<4x64x128xf32, #tpu.memory_space<vmem>> -> memref<1x64x128xf32, #tpu.memory_space<vmem>>
      %dma_wait3A_1519 = tpu.memref_squeeze %dma_wait3A_1518 : memref<1x64x128xf32, #tpu.memory_space<vmem>> -> memref<64x128xf32, #tpu.memory_space<vmem>>
      %dma_wait3A_1520 = arith.constant 0 : i32
      %dma_wait3A_1521 = arith.constant 0 : i32
      %dma_wait3A_1522 = tpu.memref_slice %arg2[%dma_wait3A_1520, %dma_wait3A_1521] : memref<64x100000xf32, #tpu.memory_space<hbm>> -> memref<64x128xf32, #tpu.memory_space<hbm>>
      tpu.wait_dma2 semaphore(%dma_wait3A_1515 : memref<!tpu.dma_semaphore, #tpu.memory_space<semaphore_mem>>) src(%dma_wait3A_1522 : memref<64x128xf32, #tpu.memory_space<hbm>>) dst(%dma_wait3A_1519 : memref<64x128xf32, #tpu.memory_space<vmem>>)
      %dma_wait3A_1523 = arith.constant 3 : i32
      %dma_wait3A_1524 = arith.constant 3 : i32
      %dma_wait3A_1525 = arith.constant 0 : i32
      %dma_wait3A_1526 = arith.constant 0 : i32
      %dma_wait3A_1527 = tpu.memref_slice %arg9[%dma_wait3A_1523, %dma_wait3A_1525, %dma_wait3A_1526] : memref<4x64x128xf32, #tpu.memory_space<vmem>> -> memref<1x64x128xf32, #tpu.memory_space<vmem>>
      %dma_wait3A_1528 = tpu.memref_squeeze %dma_wait3A_1527 : memref<1x64x128xf32, #tpu.memory_space<vmem>> -> memref<64x128xf32, #tpu.memory_space<vmem>>
      %dma_wait3A_1529 = arith.constant 0 : i32
      %dma_wait3A_1530 = arith.constant 0 : i32
      %dma_wait3A_1531 = tpu.memref_slice %arg3[%dma_wait3A_1529, %dma_wait3A_1530] : memref<64x100000xf32, #tpu.memory_space<hbm>> -> memref<64x128xf32, #tpu.memory_space<hbm>>
      %dma_wait3A_1532 = tpu.memref_slice %arg13[%dma_wait3A_1524] : memref<4x!tpu.dma_semaphore, #tpu.memory_space<semaphore_mem>> -> memref<1x!tpu.dma_semaphore, #tpu.memory_space<semaphore_mem>>
      %dma_wait3A_1533 = tpu.memref_squeeze %dma_wait3A_1532 : memref<1x!tpu.dma_semaphore, #tpu.memory_space<semaphore_mem>> -> memref<!tpu.dma_semaphore, #tpu.memory_space<semaphore_mem>>
      %dma_wait3A_1534 = arith.constant 0 : i32
      %dma_wait3A_1535 = arith.constant 0 : i32
      %dma_wait3A_1536 = tpu.memref_slice %arg9[%dma_wait3A_1523, %dma_wait3A_1534, %dma_wait3A_1535] : memref<4x64x128xf32, #tpu.memory_space<vmem>> -> memref<1x64x128xf32, #tpu.memory_space<vmem>>
      %dma_wait3A_1537 = tpu.memref_squeeze %dma_wait3A_1536 : memref<1x64x128xf32, #tpu.memory_space<vmem>> -> memref<64x128xf32, #tpu.memory_space<vmem>>
      %dma_wait3A_1538 = arith.constant 0 : i32
      %dma_wait3A_1539 = arith.constant 0 : i32
      %dma_wait3A_1540 = tpu.memref_slice %arg3[%dma_wait3A_1538, %dma_wait3A_1539] : memref<64x100000xf32, #tpu.memory_space<hbm>> -> memref<64x128xf32, #tpu.memory_space<hbm>>
      tpu.wait_dma2 semaphore(%dma_wait3A_1533 : memref<!tpu.dma_semaphore, #tpu.memory_space<semaphore_mem>>) src(%dma_wait3A_1540 : memref<64x128xf32, #tpu.memory_space<hbm>>) dst(%dma_wait3A_1537 : memref<64x128xf32, #tpu.memory_space<vmem>>)
      %add3A_1541 = arith.addi %mul3A_2, %add3A_1504 : i32
      %add3A_1542 = vector.broadcast %add3A_1541 : i32 to vector<16xi32>
      %add3A_1543 = arith.addi %broadcast_in_dim3A_5, %add3A_1542 : vector<16xi32>
      %gather3A_1544 = tpu.vector_load_idx %arg7[%add3A_1543] : memref<1024xi32, #tpu.memory_space<vmem>>[vector<16xi32>], vector<16xi32>,
      %slice3A_1545 = vector.extract_strided_slice %gather3A_1544 {offsets = [0], sizes = [1], strides = [1]} : vector<16xi32> to vector<1xi32>
      %squeeze3A_1546 = vector.extract %slice3A_1545[0] : i32 from vector<1xi32>
      %and3A_1547 = arith.constant 127 : i32
      %and3A_1548 = arith.andi %squeeze3A_1546, %and3A_1547 : i32
      %add3A_1549 = vector.broadcast %and3A_1548 : i32 to vector<16xi32>
      %add3A_1550 = arith.addi %broadcast_in_dim3A_5, %add3A_1549 : vector<16xi32>
      %add3A_1551 = arith.constant 0 : i32
      %add3A_1552 = vector.broadcast %add3A_1551 : i32 to vector<16xi32>
      %add3A_1553 = arith.addi %iota3A, %add3A_1552 : vector<16xi32>
      %gather3A_1554 = arith.constant 3 : i32
      %gather3A_1555 = arith.constant 0 : i32
      %gather3A_1556 = arith.constant 0 : i32
      %gather3A_1557 = tpu.memref_slice %arg8[%gather3A_1554, %gather3A_1555, %gather3A_1556] : memref<4x64x128xf32, #tpu.memory_space<vmem>> -> memref<1x64x128xf32, #tpu.memory_space<vmem>>
      %gather3A_1558 = tpu.memref_squeeze %gather3A_1557 : memref<1x64x128xf32, #tpu.memory_space<vmem>> -> memref<64x128xf32, #tpu.memory_space<vmem>>
      %gather3A_1559 = tpu.vector_load_idx %gather3A_1558[%add3A_1553, %add3A_1550] : memref<64x128xf32, #tpu.memory_space<vmem>>[vector<16xi32>, vector<16xi32>], vector<16xf32>,
      %mul3A_1560 = arith.constant 128 : i32
      %mul3A_1561 = arith.muli %add3A_1504, %mul3A_1560 : i32
      %add3A_1562 = arith.constant 0 : i32
      %add3A_1563 = arith.addi %mul3A_1561, %add3A_1562 : i32
      %swap3A_1564 = arith.index_cast %add3A_1563 : i32 to index
      %swap3A_1565 = tpu.vector_load %arg10[%swap3A_1564] {strides = array<i32>} : memref<4096xf32, #tpu.memory_space<vmem>>, vector<16xf32>,
      tpu.vector_store %arg10[%swap3A_1564], %gather3A_1559 {strides = array<i32>} : memref<4096xf32, #tpu.memory_space<vmem>>, vector<16xf32>,
      %gather3A_1566 = arith.constant 3 : i32
      %gather3A_1567 = arith.constant 0 : i32
      %gather3A_1568 = arith.constant 0 : i32
      %gather3A_1569 = tpu.memref_slice %arg9[%gather3A_1566, %gather3A_1567, %gather3A_1568] : memref<4x64x128xf32, #tpu.memory_space<vmem>> -> memref<1x64x128xf32, #tpu.memory_space<vmem>>
      %gather3A_1570 = tpu.memref_squeeze %gather3A_1569 : memref<1x64x128xf32, #tpu.memory_space<vmem>> -> memref<64x128xf32, #tpu.memory_space<vmem>>
      %gather3A_1571 = tpu.vector_load_idx %gather3A_1570[%add3A_1553, %add3A_1550] : memref<64x128xf32, #tpu.memory_space<vmem>>[vector<16xi32>, vector<16xi32>], vector<16xf32>,
      %mul3A_1572 = arith.constant 128 : i32
      %mul3A_1573 = arith.muli %add3A_1504, %mul3A_1572 : i32
      %add3A_1574 = arith.constant 0 : i32
      %add3A_1575 = arith.addi %mul3A_1573, %add3A_1574 : i32
      %swap3A_1576 = arith.index_cast %add3A_1575 : i32 to index
      %swap3A_1577 = tpu.vector_load %arg11[%swap3A_1576] {strides = array<i32>} : memref<4096xf32, #tpu.memory_space<vmem>>, vector<16xf32>,
      tpu.vector_store %arg11[%swap3A_1576], %gather3A_1571 {strides = array<i32>} : memref<4096xf32, #tpu.memory_space<vmem>>, vector<16xf32>,
      %add3A_1578 = arith.constant 16 : i32
      %add3A_1579 = vector.broadcast %add3A_1578 : i32 to vector<16xi32>
      %add3A_1580 = arith.addi %iota3A, %add3A_1579 : vector<16xi32>
      %gather3A_1581 = arith.constant 3 : i32
      %gather3A_1582 = arith.constant 0 : i32
      %gather3A_1583 = arith.constant 0 : i32
      %gather3A_1584 = tpu.memref_slice %arg8[%gather3A_1581, %gather3A_1582, %gather3A_1583] : memref<4x64x128xf32, #tpu.memory_space<vmem>> -> memref<1x64x128xf32, #tpu.memory_space<vmem>>
      %gather3A_1585 = tpu.memref_squeeze %gather3A_1584 : memref<1x64x128xf32, #tpu.memory_space<vmem>> -> memref<64x128xf32, #tpu.memory_space<vmem>>
      %gather3A_1586 = tpu.vector_load_idx %gather3A_1585[%add3A_1580, %add3A_1550] : memref<64x128xf32, #tpu.memory_space<vmem>>[vector<16xi32>, vector<16xi32>], vector<16xf32>,
      %mul3A_1587 = arith.constant 128 : i32
      %mul3A_1588 = arith.muli %add3A_1504, %mul3A_1587 : i32
      %add3A_1589 = arith.constant 16 : i32
      %add3A_1590 = arith.addi %mul3A_1588, %add3A_1589 : i32
      %swap3A_1591 = arith.index_cast %add3A_1590 : i32 to index
      %swap3A_1592 = tpu.vector_load %arg10[%swap3A_1591] {strides = array<i32>} : memref<4096xf32, #tpu.memory_space<vmem>>, vector<16xf32>,
      tpu.vector_store %arg10[%swap3A_1591], %gather3A_1586 {strides = array<i32>} : memref<4096xf32, #tpu.memory_space<vmem>>, vector<16xf32>,
      %gather3A_1593 = arith.constant 3 : i32
      %gather3A_1594 = arith.constant 0 : i32
      %gather3A_1595 = arith.constant 0 : i32
      %gather3A_1596 = tpu.memref_slice %arg9[%gather3A_1593, %gather3A_1594, %gather3A_1595] : memref<4x64x128xf32, #tpu.memory_space<vmem>> -> memref<1x64x128xf32, #tpu.memory_space<vmem>>
      %gather3A_1597 = tpu.memref_squeeze %gather3A_1596 : memref<1x64x128xf32, #tpu.memory_space<vmem>> -> memref<64x128xf32, #tpu.memory_space<vmem>>
      %gather3A_1598 = tpu.vector_load_idx %gather3A_1597[%add3A_1580, %add3A_1550] : memref<64x128xf32, #tpu.memory_space<vmem>>[vector<16xi32>, vector<16xi32>], vector<16xf32>,
      %mul3A_1599 = arith.constant 128 : i32
      %mul3A_1600 = arith.muli %add3A_1504, %mul3A_1599 : i32
      %add3A_1601 = arith.constant 16 : i32
      %add3A_1602 = arith.addi %mul3A_1600, %add3A_1601 : i32
      %swap3A_1603 = arith.index_cast %add3A_1602 : i32 to index
      %swap3A_1604 = tpu.vector_load %arg11[%swap3A_1603] {strides = array<i32>} : memref<4096xf32, #tpu.memory_space<vmem>>, vector<16xf32>,
      tpu.vector_store %arg11[%swap3A_1603], %gather3A_1598 {strides = array<i32>} : memref<4096xf32, #tpu.memory_space<vmem>>, vector<16xf32>,
      %add3A_1605 = arith.constant 32 : i32
      %add3A_1606 = vector.broadcast %add3A_1605 : i32 to vector<16xi32>
      %add3A_1607 = arith.addi %iota3A, %add3A_1606 : vector<16xi32>
      %gather3A_1608 = arith.constant 3 : i32
      %gather3A_1609 = arith.constant 0 : i32
      %gather3A_1610 = arith.constant 0 : i32
      %gather3A_1611 = tpu.memref_slice %arg8[%gather3A_1608, %gather3A_1609, %gather3A_1610] : memref<4x64x128xf32, #tpu.memory_space<vmem>> -> memref<1x64x128xf32, #tpu.memory_space<vmem>>
      %gather3A_1612 = tpu.memref_squeeze %gather3A_1611 : memref<1x64x128xf32, #tpu.memory_space<vmem>> -> memref<64x128xf32, #tpu.memory_space<vmem>>
      %gather3A_1613 = tpu.vector_load_idx %gather3A_1612[%add3A_1607, %add3A_1550] : memref<64x128xf32, #tpu.memory_space<vmem>>[vector<16xi32>, vector<16xi32>], vector<16xf32>,
      %mul3A_1614 = arith.constant 128 : i32
      %mul3A_1615 = arith.muli %add3A_1504, %mul3A_1614 : i32
      %add3A_1616 = arith.constant 32 : i32
      %add3A_1617 = arith.addi %mul3A_1615, %add3A_1616 : i32
      %swap3A_1618 = arith.index_cast %add3A_1617 : i32 to index
      %swap3A_1619 = tpu.vector_load %arg10[%swap3A_1618] {strides = array<i32>} : memref<4096xf32, #tpu.memory_space<vmem>>, vector<16xf32>,
      tpu.vector_store %arg10[%swap3A_1618], %gather3A_1613 {strides = array<i32>} : memref<4096xf32, #tpu.memory_space<vmem>>, vector<16xf32>,
      %gather3A_1620 = arith.constant 3 : i32
      %gather3A_1621 = arith.constant 0 : i32
      %gather3A_1622 = arith.constant 0 : i32
      %gather3A_1623 = tpu.memref_slice %arg9[%gather3A_1620, %gather3A_1621, %gather3A_1622] : memref<4x64x128xf32, #tpu.memory_space<vmem>> -> memref<1x64x128xf32, #tpu.memory_space<vmem>>
      %gather3A_1624 = tpu.memref_squeeze %gather3A_1623 : memref<1x64x128xf32, #tpu.memory_space<vmem>> -> memref<64x128xf32, #tpu.memory_space<vmem>>
      %gather3A_1625 = tpu.vector_load_idx %gather3A_1624[%add3A_1607, %add3A_1550] : memref<64x128xf32, #tpu.memory_space<vmem>>[vector<16xi32>, vector<16xi32>], vector<16xf32>,
      %mul3A_1626 = arith.constant 128 : i32
      %mul3A_1627 = arith.muli %add3A_1504, %mul3A_1626 : i32
      %add3A_1628 = arith.constant 32 : i32
      %add3A_1629 = arith.addi %mul3A_1627, %add3A_1628 : i32
      %swap3A_1630 = arith.index_cast %add3A_1629 : i32 to index
      %swap3A_1631 = tpu.vector_load %arg11[%swap3A_1630] {strides = array<i32>} : memref<4096xf32, #tpu.memory_space<vmem>>, vector<16xf32>,
      tpu.vector_store %arg11[%swap3A_1630], %gather3A_1625 {strides = array<i32>} : memref<4096xf32, #tpu.memory_space<vmem>>, vector<16xf32>,
      %add3A_1632 = arith.constant 48 : i32
      %add3A_1633 = vector.broadcast %add3A_1632 : i32 to vector<16xi32>
      %add3A_1634 = arith.addi %iota3A, %add3A_1633 : vector<16xi32>
      %gather3A_1635 = arith.constant 3 : i32
      %gather3A_1636 = arith.constant 0 : i32
      %gather3A_1637 = arith.constant 0 : i32
      %gather3A_1638 = tpu.memref_slice %arg8[%gather3A_1635, %gather3A_1636, %gather3A_1637] : memref<4x64x128xf32, #tpu.memory_space<vmem>> -> memref<1x64x128xf32, #tpu.memory_space<vmem>>
      %gather3A_1639 = tpu.memref_squeeze %gather3A_1638 : memref<1x64x128xf32, #tpu.memory_space<vmem>> -> memref<64x128xf32, #tpu.memory_space<vmem>>
      %gather3A_1640 = tpu.vector_load_idx %gather3A_1639[%add3A_1634, %add3A_1550] : memref<64x128xf32, #tpu.memory_space<vmem>>[vector<16xi32>, vector<16xi32>], vector<16xf32>,
      %mul3A_1641 = arith.constant 128 : i32
      %mul3A_1642 = arith.muli %add3A_1504, %mul3A_1641 : i32
      %add3A_1643 = arith.constant 48 : i32
      %add3A_1644 = arith.addi %mul3A_1642, %add3A_1643 : i32
      %swap3A_1645 = arith.index_cast %add3A_1644 : i32 to index
      %swap3A_1646 = tpu.vector_load %arg10[%swap3A_1645] {strides = array<i32>} : memref<4096xf32, #tpu.memory_space<vmem>>, vector<16xf32>,
      tpu.vector_store %arg10[%swap3A_1645], %gather3A_1640 {strides = array<i32>} : memref<4096xf32, #tpu.memory_space<vmem>>, vector<16xf32>,
      %gather3A_1647 = arith.constant 3 : i32
      %gather3A_1648 = arith.constant 0 : i32
      %gather3A_1649 = arith.constant 0 : i32
      %gather3A_1650 = tpu.memref_slice %arg9[%gather3A_1647, %gather3A_1648, %gather3A_1649] : memref<4x64x128xf32, #tpu.memory_space<vmem>> -> memref<1x64x128xf32, #tpu.memory_space<vmem>>
      %gather3A_1651 = tpu.memref_squeeze %gather3A_1650 : memref<1x64x128xf32, #tpu.memory_space<vmem>> -> memref<64x128xf32, #tpu.memory_space<vmem>>
      %gather3A_1652 = tpu.vector_load_idx %gather3A_1651[%add3A_1634, %add3A_1550] : memref<64x128xf32, #tpu.memory_space<vmem>>[vector<16xi32>, vector<16xi32>], vector<16xf32>,
      %mul3A_1653 = arith.constant 128 : i32
      %mul3A_1654 = arith.muli %add3A_1504, %mul3A_1653 : i32
      %add3A_1655 = arith.constant 48 : i32
      %add3A_1656 = arith.addi %mul3A_1654, %add3A_1655 : i32
      %swap3A_1657 = arith.index_cast %add3A_1656 : i32 to index
      %swap3A_1658 = tpu.vector_load %arg11[%swap3A_1657] {strides = array<i32>} : memref<4096xf32, #tpu.memory_space<vmem>>, vector<16xf32>,
      tpu.vector_store %arg11[%swap3A_1657], %gather3A_1652 {strides = array<i32>} : memref<4096xf32, #tpu.memory_space<vmem>>, vector<16xf32>,
      %mul3A_1659 = arith.constant 128 : i32
      %mul3A_1660 = arith.muli %add3A_1504, %mul3A_1659 : i32
      %add3A_1661 = arith.constant 64 : i32
      %add3A_1662 = arith.addi %mul3A_1660, %add3A_1661 : i32
      %swap3A_1663 = arith.index_cast %add3A_1662 : i32 to index
      %swap3A_1664 = tpu.vector_load %arg10[%swap3A_1663] {strides = array<i32>} : memref<4096xf32, #tpu.memory_space<vmem>>, vector<16xf32>,
      tpu.vector_store %arg10[%swap3A_1663], %broadcast_in_dim3A_3 {strides = array<i32>} : memref<4096xf32, #tpu.memory_space<vmem>>, vector<16xf32>,
      %mul3A_1665 = arith.constant 128 : i32
      %mul3A_1666 = arith.muli %add3A_1504, %mul3A_1665 : i32
      %add3A_1667 = arith.constant 64 : i32
      %add3A_1668 = arith.addi %mul3A_1666, %add3A_1667 : i32
      %swap3A_1669 = arith.index_cast %add3A_1668 : i32 to index
      %swap3A_1670 = tpu.vector_load %arg11[%swap3A_1669] {strides = array<i32>} : memref<4096xf32, #tpu.memory_space<vmem>>, vector<16xf32>,
      tpu.vector_store %arg11[%swap3A_1669], %broadcast_in_dim3A_3 {strides = array<i32>} : memref<4096xf32, #tpu.memory_space<vmem>>, vector<16xf32>,
      %mul3A_1671 = arith.constant 128 : i32
      %mul3A_1672 = arith.muli %add3A_1504, %mul3A_1671 : i32
      %add3A_1673 = arith.constant 80 : i32
      %add3A_1674 = arith.addi %mul3A_1672, %add3A_1673 : i32
      %swap3A_1675 = arith.index_cast %add3A_1674 : i32 to index
      %swap3A_1676 = tpu.vector_load %arg10[%swap3A_1675] {strides = array<i32>} : memref<4096xf32, #tpu.memory_space<vmem>>, vector<16xf32>,
      tpu.vector_store %arg10[%swap3A_1675], %broadcast_in_dim3A_3 {strides = array<i32>} : memref<4096xf32, #tpu.memory_space<vmem>>, vector<16xf32>,
      %mul3A_1677 = arith.constant 128 : i32
      %mul3A_1678 = arith.muli %add3A_1504, %mul3A_1677 : i32
      %add3A_1679 = arith.constant 80 : i32
      %add3A_1680 = arith.addi %mul3A_1678, %add3A_1679 : i32
      %swap3A_1681 = arith.index_cast %add3A_1680 : i32 to index
      %swap3A_1682 = tpu.vector_load %arg11[%swap3A_1681] {strides = array<i32>} : memref<4096xf32, #tpu.memory_space<vmem>>, vector<16xf32>,
      tpu.vector_store %arg11[%swap3A_1681], %broadcast_in_dim3A_3 {strides = array<i32>} : memref<4096xf32, #tpu.memory_space<vmem>>, vector<16xf32>,
      %mul3A_1683 = arith.constant 128 : i32
      %mul3A_1684 = arith.muli %add3A_1504, %mul3A_1683 : i32
      %add3A_1685 = arith.constant 96 : i32
      %add3A_1686 = arith.addi %mul3A_1684, %add3A_1685 : i32
      %swap3A_1687 = arith.index_cast %add3A_1686 : i32 to index
      %swap3A_1688 = tpu.vector_load %arg10[%swap3A_1687] {strides = array<i32>} : memref<4096xf32, #tpu.memory_space<vmem>>, vector<16xf32>,
      tpu.vector_store %arg10[%swap3A_1687], %broadcast_in_dim3A_3 {strides = array<i32>} : memref<4096xf32, #tpu.memory_space<vmem>>, vector<16xf32>,
      %mul3A_1689 = arith.constant 128 : i32
      %mul3A_1690 = arith.muli %add3A_1504, %mul3A_1689 : i32
      %add3A_1691 = arith.constant 96 : i32
      %add3A_1692 = arith.addi %mul3A_1690, %add3A_1691 : i32
      %swap3A_1693 = arith.index_cast %add3A_1692 : i32 to index
      %swap3A_1694 = tpu.vector_load %arg11[%swap3A_1693] {strides = array<i32>} : memref<4096xf32, #tpu.memory_space<vmem>>, vector<16xf32>,
      tpu.vector_store %arg11[%swap3A_1693], %broadcast_in_dim3A_3 {strides = array<i32>} : memref<4096xf32, #tpu.memory_space<vmem>>, vector<16xf32>,
      %mul3A_1695 = arith.constant 128 : i32
      %mul3A_1696 = arith.muli %add3A_1504, %mul3A_1695 : i32
      %add3A_1697 = arith.constant 112 : i32
      %add3A_1698 = arith.addi %mul3A_1696, %add3A_1697 : i32
      %swap3A_1699 = arith.index_cast %add3A_1698 : i32 to index
      %swap3A_1700 = tpu.vector_load %arg10[%swap3A_1699] {strides = array<i32>} : memref<4096xf32, #tpu.memory_space<vmem>>, vector<16xf32>,
      tpu.vector_store %arg10[%swap3A_1699], %broadcast_in_dim3A_3 {strides = array<i32>} : memref<4096xf32, #tpu.memory_space<vmem>>, vector<16xf32>,
      %mul3A_1701 = arith.constant 128 : i32
      %mul3A_1702 = arith.muli %add3A_1504, %mul3A_1701 : i32
      %add3A_1703 = arith.constant 112 : i32
      %add3A_1704 = arith.addi %mul3A_1702, %add3A_1703 : i32
      %swap3A_1705 = arith.index_cast %add3A_1704 : i32 to index
      %swap3A_1706 = tpu.vector_load %arg11[%swap3A_1705] {strides = array<i32>} : memref<4096xf32, #tpu.memory_space<vmem>>, vector<16xf32>,
      tpu.vector_store %arg11[%swap3A_1705], %broadcast_in_dim3A_3 {strides = array<i32>} : memref<4096xf32, #tpu.memory_space<vmem>>, vector<16xf32>,
      %add3A_1707 = arith.constant 4 : i32
      %add3A_1708 = arith.addi %add3A_1504, %add3A_1707 : i32
      %add3A_1709 = arith.addi %mul3A_2, %add3A_1708 : i32
      %add3A_1710 = vector.broadcast %add3A_1709 : i32 to vector<16xi32>
      %add3A_1711 = arith.addi %broadcast_in_dim3A_5, %add3A_1710 : vector<16xi32>
      %gather3A_1712 = tpu.vector_load_idx %arg7[%add3A_1711] : memref<1024xi32, #tpu.memory_space<vmem>>[vector<16xi32>], vector<16xi32>,
      %slice3A_1713 = vector.extract_strided_slice %gather3A_1712 {offsets = [0], sizes = [1], strides = [1]} : vector<16xi32> to vector<1xi32>
      %squeeze3A_1714 = vector.extract %slice3A_1713[0] : i32 from vector<1xi32>
      %shift_right_logical3A_1715 = arith.constant 7 : i32
      %shift_right_logical3A_1716 = arith.shrui %squeeze3A_1714, %shift_right_logical3A_1715 : i32
      %min3A_1717 = arith.constant 780 : i32
      %min3A_1718 = arith.minsi %shift_right_logical3A_1716, %min3A_1717 : i32
      %mul3A_1719 = arith.constant 128 : i32
      %mul3A_1720 = arith.muli %min3A_1718, %mul3A_1719 : i32
      %dma_start3A_1721 = arith.constant 3 : i32
      %dma_start3A_1722 = arith.constant 3 : i32
      %dma_start3A_1723 = arith.constant 0 : i32
      %dma_start3A_1724 = arith.constant 0 : i32
      %dma_start3A_1725 = tpu.memref_slice %arg8[%dma_start3A_1721, %dma_start3A_1723, %dma_start3A_1724] : memref<4x64x128xf32, #tpu.memory_space<vmem>> -> memref<1x64x128xf32, #tpu.memory_space<vmem>>
      %dma_start3A_1726 = tpu.memref_squeeze %dma_start3A_1725 : memref<1x64x128xf32, #tpu.memory_space<vmem>> -> memref<64x128xf32, #tpu.memory_space<vmem>>
      %dma_start3A_1727 = arith.constant 0 : i32
      %dma_start3A_1728 = tpu.memref_slice %arg2[%dma_start3A_1727, %mul3A_1720] : memref<64x100000xf32, #tpu.memory_space<hbm>> -> memref<64x128xf32, #tpu.memory_space<hbm>>
      %dma_start3A_1729 = tpu.memref_slice %arg12[%dma_start3A_1722] : memref<4x!tpu.dma_semaphore, #tpu.memory_space<semaphore_mem>> -> memref<1x!tpu.dma_semaphore, #tpu.memory_space<semaphore_mem>>
      %dma_start3A_1730 = tpu.memref_squeeze %dma_start3A_1729 : memref<1x!tpu.dma_semaphore, #tpu.memory_space<semaphore_mem>> -> memref<!tpu.dma_semaphore, #tpu.memory_space<semaphore_mem>>
      %dma_start3A_1731 = arith.constant 0 : i32
      %dma_start3A_1732 = arith.constant 0 : i32
      %dma_start3A_1733 = tpu.memref_slice %arg8[%dma_start3A_1721, %dma_start3A_1731, %dma_start3A_1732] : memref<4x64x128xf32, #tpu.memory_space<vmem>> -> memref<1x64x128xf32, #tpu.memory_space<vmem>>
      %dma_start3A_1734 = tpu.memref_squeeze %dma_start3A_1733 : memref<1x64x128xf32, #tpu.memory_space<vmem>> -> memref<64x128xf32, #tpu.memory_space<vmem>>
      %dma_start3A_1735 = arith.constant 0 : i32
      %dma_start3A_1736 = tpu.memref_slice %arg2[%dma_start3A_1735, %mul3A_1720] : memref<64x100000xf32, #tpu.memory_space<hbm>> -> memref<64x128xf32, #tpu.memory_space<hbm>>
      tpu.enqueue_dma source(%dma_start3A_1736 : memref<64x128xf32, #tpu.memory_space<hbm>>) target(%dma_start3A_1734 : memref<64x128xf32, #tpu.memory_space<vmem>>) target_semaphore(%dma_start3A_1730 : memref<!tpu.dma_semaphore, #tpu.memory_space<semaphore_mem>>)
      %dma_start3A_1737 = arith.constant 3 : i32
      %dma_start3A_1738 = arith.constant 3 : i32
      %dma_start3A_1739 = arith.constant 0 : i32
      %dma_start3A_1740 = arith.constant 0 : i32
      %dma_start3A_1741 = tpu.memref_slice %arg9[%dma_start3A_1737, %dma_start3A_1739, %dma_start3A_1740] : memref<4x64x128xf32, #tpu.memory_space<vmem>> -> memref<1x64x128xf32, #tpu.memory_space<vmem>>
      %dma_start3A_1742 = tpu.memref_squeeze %dma_start3A_1741 : memref<1x64x128xf32, #tpu.memory_space<vmem>> -> memref<64x128xf32, #tpu.memory_space<vmem>>
      %dma_start3A_1743 = arith.constant 0 : i32
      %dma_start3A_1744 = tpu.memref_slice %arg3[%dma_start3A_1743, %mul3A_1720] : memref<64x100000xf32, #tpu.memory_space<hbm>> -> memref<64x128xf32, #tpu.memory_space<hbm>>
      %dma_start3A_1745 = tpu.memref_slice %arg13[%dma_start3A_1738] : memref<4x!tpu.dma_semaphore, #tpu.memory_space<semaphore_mem>> -> memref<1x!tpu.dma_semaphore, #tpu.memory_space<semaphore_mem>>
      %dma_start3A_1746 = tpu.memref_squeeze %dma_start3A_1745 : memref<1x!tpu.dma_semaphore, #tpu.memory_space<semaphore_mem>> -> memref<!tpu.dma_semaphore, #tpu.memory_space<semaphore_mem>>
      %dma_start3A_1747 = arith.constant 0 : i32
      %dma_start3A_1748 = arith.constant 0 : i32
      %dma_start3A_1749 = tpu.memref_slice %arg9[%dma_start3A_1737, %dma_start3A_1747, %dma_start3A_1748] : memref<4x64x128xf32, #tpu.memory_space<vmem>> -> memref<1x64x128xf32, #tpu.memory_space<vmem>>
      %dma_start3A_1750 = tpu.memref_squeeze %dma_start3A_1749 : memref<1x64x128xf32, #tpu.memory_space<vmem>> -> memref<64x128xf32, #tpu.memory_space<vmem>>
      %dma_start3A_1751 = arith.constant 0 : i32
      %dma_start3A_1752 = tpu.memref_slice %arg3[%dma_start3A_1751, %mul3A_1720] : memref<64x100000xf32, #tpu.memory_space<hbm>> -> memref<64x128xf32, #tpu.memory_space<hbm>>
      tpu.enqueue_dma source(%dma_start3A_1752 : memref<64x128xf32, #tpu.memory_space<hbm>>) target(%dma_start3A_1750 : memref<64x128xf32, #tpu.memory_space<vmem>>) target_semaphore(%dma_start3A_1746 : memref<!tpu.dma_semaphore, #tpu.memory_space<semaphore_mem>>)
      %scan3A_1753 = arith.constant 0 : i32
      scf.yield %scan3A_1753 : i32
    }
    %scan3A_185 = arith.constant 7 : i32
    %dma_wait3A = arith.constant 0 : i32
    %dma_wait3A_186 = arith.constant 0 : i32
    %dma_wait3A_187 = arith.constant 0 : i32
    %dma_wait3A_188 = arith.constant 0 : i32
    %dma_wait3A_189 = tpu.memref_slice %arg8[%dma_wait3A, %dma_wait3A_187, %dma_wait3A_188] : memref<4x64x128xf32, #tpu.memory_space<vmem>> -> memref<1x64x128xf32, #tpu.memory_space<vmem>>
    %dma_wait3A_190 = tpu.memref_squeeze %dma_wait3A_189 : memref<1x64x128xf32, #tpu.memory_space<vmem>> -> memref<64x128xf32, #tpu.memory_space<vmem>>
    %dma_wait3A_191 = arith.constant 0 : i32
    %dma_wait3A_192 = arith.constant 0 : i32
    %dma_wait3A_193 = tpu.memref_slice %arg2[%dma_wait3A_191, %dma_wait3A_192] : memref<64x100000xf32, #tpu.memory_space<hbm>> -> memref<64x128xf32, #tpu.memory_space<hbm>>
    %dma_wait3A_194 = tpu.memref_slice %arg12[%dma_wait3A_186] : memref<4x!tpu.dma_semaphore, #tpu.memory_space<semaphore_mem>> -> memref<1x!tpu.dma_semaphore, #tpu.memory_space<semaphore_mem>>
    %dma_wait3A_195 = tpu.memref_squeeze %dma_wait3A_194 : memref<1x!tpu.dma_semaphore, #tpu.memory_space<semaphore_mem>> -> memref<!tpu.dma_semaphore, #tpu.memory_space<semaphore_mem>>
    %dma_wait3A_196 = arith.constant 0 : i32
    %dma_wait3A_197 = arith.constant 0 : i32
    %dma_wait3A_198 = tpu.memref_slice %arg8[%dma_wait3A, %dma_wait3A_196, %dma_wait3A_197] : memref<4x64x128xf32, #tpu.memory_space<vmem>> -> memref<1x64x128xf32, #tpu.memory_space<vmem>>
    %dma_wait3A_199 = tpu.memref_squeeze %dma_wait3A_198 : memref<1x64x128xf32, #tpu.memory_space<vmem>> -> memref<64x128xf32, #tpu.memory_space<vmem>>
    %dma_wait3A_200 = arith.constant 0 : i32
    %dma_wait3A_201 = arith.constant 0 : i32
    %dma_wait3A_202 = tpu.memref_slice %arg2[%dma_wait3A_200, %dma_wait3A_201] : memref<64x100000xf32, #tpu.memory_space<hbm>> -> memref<64x128xf32, #tpu.memory_space<hbm>>
    tpu.wait_dma2 semaphore(%dma_wait3A_195 : memref<!tpu.dma_semaphore, #tpu.memory_space<semaphore_mem>>) src(%dma_wait3A_202 : memref<64x128xf32, #tpu.memory_space<hbm>>) dst(%dma_wait3A_199 : memref<64x128xf32, #tpu.memory_space<vmem>>)
    %dma_wait3A_203 = arith.constant 0 : i32
    %dma_wait3A_204 = arith.constant 0 : i32
    %dma_wait3A_205 = arith.constant 0 : i32
    %dma_wait3A_206 = arith.constant 0 : i32
    %dma_wait3A_207 = tpu.memref_slice %arg9[%dma_wait3A_203, %dma_wait3A_205, %dma_wait3A_206] : memref<4x64x128xf32, #tpu.memory_space<vmem>> -> memref<1x64x128xf32, #tpu.memory_space<vmem>>
    %dma_wait3A_208 = tpu.memref_squeeze %dma_wait3A_207 : memref<1x64x128xf32, #tpu.memory_space<vmem>> -> memref<64x128xf32, #tpu.memory_space<vmem>>
    %dma_wait3A_209 = arith.constant 0 : i32
    %dma_wait3A_210 = arith.constant 0 : i32
    %dma_wait3A_211 = tpu.memref_slice %arg3[%dma_wait3A_209, %dma_wait3A_210] : memref<64x100000xf32, #tpu.memory_space<hbm>> -> memref<64x128xf32, #tpu.memory_space<hbm>>
    %dma_wait3A_212 = tpu.memref_slice %arg13[%dma_wait3A_204] : memref<4x!tpu.dma_semaphore, #tpu.memory_space<semaphore_mem>> -> memref<1x!tpu.dma_semaphore, #tpu.memory_space<semaphore_mem>>
    %dma_wait3A_213 = tpu.memref_squeeze %dma_wait3A_212 : memref<1x!tpu.dma_semaphore, #tpu.memory_space<semaphore_mem>> -> memref<!tpu.dma_semaphore, #tpu.memory_space<semaphore_mem>>
    %dma_wait3A_214 = arith.constant 0 : i32
    %dma_wait3A_215 = arith.constant 0 : i32
    %dma_wait3A_216 = tpu.memref_slice %arg9[%dma_wait3A_203, %dma_wait3A_214, %dma_wait3A_215] : memref<4x64x128xf32, #tpu.memory_space<vmem>> -> memref<1x64x128xf32, #tpu.memory_space<vmem>>
    %dma_wait3A_217 = tpu.memref_squeeze %dma_wait3A_216 : memref<1x64x128xf32, #tpu.memory_space<vmem>> -> memref<64x128xf32, #tpu.memory_space<vmem>>
    %dma_wait3A_218 = arith.constant 0 : i32
    %dma_wait3A_219 = arith.constant 0 : i32
    %dma_wait3A_220 = tpu.memref_slice %arg3[%dma_wait3A_218, %dma_wait3A_219] : memref<64x100000xf32, #tpu.memory_space<hbm>> -> memref<64x128xf32, #tpu.memory_space<hbm>>
    tpu.wait_dma2 semaphore(%dma_wait3A_213 : memref<!tpu.dma_semaphore, #tpu.memory_space<semaphore_mem>>) src(%dma_wait3A_220 : memref<64x128xf32, #tpu.memory_space<hbm>>) dst(%dma_wait3A_217 : memref<64x128xf32, #tpu.memory_space<vmem>>)
    %add3A_221 = arith.constant 28 : i32
    %add3A_222 = arith.addi %mul3A_2, %add3A_221 : i32
    %add3A_223 = vector.broadcast %add3A_222 : i32 to vector<16xi32>
    %add3A_224 = arith.addi %broadcast_in_dim3A_5, %add3A_223 : vector<16xi32>
    %gather3A_225 = tpu.vector_load_idx %arg7[%add3A_224] : memref<1024xi32, #tpu.memory_space<vmem>>[vector<16xi32>], vector<16xi32>,
    %slice3A_226 = vector.extract_strided_slice %gather3A_225 {offsets = [0], sizes = [1], strides = [1]} : vector<16xi32> to vector<1xi32>
    %squeeze3A_227 = vector.extract %slice3A_226[0] : i32 from vector<1xi32>
    %and3A = arith.constant 127 : i32
    %and3A_228 = arith.andi %squeeze3A_227, %and3A : i32
    %add3A_229 = vector.broadcast %and3A_228 : i32 to vector<16xi32>
    %add3A_230 = arith.addi %broadcast_in_dim3A_5, %add3A_229 : vector<16xi32>
    %add3A_231 = arith.constant 0 : i32
    %add3A_232 = vector.broadcast %add3A_231 : i32 to vector<16xi32>
    %add3A_233 = arith.addi %iota3A, %add3A_232 : vector<16xi32>
    %gather3A_234 = arith.constant 0 : i32
    %gather3A_235 = arith.constant 0 : i32
    %gather3A_236 = arith.constant 0 : i32
    %gather3A_237 = tpu.memref_slice %arg8[%gather3A_234, %gather3A_235, %gather3A_236] : memref<4x64x128xf32, #tpu.memory_space<vmem>> -> memref<1x64x128xf32, #tpu.memory_space<vmem>>
    %gather3A_238 = tpu.memref_squeeze %gather3A_237 : memref<1x64x128xf32, #tpu.memory_space<vmem>> -> memref<64x128xf32, #tpu.memory_space<vmem>>
    %gather3A_239 = tpu.vector_load_idx %gather3A_238[%add3A_233, %add3A_230] : memref<64x128xf32, #tpu.memory_space<vmem>>[vector<16xi32>, vector<16xi32>], vector<16xf32>,
    %swap3A = arith.constant 3584 : index
    %swap3A_240 = tpu.vector_load %arg10[%swap3A] {strides = array<i32>} : memref<4096xf32, #tpu.memory_space<vmem>>, vector<16xf32>,
    tpu.vector_store %arg10[%swap3A], %gather3A_239 {strides = array<i32>} : memref<4096xf32, #tpu.memory_space<vmem>>, vector<16xf32>,
    %gather3A_241 = arith.constant 0 : i32
    %gather3A_242 = arith.constant 0 : i32
    %gather3A_243 = arith.constant 0 : i32
    %gather3A_244 = tpu.memref_slice %arg9[%gather3A_241, %gather3A_242, %gather3A_243] : memref<4x64x128xf32, #tpu.memory_space<vmem>> -> memref<1x64x128xf32, #tpu.memory_space<vmem>>
    %gather3A_245 = tpu.memref_squeeze %gather3A_244 : memref<1x64x128xf32, #tpu.memory_space<vmem>> -> memref<64x128xf32, #tpu.memory_space<vmem>>
    %gather3A_246 = tpu.vector_load_idx %gather3A_245[%add3A_233, %add3A_230] : memref<64x128xf32, #tpu.memory_space<vmem>>[vector<16xi32>, vector<16xi32>], vector<16xf32>,
    %swap3A_247 = arith.constant 3584 : index
    %swap3A_248 = tpu.vector_load %arg11[%swap3A_247] {strides = array<i32>} : memref<4096xf32, #tpu.memory_space<vmem>>, vector<16xf32>,
    tpu.vector_store %arg11[%swap3A_247], %gather3A_246 {strides = array<i32>} : memref<4096xf32, #tpu.memory_space<vmem>>, vector<16xf32>,
    %add3A_249 = arith.constant 16 : i32
    %add3A_250 = vector.broadcast %add3A_249 : i32 to vector<16xi32>
    %add3A_251 = arith.addi %iota3A, %add3A_250 : vector<16xi32>
    %gather3A_252 = arith.constant 0 : i32
    %gather3A_253 = arith.constant 0 : i32
    %gather3A_254 = arith.constant 0 : i32
    %gather3A_255 = tpu.memref_slice %arg8[%gather3A_252, %gather3A_253, %gather3A_254] : memref<4x64x128xf32, #tpu.memory_space<vmem>> -> memref<1x64x128xf32, #tpu.memory_space<vmem>>
    %gather3A_256 = tpu.memref_squeeze %gather3A_255 : memref<1x64x128xf32, #tpu.memory_space<vmem>> -> memref<64x128xf32, #tpu.memory_space<vmem>>
    %gather3A_257 = tpu.vector_load_idx %gather3A_256[%add3A_251, %add3A_230] : memref<64x128xf32, #tpu.memory_space<vmem>>[vector<16xi32>, vector<16xi32>], vector<16xf32>,
    %swap3A_258 = arith.constant 3600 : index
    %swap3A_259 = tpu.vector_load %arg10[%swap3A_258] {strides = array<i32>} : memref<4096xf32, #tpu.memory_space<vmem>>, vector<16xf32>,
    tpu.vector_store %arg10[%swap3A_258], %gather3A_257 {strides = array<i32>} : memref<4096xf32, #tpu.memory_space<vmem>>, vector<16xf32>,
    %gather3A_260 = arith.constant 0 : i32
    %gather3A_261 = arith.constant 0 : i32
    %gather3A_262 = arith.constant 0 : i32
    %gather3A_263 = tpu.memref_slice %arg9[%gather3A_260, %gather3A_261, %gather3A_262] : memref<4x64x128xf32, #tpu.memory_space<vmem>> -> memref<1x64x128xf32, #tpu.memory_space<vmem>>
    %gather3A_264 = tpu.memref_squeeze %gather3A_263 : memref<1x64x128xf32, #tpu.memory_space<vmem>> -> memref<64x128xf32, #tpu.memory_space<vmem>>
    %gather3A_265 = tpu.vector_load_idx %gather3A_264[%add3A_251, %add3A_230] : memref<64x128xf32, #tpu.memory_space<vmem>>[vector<16xi32>, vector<16xi32>], vector<16xf32>,
    %swap3A_266 = arith.constant 3600 : index
    %swap3A_267 = tpu.vector_load %arg11[%swap3A_266] {strides = array<i32>} : memref<4096xf32, #tpu.memory_space<vmem>>, vector<16xf32>,
    tpu.vector_store %arg11[%swap3A_266], %gather3A_265 {strides = array<i32>} : memref<4096xf32, #tpu.memory_space<vmem>>, vector<16xf32>,
    %add3A_268 = arith.constant 32 : i32
    %add3A_269 = vector.broadcast %add3A_268 : i32 to vector<16xi32>
    %add3A_270 = arith.addi %iota3A, %add3A_269 : vector<16xi32>
    %gather3A_271 = arith.constant 0 : i32
    %gather3A_272 = arith.constant 0 : i32
    %gather3A_273 = arith.constant 0 : i32
    %gather3A_274 = tpu.memref_slice %arg8[%gather3A_271, %gather3A_272, %gather3A_273] : memref<4x64x128xf32, #tpu.memory_space<vmem>> -> memref<1x64x128xf32, #tpu.memory_space<vmem>>
    %gather3A_275 = tpu.memref_squeeze %gather3A_274 : memref<1x64x128xf32, #tpu.memory_space<vmem>> -> memref<64x128xf32, #tpu.memory_space<vmem>>
    %gather3A_276 = tpu.vector_load_idx %gather3A_275[%add3A_270, %add3A_230] : memref<64x128xf32, #tpu.memory_space<vmem>>[vector<16xi32>, vector<16xi32>], vector<16xf32>,
    %swap3A_277 = arith.constant 3616 : index
    %swap3A_278 = tpu.vector_load %arg10[%swap3A_277] {strides = array<i32>} : memref<4096xf32, #tpu.memory_space<vmem>>, vector<16xf32>,
    tpu.vector_store %arg10[%swap3A_277], %gather3A_276 {strides = array<i32>} : memref<4096xf32, #tpu.memory_space<vmem>>, vector<16xf32>,
    %gather3A_279 = arith.constant 0 : i32
    %gather3A_280 = arith.constant 0 : i32
    %gather3A_281 = arith.constant 0 : i32
    %gather3A_282 = tpu.memref_slice %arg9[%gather3A_279, %gather3A_280, %gather3A_281] : memref<4x64x128xf32, #tpu.memory_space<vmem>> -> memref<1x64x128xf32, #tpu.memory_space<vmem>>
    %gather3A_283 = tpu.memref_squeeze %gather3A_282 : memref<1x64x128xf32, #tpu.memory_space<vmem>> -> memref<64x128xf32, #tpu.memory_space<vmem>>
    %gather3A_284 = tpu.vector_load_idx %gather3A_283[%add3A_270, %add3A_230] : memref<64x128xf32, #tpu.memory_space<vmem>>[vector<16xi32>, vector<16xi32>], vector<16xf32>,
    %swap3A_285 = arith.constant 3616 : index
    %swap3A_286 = tpu.vector_load %arg11[%swap3A_285] {strides = array<i32>} : memref<4096xf32, #tpu.memory_space<vmem>>, vector<16xf32>,
    tpu.vector_store %arg11[%swap3A_285], %gather3A_284 {strides = array<i32>} : memref<4096xf32, #tpu.memory_space<vmem>>, vector<16xf32>,
    %add3A_287 = arith.constant 48 : i32
    %add3A_288 = vector.broadcast %add3A_287 : i32 to vector<16xi32>
    %add3A_289 = arith.addi %iota3A, %add3A_288 : vector<16xi32>
    %gather3A_290 = arith.constant 0 : i32
    %gather3A_291 = arith.constant 0 : i32
    %gather3A_292 = arith.constant 0 : i32
    %gather3A_293 = tpu.memref_slice %arg8[%gather3A_290, %gather3A_291, %gather3A_292] : memref<4x64x128xf32, #tpu.memory_space<vmem>> -> memref<1x64x128xf32, #tpu.memory_space<vmem>>
    %gather3A_294 = tpu.memref_squeeze %gather3A_293 : memref<1x64x128xf32, #tpu.memory_space<vmem>> -> memref<64x128xf32, #tpu.memory_space<vmem>>
    %gather3A_295 = tpu.vector_load_idx %gather3A_294[%add3A_289, %add3A_230] : memref<64x128xf32, #tpu.memory_space<vmem>>[vector<16xi32>, vector<16xi32>], vector<16xf32>,
    %swap3A_296 = arith.constant 3632 : index
    %swap3A_297 = tpu.vector_load %arg10[%swap3A_296] {strides = array<i32>} : memref<4096xf32, #tpu.memory_space<vmem>>, vector<16xf32>,
    tpu.vector_store %arg10[%swap3A_296], %gather3A_295 {strides = array<i32>} : memref<4096xf32, #tpu.memory_space<vmem>>, vector<16xf32>,
    %gather3A_298 = arith.constant 0 : i32
    %gather3A_299 = arith.constant 0 : i32
    %gather3A_300 = arith.constant 0 : i32
    %gather3A_301 = tpu.memref_slice %arg9[%gather3A_298, %gather3A_299, %gather3A_300] : memref<4x64x128xf32, #tpu.memory_space<vmem>> -> memref<1x64x128xf32, #tpu.memory_space<vmem>>
    %gather3A_302 = tpu.memref_squeeze %gather3A_301 : memref<1x64x128xf32, #tpu.memory_space<vmem>> -> memref<64x128xf32, #tpu.memory_space<vmem>>
    %gather3A_303 = tpu.vector_load_idx %gather3A_302[%add3A_289, %add3A_230] : memref<64x128xf32, #tpu.memory_space<vmem>>[vector<16xi32>, vector<16xi32>], vector<16xf32>,
    %swap3A_304 = arith.constant 3632 : index
    %swap3A_305 = tpu.vector_load %arg11[%swap3A_304] {strides = array<i32>} : memref<4096xf32, #tpu.memory_space<vmem>>, vector<16xf32>,
    tpu.vector_store %arg11[%swap3A_304], %gather3A_303 {strides = array<i32>} : memref<4096xf32, #tpu.memory_space<vmem>>, vector<16xf32>,
    %swap3A_306 = arith.constant 3648 : index
    %swap3A_307 = tpu.vector_load %arg10[%swap3A_306] {strides = array<i32>} : memref<4096xf32, #tpu.memory_space<vmem>>, vector<16xf32>,
    tpu.vector_store %arg10[%swap3A_306], %broadcast_in_dim3A_3 {strides = array<i32>} : memref<4096xf32, #tpu.memory_space<vmem>>, vector<16xf32>,
    %swap3A_308 = arith.constant 3648 : index
    %swap3A_309 = tpu.vector_load %arg11[%swap3A_308] {strides = array<i32>} : memref<4096xf32, #tpu.memory_space<vmem>>, vector<16xf32>,
    tpu.vector_store %arg11[%swap3A_308], %broadcast_in_dim3A_3 {strides = array<i32>} : memref<4096xf32, #tpu.memory_space<vmem>>, vector<16xf32>,
    %swap3A_310 = arith.constant 3664 : index
    %swap3A_311 = tpu.vector_load %arg10[%swap3A_310] {strides = array<i32>} : memref<4096xf32, #tpu.memory_space<vmem>>, vector<16xf32>,
    tpu.vector_store %arg10[%swap3A_310], %broadcast_in_dim3A_3 {strides = array<i32>} : memref<4096xf32, #tpu.memory_space<vmem>>, vector<16xf32>,
    %swap3A_312 = arith.constant 3664 : index
    %swap3A_313 = tpu.vector_load %arg11[%swap3A_312] {strides = array<i32>} : memref<4096xf32, #tpu.memory_space<vmem>>, vector<16xf32>,
    tpu.vector_store %arg11[%swap3A_312], %broadcast_in_dim3A_3 {strides = array<i32>} : memref<4096xf32, #tpu.memory_space<vmem>>, vector<16xf32>,
    %swap3A_314 = arith.constant 3680 : index
    %swap3A_315 = tpu.vector_load %arg10[%swap3A_314] {strides = array<i32>} : memref<4096xf32, #tpu.memory_space<vmem>>, vector<16xf32>,
    tpu.vector_store %arg10[%swap3A_314], %broadcast_in_dim3A_3 {strides = array<i32>} : memref<4096xf32, #tpu.memory_space<vmem>>, vector<16xf32>,
    %swap3A_316 = arith.constant 3680 : index
    %swap3A_317 = tpu.vector_load %arg11[%swap3A_316] {strides = array<i32>} : memref<4096xf32, #tpu.memory_space<vmem>>, vector<16xf32>,
    tpu.vector_store %arg11[%swap3A_316], %broadcast_in_dim3A_3 {strides = array<i32>} : memref<4096xf32, #tpu.memory_space<vmem>>, vector<16xf32>,
    %swap3A_318 = arith.constant 3696 : index
    %swap3A_319 = tpu.vector_load %arg10[%swap3A_318] {strides = array<i32>} : memref<4096xf32, #tpu.memory_space<vmem>>, vector<16xf32>,
    tpu.vector_store %arg10[%swap3A_318], %broadcast_in_dim3A_3 {strides = array<i32>} : memref<4096xf32, #tpu.memory_space<vmem>>, vector<16xf32>,
    %swap3A_320 = arith.constant 3696 : index
    %swap3A_321 = tpu.vector_load %arg11[%swap3A_320] {strides = array<i32>} : memref<4096xf32, #tpu.memory_space<vmem>>, vector<16xf32>,
    tpu.vector_store %arg11[%swap3A_320], %broadcast_in_dim3A_3 {strides = array<i32>} : memref<4096xf32, #tpu.memory_space<vmem>>, vector<16xf32>,
    %dma_wait3A_322 = arith.constant 1 : i32
    %dma_wait3A_323 = arith.constant 1 : i32
    %dma_wait3A_324 = arith.constant 0 : i32
    %dma_wait3A_325 = arith.constant 0 : i32
    %dma_wait3A_326 = tpu.memref_slice %arg8[%dma_wait3A_322, %dma_wait3A_324, %dma_wait3A_325] : memref<4x64x128xf32, #tpu.memory_space<vmem>> -> memref<1x64x128xf32, #tpu.memory_space<vmem>>
    %dma_wait3A_327 = tpu.memref_squeeze %dma_wait3A_326 : memref<1x64x128xf32, #tpu.memory_space<vmem>> -> memref<64x128xf32, #tpu.memory_space<vmem>>
    %dma_wait3A_328 = arith.constant 0 : i32
    %dma_wait3A_329 = arith.constant 0 : i32
    %dma_wait3A_330 = tpu.memref_slice %arg2[%dma_wait3A_328, %dma_wait3A_329] : memref<64x100000xf32, #tpu.memory_space<hbm>> -> memref<64x128xf32, #tpu.memory_space<hbm>>
    %dma_wait3A_331 = tpu.memref_slice %arg12[%dma_wait3A_323] : memref<4x!tpu.dma_semaphore, #tpu.memory_space<semaphore_mem>> -> memref<1x!tpu.dma_semaphore, #tpu.memory_space<semaphore_mem>>
    %dma_wait3A_332 = tpu.memref_squeeze %dma_wait3A_331 : memref<1x!tpu.dma_semaphore, #tpu.memory_space<semaphore_mem>> -> memref<!tpu.dma_semaphore, #tpu.memory_space<semaphore_mem>>
    %dma_wait3A_333 = arith.constant 0 : i32
    %dma_wait3A_334 = arith.constant 0 : i32
    %dma_wait3A_335 = tpu.memref_slice %arg8[%dma_wait3A_322, %dma_wait3A_333, %dma_wait3A_334] : memref<4x64x128xf32, #tpu.memory_space<vmem>> -> memref<1x64x128xf32, #tpu.memory_space<vmem>>
    %dma_wait3A_336 = tpu.memref_squeeze %dma_wait3A_335 : memref<1x64x128xf32, #tpu.memory_space<vmem>> -> memref<64x128xf32, #tpu.memory_space<vmem>>
    %dma_wait3A_337 = arith.constant 0 : i32
    %dma_wait3A_338 = arith.constant 0 : i32
    %dma_wait3A_339 = tpu.memref_slice %arg2[%dma_wait3A_337, %dma_wait3A_338] : memref<64x100000xf32, #tpu.memory_space<hbm>> -> memref<64x128xf32, #tpu.memory_space<hbm>>
    tpu.wait_dma2 semaphore(%dma_wait3A_332 : memref<!tpu.dma_semaphore, #tpu.memory_space<semaphore_mem>>) src(%dma_wait3A_339 : memref<64x128xf32, #tpu.memory_space<hbm>>) dst(%dma_wait3A_336 : memref<64x128xf32, #tpu.memory_space<vmem>>)
    %dma_wait3A_340 = arith.constant 1 : i32
    %dma_wait3A_341 = arith.constant 1 : i32
    %dma_wait3A_342 = arith.constant 0 : i32
    %dma_wait3A_343 = arith.constant 0 : i32
    %dma_wait3A_344 = tpu.memref_slice %arg9[%dma_wait3A_340, %dma_wait3A_342, %dma_wait3A_343] : memref<4x64x128xf32, #tpu.memory_space<vmem>> -> memref<1x64x128xf32, #tpu.memory_space<vmem>>
    %dma_wait3A_345 = tpu.memref_squeeze %dma_wait3A_344 : memref<1x64x128xf32, #tpu.memory_space<vmem>> -> memref<64x128xf32, #tpu.memory_space<vmem>>
    %dma_wait3A_346 = arith.constant 0 : i32
    %dma_wait3A_347 = arith.constant 0 : i32
    %dma_wait3A_348 = tpu.memref_slice %arg3[%dma_wait3A_346, %dma_wait3A_347] : memref<64x100000xf32, #tpu.memory_space<hbm>> -> memref<64x128xf32, #tpu.memory_space<hbm>>
    %dma_wait3A_349 = tpu.memref_slice %arg13[%dma_wait3A_341] : memref<4x!tpu.dma_semaphore, #tpu.memory_space<semaphore_mem>> -> memref<1x!tpu.dma_semaphore, #tpu.memory_space<semaphore_mem>>
    %dma_wait3A_350 = tpu.memref_squeeze %dma_wait3A_349 : memref<1x!tpu.dma_semaphore, #tpu.memory_space<semaphore_mem>> -> memref<!tpu.dma_semaphore, #tpu.memory_space<semaphore_mem>>
    %dma_wait3A_351 = arith.constant 0 : i32
    %dma_wait3A_352 = arith.constant 0 : i32
    %dma_wait3A_353 = tpu.memref_slice %arg9[%dma_wait3A_340, %dma_wait3A_351, %dma_wait3A_352] : memref<4x64x128xf32, #tpu.memory_space<vmem>> -> memref<1x64x128xf32, #tpu.memory_space<vmem>>
    %dma_wait3A_354 = tpu.memref_squeeze %dma_wait3A_353 : memref<1x64x128xf32, #tpu.memory_space<vmem>> -> memref<64x128xf32, #tpu.memory_space<vmem>>
    %dma_wait3A_355 = arith.constant 0 : i32
    %dma_wait3A_356 = arith.constant 0 : i32
    %dma_wait3A_357 = tpu.memref_slice %arg3[%dma_wait3A_355, %dma_wait3A_356] : memref<64x100000xf32, #tpu.memory_space<hbm>> -> memref<64x128xf32, #tpu.memory_space<hbm>>
    tpu.wait_dma2 semaphore(%dma_wait3A_350 : memref<!tpu.dma_semaphore, #tpu.memory_space<semaphore_mem>>) src(%dma_wait3A_357 : memref<64x128xf32, #tpu.memory_space<hbm>>) dst(%dma_wait3A_354 : memref<64x128xf32, #tpu.memory_space<vmem>>)
    %add3A_358 = arith.constant 29 : i32
    %add3A_359 = arith.addi %mul3A_2, %add3A_358 : i32
    %add3A_360 = vector.broadcast %add3A_359 : i32 to vector<16xi32>
    %add3A_361 = arith.addi %broadcast_in_dim3A_5, %add3A_360 : vector<16xi32>
    %gather3A_362 = tpu.vector_load_idx %arg7[%add3A_361] : memref<1024xi32, #tpu.memory_space<vmem>>[vector<16xi32>], vector<16xi32>,
    %slice3A_363 = vector.extract_strided_slice %gather3A_362 {offsets = [0], sizes = [1], strides = [1]} : vector<16xi32> to vector<1xi32>
    %squeeze3A_364 = vector.extract %slice3A_363[0] : i32 from vector<1xi32>
    %and3A_365 = arith.constant 127 : i32
    %and3A_366 = arith.andi %squeeze3A_364, %and3A_365 : i32
    %add3A_367 = vector.broadcast %and3A_366 : i32 to vector<16xi32>
    %add3A_368 = arith.addi %broadcast_in_dim3A_5, %add3A_367 : vector<16xi32>
    %add3A_369 = arith.constant 0 : i32
    %add3A_370 = vector.broadcast %add3A_369 : i32 to vector<16xi32>
    %add3A_371 = arith.addi %iota3A, %add3A_370 : vector<16xi32>
    %gather3A_372 = arith.constant 1 : i32
    %gather3A_373 = arith.constant 0 : i32
    %gather3A_374 = arith.constant 0 : i32
    %gather3A_375 = tpu.memref_slice %arg8[%gather3A_372, %gather3A_373, %gather3A_374] : memref<4x64x128xf32, #tpu.memory_space<vmem>> -> memref<1x64x128xf32, #tpu.memory_space<vmem>>
    %gather3A_376 = tpu.memref_squeeze %gather3A_375 : memref<1x64x128xf32, #tpu.memory_space<vmem>> -> memref<64x128xf32, #tpu.memory_space<vmem>>
    %gather3A_377 = tpu.vector_load_idx %gather3A_376[%add3A_371, %add3A_368] : memref<64x128xf32, #tpu.memory_space<vmem>>[vector<16xi32>, vector<16xi32>], vector<16xf32>,
    %swap3A_378 = arith.constant 3712 : index
    %swap3A_379 = tpu.vector_load %arg10[%swap3A_378] {strides = array<i32>} : memref<4096xf32, #tpu.memory_space<vmem>>, vector<16xf32>,
    tpu.vector_store %arg10[%swap3A_378], %gather3A_377 {strides = array<i32>} : memref<4096xf32, #tpu.memory_space<vmem>>, vector<16xf32>,
    %gather3A_380 = arith.constant 1 : i32
    %gather3A_381 = arith.constant 0 : i32
    %gather3A_382 = arith.constant 0 : i32
    %gather3A_383 = tpu.memref_slice %arg9[%gather3A_380, %gather3A_381, %gather3A_382] : memref<4x64x128xf32, #tpu.memory_space<vmem>> -> memref<1x64x128xf32, #tpu.memory_space<vmem>>
    %gather3A_384 = tpu.memref_squeeze %gather3A_383 : memref<1x64x128xf32, #tpu.memory_space<vmem>> -> memref<64x128xf32, #tpu.memory_space<vmem>>
    %gather3A_385 = tpu.vector_load_idx %gather3A_384[%add3A_371, %add3A_368] : memref<64x128xf32, #tpu.memory_space<vmem>>[vector<16xi32>, vector<16xi32>], vector<16xf32>,
    %swap3A_386 = arith.constant 3712 : index
    %swap3A_387 = tpu.vector_load %arg11[%swap3A_386] {strides = array<i32>} : memref<4096xf32, #tpu.memory_space<vmem>>, vector<16xf32>,
    tpu.vector_store %arg11[%swap3A_386], %gather3A_385 {strides = array<i32>} : memref<4096xf32, #tpu.memory_space<vmem>>, vector<16xf32>,
    %add3A_388 = arith.constant 16 : i32
    %add3A_389 = vector.broadcast %add3A_388 : i32 to vector<16xi32>
    %add3A_390 = arith.addi %iota3A, %add3A_389 : vector<16xi32>
    %gather3A_391 = arith.constant 1 : i32
    %gather3A_392 = arith.constant 0 : i32
    %gather3A_393 = arith.constant 0 : i32
    %gather3A_394 = tpu.memref_slice %arg8[%gather3A_391, %gather3A_392, %gather3A_393] : memref<4x64x128xf32, #tpu.memory_space<vmem>> -> memref<1x64x128xf32, #tpu.memory_space<vmem>>
    %gather3A_395 = tpu.memref_squeeze %gather3A_394 : memref<1x64x128xf32, #tpu.memory_space<vmem>> -> memref<64x128xf32, #tpu.memory_space<vmem>>
    %gather3A_396 = tpu.vector_load_idx %gather3A_395[%add3A_390, %add3A_368] : memref<64x128xf32, #tpu.memory_space<vmem>>[vector<16xi32>, vector<16xi32>], vector<16xf32>,
    %swap3A_397 = arith.constant 3728 : index
    %swap3A_398 = tpu.vector_load %arg10[%swap3A_397] {strides = array<i32>} : memref<4096xf32, #tpu.memory_space<vmem>>, vector<16xf32>,
    tpu.vector_store %arg10[%swap3A_397], %gather3A_396 {strides = array<i32>} : memref<4096xf32, #tpu.memory_space<vmem>>, vector<16xf32>,
    %gather3A_399 = arith.constant 1 : i32
    %gather3A_400 = arith.constant 0 : i32
    %gather3A_401 = arith.constant 0 : i32
    %gather3A_402 = tpu.memref_slice %arg9[%gather3A_399, %gather3A_400, %gather3A_401] : memref<4x64x128xf32, #tpu.memory_space<vmem>> -> memref<1x64x128xf32, #tpu.memory_space<vmem>>
    %gather3A_403 = tpu.memref_squeeze %gather3A_402 : memref<1x64x128xf32, #tpu.memory_space<vmem>> -> memref<64x128xf32, #tpu.memory_space<vmem>>
    %gather3A_404 = tpu.vector_load_idx %gather3A_403[%add3A_390, %add3A_368] : memref<64x128xf32, #tpu.memory_space<vmem>>[vector<16xi32>, vector<16xi32>], vector<16xf32>,
    %swap3A_405 = arith.constant 3728 : index
    %swap3A_406 = tpu.vector_load %arg11[%swap3A_405] {strides = array<i32>} : memref<4096xf32, #tpu.memory_space<vmem>>, vector<16xf32>,
    tpu.vector_store %arg11[%swap3A_405], %gather3A_404 {strides = array<i32>} : memref<4096xf32, #tpu.memory_space<vmem>>, vector<16xf32>,
    %add3A_407 = arith.constant 32 : i32
    %add3A_408 = vector.broadcast %add3A_407 : i32 to vector<16xi32>
    %add3A_409 = arith.addi %iota3A, %add3A_408 : vector<16xi32>
    %gather3A_410 = arith.constant 1 : i32
    %gather3A_411 = arith.constant 0 : i32
    %gather3A_412 = arith.constant 0 : i32
    %gather3A_413 = tpu.memref_slice %arg8[%gather3A_410, %gather3A_411, %gather3A_412] : memref<4x64x128xf32, #tpu.memory_space<vmem>> -> memref<1x64x128xf32, #tpu.memory_space<vmem>>
    %gather3A_414 = tpu.memref_squeeze %gather3A_413 : memref<1x64x128xf32, #tpu.memory_space<vmem>> -> memref<64x128xf32, #tpu.memory_space<vmem>>
    %gather3A_415 = tpu.vector_load_idx %gather3A_414[%add3A_409, %add3A_368] : memref<64x128xf32, #tpu.memory_space<vmem>>[vector<16xi32>, vector<16xi32>], vector<16xf32>,
    %swap3A_416 = arith.constant 3744 : index
    %swap3A_417 = tpu.vector_load %arg10[%swap3A_416] {strides = array<i32>} : memref<4096xf32, #tpu.memory_space<vmem>>, vector<16xf32>,
    tpu.vector_store %arg10[%swap3A_416], %gather3A_415 {strides = array<i32>} : memref<4096xf32, #tpu.memory_space<vmem>>, vector<16xf32>,
    %gather3A_418 = arith.constant 1 : i32
    %gather3A_419 = arith.constant 0 : i32
    %gather3A_420 = arith.constant 0 : i32
    %gather3A_421 = tpu.memref_slice %arg9[%gather3A_418, %gather3A_419, %gather3A_420] : memref<4x64x128xf32, #tpu.memory_space<vmem>> -> memref<1x64x128xf32, #tpu.memory_space<vmem>>
    %gather3A_422 = tpu.memref_squeeze %gather3A_421 : memref<1x64x128xf32, #tpu.memory_space<vmem>> -> memref<64x128xf32, #tpu.memory_space<vmem>>
    %gather3A_423 = tpu.vector_load_idx %gather3A_422[%add3A_409, %add3A_368] : memref<64x128xf32, #tpu.memory_space<vmem>>[vector<16xi32>, vector<16xi32>], vector<16xf32>,
    %swap3A_424 = arith.constant 3744 : index
    %swap3A_425 = tpu.vector_load %arg11[%swap3A_424] {strides = array<i32>} : memref<4096xf32, #tpu.memory_space<vmem>>, vector<16xf32>,
    tpu.vector_store %arg11[%swap3A_424], %gather3A_423 {strides = array<i32>} : memref<4096xf32, #tpu.memory_space<vmem>>, vector<16xf32>,
    %add3A_426 = arith.constant 48 : i32
    %add3A_427 = vector.broadcast %add3A_426 : i32 to vector<16xi32>
    %add3A_428 = arith.addi %iota3A, %add3A_427 : vector<16xi32>
    %gather3A_429 = arith.constant 1 : i32
    %gather3A_430 = arith.constant 0 : i32
    %gather3A_431 = arith.constant 0 : i32
    %gather3A_432 = tpu.memref_slice %arg8[%gather3A_429, %gather3A_430, %gather3A_431] : memref<4x64x128xf32, #tpu.memory_space<vmem>> -> memref<1x64x128xf32, #tpu.memory_space<vmem>>
    %gather3A_433 = tpu.memref_squeeze %gather3A_432 : memref<1x64x128xf32, #tpu.memory_space<vmem>> -> memref<64x128xf32, #tpu.memory_space<vmem>>
    %gather3A_434 = tpu.vector_load_idx %gather3A_433[%add3A_428, %add3A_368] : memref<64x128xf32, #tpu.memory_space<vmem>>[vector<16xi32>, vector<16xi32>], vector<16xf32>,
    %swap3A_435 = arith.constant 3760 : index
    %swap3A_436 = tpu.vector_load %arg10[%swap3A_435] {strides = array<i32>} : memref<4096xf32, #tpu.memory_space<vmem>>, vector<16xf32>,
    tpu.vector_store %arg10[%swap3A_435], %gather3A_434 {strides = array<i32>} : memref<4096xf32, #tpu.memory_space<vmem>>, vector<16xf32>,
    %gather3A_437 = arith.constant 1 : i32
    %gather3A_438 = arith.constant 0 : i32
    %gather3A_439 = arith.constant 0 : i32
    %gather3A_440 = tpu.memref_slice %arg9[%gather3A_437, %gather3A_438, %gather3A_439] : memref<4x64x128xf32, #tpu.memory_space<vmem>> -> memref<1x64x128xf32, #tpu.memory_space<vmem>>
    %gather3A_441 = tpu.memref_squeeze %gather3A_440 : memref<1x64x128xf32, #tpu.memory_space<vmem>> -> memref<64x128xf32, #tpu.memory_space<vmem>>
    %gather3A_442 = tpu.vector_load_idx %gather3A_441[%add3A_428, %add3A_368] : memref<64x128xf32, #tpu.memory_space<vmem>>[vector<16xi32>, vector<16xi32>], vector<16xf32>,
    %swap3A_443 = arith.constant 3760 : index
    %swap3A_444 = tpu.vector_load %arg11[%swap3A_443] {strides = array<i32>} : memref<4096xf32, #tpu.memory_space<vmem>>, vector<16xf32>,
    tpu.vector_store %arg11[%swap3A_443], %gather3A_442 {strides = array<i32>} : memref<4096xf32, #tpu.memory_space<vmem>>, vector<16xf32>,
    %swap3A_445 = arith.constant 3776 : index
    %swap3A_446 = tpu.vector_load %arg10[%swap3A_445] {strides = array<i32>} : memref<4096xf32, #tpu.memory_space<vmem>>, vector<16xf32>,
    tpu.vector_store %arg10[%swap3A_445], %broadcast_in_dim3A_3 {strides = array<i32>} : memref<4096xf32, #tpu.memory_space<vmem>>, vector<16xf32>,
    %swap3A_447 = arith.constant 3776 : index
    %swap3A_448 = tpu.vector_load %arg11[%swap3A_447] {strides = array<i32>} : memref<4096xf32, #tpu.memory_space<vmem>>, vector<16xf32>,
    tpu.vector_store %arg11[%swap3A_447], %broadcast_in_dim3A_3 {strides = array<i32>} : memref<4096xf32, #tpu.memory_space<vmem>>, vector<16xf32>,
    %swap3A_449 = arith.constant 3792 : index
    %swap3A_450 = tpu.vector_load %arg10[%swap3A_449] {strides = array<i32>} : memref<4096xf32, #tpu.memory_space<vmem>>, vector<16xf32>,
    tpu.vector_store %arg10[%swap3A_449], %broadcast_in_dim3A_3 {strides = array<i32>} : memref<4096xf32, #tpu.memory_space<vmem>>, vector<16xf32>,
    %swap3A_451 = arith.constant 3792 : index
    %swap3A_452 = tpu.vector_load %arg11[%swap3A_451] {strides = array<i32>} : memref<4096xf32, #tpu.memory_space<vmem>>, vector<16xf32>,
    tpu.vector_store %arg11[%swap3A_451], %broadcast_in_dim3A_3 {strides = array<i32>} : memref<4096xf32, #tpu.memory_space<vmem>>, vector<16xf32>,
    %swap3A_453 = arith.constant 3808 : index
    %swap3A_454 = tpu.vector_load %arg10[%swap3A_453] {strides = array<i32>} : memref<4096xf32, #tpu.memory_space<vmem>>, vector<16xf32>,
    tpu.vector_store %arg10[%swap3A_453], %broadcast_in_dim3A_3 {strides = array<i32>} : memref<4096xf32, #tpu.memory_space<vmem>>, vector<16xf32>,
    %swap3A_455 = arith.constant 3808 : index
    %swap3A_456 = tpu.vector_load %arg11[%swap3A_455] {strides = array<i32>} : memref<4096xf32, #tpu.memory_space<vmem>>, vector<16xf32>,
    tpu.vector_store %arg11[%swap3A_455], %broadcast_in_dim3A_3 {strides = array<i32>} : memref<4096xf32, #tpu.memory_space<vmem>>, vector<16xf32>,
    %swap3A_457 = arith.constant 3824 : index
    %swap3A_458 = tpu.vector_load %arg10[%swap3A_457] {strides = array<i32>} : memref<4096xf32, #tpu.memory_space<vmem>>, vector<16xf32>,
    tpu.vector_store %arg10[%swap3A_457], %broadcast_in_dim3A_3 {strides = array<i32>} : memref<4096xf32, #tpu.memory_space<vmem>>, vector<16xf32>,
    %swap3A_459 = arith.constant 3824 : index
    %swap3A_460 = tpu.vector_load %arg11[%swap3A_459] {strides = array<i32>} : memref<4096xf32, #tpu.memory_space<vmem>>, vector<16xf32>,
    tpu.vector_store %arg11[%swap3A_459], %broadcast_in_dim3A_3 {strides = array<i32>} : memref<4096xf32, #tpu.memory_space<vmem>>, vector<16xf32>,
    %dma_wait3A_461 = arith.constant 2 : i32
    %dma_wait3A_462 = arith.constant 2 : i32
    %dma_wait3A_463 = arith.constant 0 : i32
    %dma_wait3A_464 = arith.constant 0 : i32
    %dma_wait3A_465 = tpu.memref_slice %arg8[%dma_wait3A_461, %dma_wait3A_463, %dma_wait3A_464] : memref<4x64x128xf32, #tpu.memory_space<vmem>> -> memref<1x64x128xf32, #tpu.memory_space<vmem>>
    %dma_wait3A_466 = tpu.memref_squeeze %dma_wait3A_465 : memref<1x64x128xf32, #tpu.memory_space<vmem>> -> memref<64x128xf32, #tpu.memory_space<vmem>>
    %dma_wait3A_467 = arith.constant 0 : i32
    %dma_wait3A_468 = arith.constant 0 : i32
    %dma_wait3A_469 = tpu.memref_slice %arg2[%dma_wait3A_467, %dma_wait3A_468] : memref<64x100000xf32, #tpu.memory_space<hbm>> -> memref<64x128xf32, #tpu.memory_space<hbm>>
    %dma_wait3A_470 = tpu.memref_slice %arg12[%dma_wait3A_462] : memref<4x!tpu.dma_semaphore, #tpu.memory_space<semaphore_mem>> -> memref<1x!tpu.dma_semaphore, #tpu.memory_space<semaphore_mem>>
    %dma_wait3A_471 = tpu.memref_squeeze %dma_wait3A_470 : memref<1x!tpu.dma_semaphore, #tpu.memory_space<semaphore_mem>> -> memref<!tpu.dma_semaphore, #tpu.memory_space<semaphore_mem>>
    %dma_wait3A_472 = arith.constant 0 : i32
    %dma_wait3A_473 = arith.constant 0 : i32
    %dma_wait3A_474 = tpu.memref_slice %arg8[%dma_wait3A_461, %dma_wait3A_472, %dma_wait3A_473] : memref<4x64x128xf32, #tpu.memory_space<vmem>> -> memref<1x64x128xf32, #tpu.memory_space<vmem>>
    %dma_wait3A_475 = tpu.memref_squeeze %dma_wait3A_474 : memref<1x64x128xf32, #tpu.memory_space<vmem>> -> memref<64x128xf32, #tpu.memory_space<vmem>>
    %dma_wait3A_476 = arith.constant 0 : i32
    %dma_wait3A_477 = arith.constant 0 : i32
    %dma_wait3A_478 = tpu.memref_slice %arg2[%dma_wait3A_476, %dma_wait3A_477] : memref<64x100000xf32, #tpu.memory_space<hbm>> -> memref<64x128xf32, #tpu.memory_space<hbm>>
    tpu.wait_dma2 semaphore(%dma_wait3A_471 : memref<!tpu.dma_semaphore, #tpu.memory_space<semaphore_mem>>) src(%dma_wait3A_478 : memref<64x128xf32, #tpu.memory_space<hbm>>) dst(%dma_wait3A_475 : memref<64x128xf32, #tpu.memory_space<vmem>>)
    %dma_wait3A_479 = arith.constant 2 : i32
    %dma_wait3A_480 = arith.constant 2 : i32
    %dma_wait3A_481 = arith.constant 0 : i32
    %dma_wait3A_482 = arith.constant 0 : i32
    %dma_wait3A_483 = tpu.memref_slice %arg9[%dma_wait3A_479, %dma_wait3A_481, %dma_wait3A_482] : memref<4x64x128xf32, #tpu.memory_space<vmem>> -> memref<1x64x128xf32, #tpu.memory_space<vmem>>
    %dma_wait3A_484 = tpu.memref_squeeze %dma_wait3A_483 : memref<1x64x128xf32, #tpu.memory_space<vmem>> -> memref<64x128xf32, #tpu.memory_space<vmem>>
    %dma_wait3A_485 = arith.constant 0 : i32
    %dma_wait3A_486 = arith.constant 0 : i32
    %dma_wait3A_487 = tpu.memref_slice %arg3[%dma_wait3A_485, %dma_wait3A_486] : memref<64x100000xf32, #tpu.memory_space<hbm>> -> memref<64x128xf32, #tpu.memory_space<hbm>>
    %dma_wait3A_488 = tpu.memref_slice %arg13[%dma_wait3A_480] : memref<4x!tpu.dma_semaphore, #tpu.memory_space<semaphore_mem>> -> memref<1x!tpu.dma_semaphore, #tpu.memory_space<semaphore_mem>>
    %dma_wait3A_489 = tpu.memref_squeeze %dma_wait3A_488 : memref<1x!tpu.dma_semaphore, #tpu.memory_space<semaphore_mem>> -> memref<!tpu.dma_semaphore, #tpu.memory_space<semaphore_mem>>
    %dma_wait3A_490 = arith.constant 0 : i32
    %dma_wait3A_491 = arith.constant 0 : i32
    %dma_wait3A_492 = tpu.memref_slice %arg9[%dma_wait3A_479, %dma_wait3A_490, %dma_wait3A_491] : memref<4x64x128xf32, #tpu.memory_space<vmem>> -> memref<1x64x128xf32, #tpu.memory_space<vmem>>
    %dma_wait3A_493 = tpu.memref_squeeze %dma_wait3A_492 : memref<1x64x128xf32, #tpu.memory_space<vmem>> -> memref<64x128xf32, #tpu.memory_space<vmem>>
    %dma_wait3A_494 = arith.constant 0 : i32
    %dma_wait3A_495 = arith.constant 0 : i32
    %dma_wait3A_496 = tpu.memref_slice %arg3[%dma_wait3A_494, %dma_wait3A_495] : memref<64x100000xf32, #tpu.memory_space<hbm>> -> memref<64x128xf32, #tpu.memory_space<hbm>>
    tpu.wait_dma2 semaphore(%dma_wait3A_489 : memref<!tpu.dma_semaphore, #tpu.memory_space<semaphore_mem>>) src(%dma_wait3A_496 : memref<64x128xf32, #tpu.memory_space<hbm>>) dst(%dma_wait3A_493 : memref<64x128xf32, #tpu.memory_space<vmem>>)
    %add3A_497 = arith.constant 30 : i32
    %add3A_498 = arith.addi %mul3A_2, %add3A_497 : i32
    %add3A_499 = vector.broadcast %add3A_498 : i32 to vector<16xi32>
    %add3A_500 = arith.addi %broadcast_in_dim3A_5, %add3A_499 : vector<16xi32>
    %gather3A_501 = tpu.vector_load_idx %arg7[%add3A_500] : memref<1024xi32, #tpu.memory_space<vmem>>[vector<16xi32>], vector<16xi32>,
    %slice3A_502 = vector.extract_strided_slice %gather3A_501 {offsets = [0], sizes = [1], strides = [1]} : vector<16xi32> to vector<1xi32>
    %squeeze3A_503 = vector.extract %slice3A_502[0] : i32 from vector<1xi32>
    %and3A_504 = arith.constant 127 : i32
    %and3A_505 = arith.andi %squeeze3A_503, %and3A_504 : i32
    %add3A_506 = vector.broadcast %and3A_505 : i32 to vector<16xi32>
    %add3A_507 = arith.addi %broadcast_in_dim3A_5, %add3A_506 : vector<16xi32>
    %add3A_508 = arith.constant 0 : i32
    %add3A_509 = vector.broadcast %add3A_508 : i32 to vector<16xi32>
    %add3A_510 = arith.addi %iota3A, %add3A_509 : vector<16xi32>
    %gather3A_511 = arith.constant 2 : i32
    %gather3A_512 = arith.constant 0 : i32
    %gather3A_513 = arith.constant 0 : i32
    %gather3A_514 = tpu.memref_slice %arg8[%gather3A_511, %gather3A_512, %gather3A_513] : memref<4x64x128xf32, #tpu.memory_space<vmem>> -> memref<1x64x128xf32, #tpu.memory_space<vmem>>
    %gather3A_515 = tpu.memref_squeeze %gather3A_514 : memref<1x64x128xf32, #tpu.memory_space<vmem>> -> memref<64x128xf32, #tpu.memory_space<vmem>>
    %gather3A_516 = tpu.vector_load_idx %gather3A_515[%add3A_510, %add3A_507] : memref<64x128xf32, #tpu.memory_space<vmem>>[vector<16xi32>, vector<16xi32>], vector<16xf32>,
    %swap3A_517 = arith.constant 3840 : index
    %swap3A_518 = tpu.vector_load %arg10[%swap3A_517] {strides = array<i32>} : memref<4096xf32, #tpu.memory_space<vmem>>, vector<16xf32>,
    tpu.vector_store %arg10[%swap3A_517], %gather3A_516 {strides = array<i32>} : memref<4096xf32, #tpu.memory_space<vmem>>, vector<16xf32>,
    %gather3A_519 = arith.constant 2 : i32
    %gather3A_520 = arith.constant 0 : i32
    %gather3A_521 = arith.constant 0 : i32
    %gather3A_522 = tpu.memref_slice %arg9[%gather3A_519, %gather3A_520, %gather3A_521] : memref<4x64x128xf32, #tpu.memory_space<vmem>> -> memref<1x64x128xf32, #tpu.memory_space<vmem>>
    %gather3A_523 = tpu.memref_squeeze %gather3A_522 : memref<1x64x128xf32, #tpu.memory_space<vmem>> -> memref<64x128xf32, #tpu.memory_space<vmem>>
    %gather3A_524 = tpu.vector_load_idx %gather3A_523[%add3A_510, %add3A_507] : memref<64x128xf32, #tpu.memory_space<vmem>>[vector<16xi32>, vector<16xi32>], vector<16xf32>,
    %swap3A_525 = arith.constant 3840 : index
    %swap3A_526 = tpu.vector_load %arg11[%swap3A_525] {strides = array<i32>} : memref<4096xf32, #tpu.memory_space<vmem>>, vector<16xf32>,
    tpu.vector_store %arg11[%swap3A_525], %gather3A_524 {strides = array<i32>} : memref<4096xf32, #tpu.memory_space<vmem>>, vector<16xf32>,
    %add3A_527 = arith.constant 16 : i32
    %add3A_528 = vector.broadcast %add3A_527 : i32 to vector<16xi32>
    %add3A_529 = arith.addi %iota3A, %add3A_528 : vector<16xi32>
    %gather3A_530 = arith.constant 2 : i32
    %gather3A_531 = arith.constant 0 : i32
    %gather3A_532 = arith.constant 0 : i32
    %gather3A_533 = tpu.memref_slice %arg8[%gather3A_530, %gather3A_531, %gather3A_532] : memref<4x64x128xf32, #tpu.memory_space<vmem>> -> memref<1x64x128xf32, #tpu.memory_space<vmem>>
    %gather3A_534 = tpu.memref_squeeze %gather3A_533 : memref<1x64x128xf32, #tpu.memory_space<vmem>> -> memref<64x128xf32, #tpu.memory_space<vmem>>
    %gather3A_535 = tpu.vector_load_idx %gather3A_534[%add3A_529, %add3A_507] : memref<64x128xf32, #tpu.memory_space<vmem>>[vector<16xi32>, vector<16xi32>], vector<16xf32>,
    %swap3A_536 = arith.constant 3856 : index
    %swap3A_537 = tpu.vector_load %arg10[%swap3A_536] {strides = array<i32>} : memref<4096xf32, #tpu.memory_space<vmem>>, vector<16xf32>,
    tpu.vector_store %arg10[%swap3A_536], %gather3A_535 {strides = array<i32>} : memref<4096xf32, #tpu.memory_space<vmem>>, vector<16xf32>,
    %gather3A_538 = arith.constant 2 : i32
    %gather3A_539 = arith.constant 0 : i32
    %gather3A_540 = arith.constant 0 : i32
    %gather3A_541 = tpu.memref_slice %arg9[%gather3A_538, %gather3A_539, %gather3A_540] : memref<4x64x128xf32, #tpu.memory_space<vmem>> -> memref<1x64x128xf32, #tpu.memory_space<vmem>>
    %gather3A_542 = tpu.memref_squeeze %gather3A_541 : memref<1x64x128xf32, #tpu.memory_space<vmem>> -> memref<64x128xf32, #tpu.memory_space<vmem>>
    %gather3A_543 = tpu.vector_load_idx %gather3A_542[%add3A_529, %add3A_507] : memref<64x128xf32, #tpu.memory_space<vmem>>[vector<16xi32>, vector<16xi32>], vector<16xf32>,
    %swap3A_544 = arith.constant 3856 : index
    %swap3A_545 = tpu.vector_load %arg11[%swap3A_544] {strides = array<i32>} : memref<4096xf32, #tpu.memory_space<vmem>>, vector<16xf32>,
    tpu.vector_store %arg11[%swap3A_544], %gather3A_543 {strides = array<i32>} : memref<4096xf32, #tpu.memory_space<vmem>>, vector<16xf32>,
    %add3A_546 = arith.constant 32 : i32
    %add3A_547 = vector.broadcast %add3A_546 : i32 to vector<16xi32>
    %add3A_548 = arith.addi %iota3A, %add3A_547 : vector<16xi32>
    %gather3A_549 = arith.constant 2 : i32
    %gather3A_550 = arith.constant 0 : i32
    %gather3A_551 = arith.constant 0 : i32
    %gather3A_552 = tpu.memref_slice %arg8[%gather3A_549, %gather3A_550, %gather3A_551] : memref<4x64x128xf32, #tpu.memory_space<vmem>> -> memref<1x64x128xf32, #tpu.memory_space<vmem>>
    %gather3A_553 = tpu.memref_squeeze %gather3A_552 : memref<1x64x128xf32, #tpu.memory_space<vmem>> -> memref<64x128xf32, #tpu.memory_space<vmem>>
    %gather3A_554 = tpu.vector_load_idx %gather3A_553[%add3A_548, %add3A_507] : memref<64x128xf32, #tpu.memory_space<vmem>>[vector<16xi32>, vector<16xi32>], vector<16xf32>,
    %swap3A_555 = arith.constant 3872 : index
    %swap3A_556 = tpu.vector_load %arg10[%swap3A_555] {strides = array<i32>} : memref<4096xf32, #tpu.memory_space<vmem>>, vector<16xf32>,
    tpu.vector_store %arg10[%swap3A_555], %gather3A_554 {strides = array<i32>} : memref<4096xf32, #tpu.memory_space<vmem>>, vector<16xf32>,
    %gather3A_557 = arith.constant 2 : i32
    %gather3A_558 = arith.constant 0 : i32
    %gather3A_559 = arith.constant 0 : i32
    %gather3A_560 = tpu.memref_slice %arg9[%gather3A_557, %gather3A_558, %gather3A_559] : memref<4x64x128xf32, #tpu.memory_space<vmem>> -> memref<1x64x128xf32, #tpu.memory_space<vmem>>
    %gather3A_561 = tpu.memref_squeeze %gather3A_560 : memref<1x64x128xf32, #tpu.memory_space<vmem>> -> memref<64x128xf32, #tpu.memory_space<vmem>>
    %gather3A_562 = tpu.vector_load_idx %gather3A_561[%add3A_548, %add3A_507] : memref<64x128xf32, #tpu.memory_space<vmem>>[vector<16xi32>, vector<16xi32>], vector<16xf32>,
    %swap3A_563 = arith.constant 3872 : index
    %swap3A_564 = tpu.vector_load %arg11[%swap3A_563] {strides = array<i32>} : memref<4096xf32, #tpu.memory_space<vmem>>, vector<16xf32>,
    tpu.vector_store %arg11[%swap3A_563], %gather3A_562 {strides = array<i32>} : memref<4096xf32, #tpu.memory_space<vmem>>, vector<16xf32>,
    %add3A_565 = arith.constant 48 : i32
    %add3A_566 = vector.broadcast %add3A_565 : i32 to vector<16xi32>
    %add3A_567 = arith.addi %iota3A, %add3A_566 : vector<16xi32>
    %gather3A_568 = arith.constant 2 : i32
    %gather3A_569 = arith.constant 0 : i32
    %gather3A_570 = arith.constant 0 : i32
    %gather3A_571 = tpu.memref_slice %arg8[%gather3A_568, %gather3A_569, %gather3A_570] : memref<4x64x128xf32, #tpu.memory_space<vmem>> -> memref<1x64x128xf32, #tpu.memory_space<vmem>>
    %gather3A_572 = tpu.memref_squeeze %gather3A_571 : memref<1x64x128xf32, #tpu.memory_space<vmem>> -> memref<64x128xf32, #tpu.memory_space<vmem>>
    %gather3A_573 = tpu.vector_load_idx %gather3A_572[%add3A_567, %add3A_507] : memref<64x128xf32, #tpu.memory_space<vmem>>[vector<16xi32>, vector<16xi32>], vector<16xf32>,
    %swap3A_574 = arith.constant 3888 : index
    %swap3A_575 = tpu.vector_load %arg10[%swap3A_574] {strides = array<i32>} : memref<4096xf32, #tpu.memory_space<vmem>>, vector<16xf32>,
    tpu.vector_store %arg10[%swap3A_574], %gather3A_573 {strides = array<i32>} : memref<4096xf32, #tpu.memory_space<vmem>>, vector<16xf32>,
    %gather3A_576 = arith.constant 2 : i32
    %gather3A_577 = arith.constant 0 : i32
    %gather3A_578 = arith.constant 0 : i32
    %gather3A_579 = tpu.memref_slice %arg9[%gather3A_576, %gather3A_577, %gather3A_578] : memref<4x64x128xf32, #tpu.memory_space<vmem>> -> memref<1x64x128xf32, #tpu.memory_space<vmem>>
    %gather3A_580 = tpu.memref_squeeze %gather3A_579 : memref<1x64x128xf32, #tpu.memory_space<vmem>> -> memref<64x128xf32, #tpu.memory_space<vmem>>
    %gather3A_581 = tpu.vector_load_idx %gather3A_580[%add3A_567, %add3A_507] : memref<64x128xf32, #tpu.memory_space<vmem>>[vector<16xi32>, vector<16xi32>], vector<16xf32>,
    %swap3A_582 = arith.constant 3888 : index
    %swap3A_583 = tpu.vector_load %arg11[%swap3A_582] {strides = array<i32>} : memref<4096xf32, #tpu.memory_space<vmem>>, vector<16xf32>,
    tpu.vector_store %arg11[%swap3A_582], %gather3A_581 {strides = array<i32>} : memref<4096xf32, #tpu.memory_space<vmem>>, vector<16xf32>,
    %swap3A_584 = arith.constant 3904 : index
    %swap3A_585 = tpu.vector_load %arg10[%swap3A_584] {strides = array<i32>} : memref<4096xf32, #tpu.memory_space<vmem>>, vector<16xf32>,
    tpu.vector_store %arg10[%swap3A_584], %broadcast_in_dim3A_3 {strides = array<i32>} : memref<4096xf32, #tpu.memory_space<vmem>>, vector<16xf32>,
    %swap3A_586 = arith.constant 3904 : index
    %swap3A_587 = tpu.vector_load %arg11[%swap3A_586] {strides = array<i32>} : memref<4096xf32, #tpu.memory_space<vmem>>, vector<16xf32>,
    tpu.vector_store %arg11[%swap3A_586], %broadcast_in_dim3A_3 {strides = array<i32>} : memref<4096xf32, #tpu.memory_space<vmem>>, vector<16xf32>,
    %swap3A_588 = arith.constant 3920 : index
    %swap3A_589 = tpu.vector_load %arg10[%swap3A_588] {strides = array<i32>} : memref<4096xf32, #tpu.memory_space<vmem>>, vector<16xf32>,
    tpu.vector_store %arg10[%swap3A_588], %broadcast_in_dim3A_3 {strides = array<i32>} : memref<4096xf32, #tpu.memory_space<vmem>>, vector<16xf32>,
    %swap3A_590 = arith.constant 3920 : index
    %swap3A_591 = tpu.vector_load %arg11[%swap3A_590] {strides = array<i32>} : memref<4096xf32, #tpu.memory_space<vmem>>, vector<16xf32>,
    tpu.vector_store %arg11[%swap3A_590], %broadcast_in_dim3A_3 {strides = array<i32>} : memref<4096xf32, #tpu.memory_space<vmem>>, vector<16xf32>,
    %swap3A_592 = arith.constant 3936 : index
    %swap3A_593 = tpu.vector_load %arg10[%swap3A_592] {strides = array<i32>} : memref<4096xf32, #tpu.memory_space<vmem>>, vector<16xf32>,
    tpu.vector_store %arg10[%swap3A_592], %broadcast_in_dim3A_3 {strides = array<i32>} : memref<4096xf32, #tpu.memory_space<vmem>>, vector<16xf32>,
    %swap3A_594 = arith.constant 3936 : index
    %swap3A_595 = tpu.vector_load %arg11[%swap3A_594] {strides = array<i32>} : memref<4096xf32, #tpu.memory_space<vmem>>, vector<16xf32>,
    tpu.vector_store %arg11[%swap3A_594], %broadcast_in_dim3A_3 {strides = array<i32>} : memref<4096xf32, #tpu.memory_space<vmem>>, vector<16xf32>,
    %swap3A_596 = arith.constant 3952 : index
    %swap3A_597 = tpu.vector_load %arg10[%swap3A_596] {strides = array<i32>} : memref<4096xf32, #tpu.memory_space<vmem>>, vector<16xf32>,
    tpu.vector_store %arg10[%swap3A_596], %broadcast_in_dim3A_3 {strides = array<i32>} : memref<4096xf32, #tpu.memory_space<vmem>>, vector<16xf32>,
    %swap3A_598 = arith.constant 3952 : index
    %swap3A_599 = tpu.vector_load %arg11[%swap3A_598] {strides = array<i32>} : memref<4096xf32, #tpu.memory_space<vmem>>, vector<16xf32>,
    tpu.vector_store %arg11[%swap3A_598], %broadcast_in_dim3A_3 {strides = array<i32>} : memref<4096xf32, #tpu.memory_space<vmem>>, vector<16xf32>,
    %dma_wait3A_600 = arith.constant 3 : i32
    %dma_wait3A_601 = arith.constant 3 : i32
    %dma_wait3A_602 = arith.constant 0 : i32
    %dma_wait3A_603 = arith.constant 0 : i32
    %dma_wait3A_604 = tpu.memref_slice %arg8[%dma_wait3A_600, %dma_wait3A_602, %dma_wait3A_603] : memref<4x64x128xf32, #tpu.memory_space<vmem>> -> memref<1x64x128xf32, #tpu.memory_space<vmem>>
    %dma_wait3A_605 = tpu.memref_squeeze %dma_wait3A_604 : memref<1x64x128xf32, #tpu.memory_space<vmem>> -> memref<64x128xf32, #tpu.memory_space<vmem>>
    %dma_wait3A_606 = arith.constant 0 : i32
    %dma_wait3A_607 = arith.constant 0 : i32
    %dma_wait3A_608 = tpu.memref_slice %arg2[%dma_wait3A_606, %dma_wait3A_607] : memref<64x100000xf32, #tpu.memory_space<hbm>> -> memref<64x128xf32, #tpu.memory_space<hbm>>
    %dma_wait3A_609 = tpu.memref_slice %arg12[%dma_wait3A_601] : memref<4x!tpu.dma_semaphore, #tpu.memory_space<semaphore_mem>> -> memref<1x!tpu.dma_semaphore, #tpu.memory_space<semaphore_mem>>
    %dma_wait3A_610 = tpu.memref_squeeze %dma_wait3A_609 : memref<1x!tpu.dma_semaphore, #tpu.memory_space<semaphore_mem>> -> memref<!tpu.dma_semaphore, #tpu.memory_space<semaphore_mem>>
    %dma_wait3A_611 = arith.constant 0 : i32
    %dma_wait3A_612 = arith.constant 0 : i32
    %dma_wait3A_613 = tpu.memref_slice %arg8[%dma_wait3A_600, %dma_wait3A_611, %dma_wait3A_612] : memref<4x64x128xf32, #tpu.memory_space<vmem>> -> memref<1x64x128xf32, #tpu.memory_space<vmem>>
    %dma_wait3A_614 = tpu.memref_squeeze %dma_wait3A_613 : memref<1x64x128xf32, #tpu.memory_space<vmem>> -> memref<64x128xf32, #tpu.memory_space<vmem>>
    %dma_wait3A_615 = arith.constant 0 : i32
    %dma_wait3A_616 = arith.constant 0 : i32
    %dma_wait3A_617 = tpu.memref_slice %arg2[%dma_wait3A_615, %dma_wait3A_616] : memref<64x100000xf32, #tpu.memory_space<hbm>> -> memref<64x128xf32, #tpu.memory_space<hbm>>
    tpu.wait_dma2 semaphore(%dma_wait3A_610 : memref<!tpu.dma_semaphore, #tpu.memory_space<semaphore_mem>>) src(%dma_wait3A_617 : memref<64x128xf32, #tpu.memory_space<hbm>>) dst(%dma_wait3A_614 : memref<64x128xf32, #tpu.memory_space<vmem>>)
    %dma_wait3A_618 = arith.constant 3 : i32
    %dma_wait3A_619 = arith.constant 3 : i32
    %dma_wait3A_620 = arith.constant 0 : i32
    %dma_wait3A_621 = arith.constant 0 : i32
    %dma_wait3A_622 = tpu.memref_slice %arg9[%dma_wait3A_618, %dma_wait3A_620, %dma_wait3A_621] : memref<4x64x128xf32, #tpu.memory_space<vmem>> -> memref<1x64x128xf32, #tpu.memory_space<vmem>>
    %dma_wait3A_623 = tpu.memref_squeeze %dma_wait3A_622 : memref<1x64x128xf32, #tpu.memory_space<vmem>> -> memref<64x128xf32, #tpu.memory_space<vmem>>
    %dma_wait3A_624 = arith.constant 0 : i32
    %dma_wait3A_625 = arith.constant 0 : i32
    %dma_wait3A_626 = tpu.memref_slice %arg3[%dma_wait3A_624, %dma_wait3A_625] : memref<64x100000xf32, #tpu.memory_space<hbm>> -> memref<64x128xf32, #tpu.memory_space<hbm>>
    %dma_wait3A_627 = tpu.memref_slice %arg13[%dma_wait3A_619] : memref<4x!tpu.dma_semaphore, #tpu.memory_space<semaphore_mem>> -> memref<1x!tpu.dma_semaphore, #tpu.memory_space<semaphore_mem>>
    %dma_wait3A_628 = tpu.memref_squeeze %dma_wait3A_627 : memref<1x!tpu.dma_semaphore, #tpu.memory_space<semaphore_mem>> -> memref<!tpu.dma_semaphore, #tpu.memory_space<semaphore_mem>>
    %dma_wait3A_629 = arith.constant 0 : i32
    %dma_wait3A_630 = arith.constant 0 : i32
    %dma_wait3A_631 = tpu.memref_slice %arg9[%dma_wait3A_618, %dma_wait3A_629, %dma_wait3A_630] : memref<4x64x128xf32, #tpu.memory_space<vmem>> -> memref<1x64x128xf32, #tpu.memory_space<vmem>>
    %dma_wait3A_632 = tpu.memref_squeeze %dma_wait3A_631 : memref<1x64x128xf32, #tpu.memory_space<vmem>> -> memref<64x128xf32, #tpu.memory_space<vmem>>
    %dma_wait3A_633 = arith.constant 0 : i32
    %dma_wait3A_634 = arith.constant 0 : i32
    %dma_wait3A_635 = tpu.memref_slice %arg3[%dma_wait3A_633, %dma_wait3A_634] : memref<64x100000xf32, #tpu.memory_space<hbm>> -> memref<64x128xf32, #tpu.memory_space<hbm>>
    tpu.wait_dma2 semaphore(%dma_wait3A_628 : memref<!tpu.dma_semaphore, #tpu.memory_space<semaphore_mem>>) src(%dma_wait3A_635 : memref<64x128xf32, #tpu.memory_space<hbm>>) dst(%dma_wait3A_632 : memref<64x128xf32, #tpu.memory_space<vmem>>)
    %add3A_636 = arith.constant 31 : i32
    %add3A_637 = arith.addi %mul3A_2, %add3A_636 : i32
    %add3A_638 = vector.broadcast %add3A_637 : i32 to vector<16xi32>
    %add3A_639 = arith.addi %broadcast_in_dim3A_5, %add3A_638 : vector<16xi32>
    %gather3A_640 = tpu.vector_load_idx %arg7[%add3A_639] : memref<1024xi32, #tpu.memory_space<vmem>>[vector<16xi32>], vector<16xi32>,
    %slice3A_641 = vector.extract_strided_slice %gather3A_640 {offsets = [0], sizes = [1], strides = [1]} : vector<16xi32> to vector<1xi32>
    %squeeze3A_642 = vector.extract %slice3A_641[0] : i32 from vector<1xi32>
    %and3A_643 = arith.constant 127 : i32
    %and3A_644 = arith.andi %squeeze3A_642, %and3A_643 : i32
    %add3A_645 = vector.broadcast %and3A_644 : i32 to vector<16xi32>
    %add3A_646 = arith.addi %broadcast_in_dim3A_5, %add3A_645 : vector<16xi32>
    %add3A_647 = arith.constant 0 : i32
    %add3A_648 = vector.broadcast %add3A_647 : i32 to vector<16xi32>
    %add3A_649 = arith.addi %iota3A, %add3A_648 : vector<16xi32>
    %gather3A_650 = arith.constant 3 : i32
    %gather3A_651 = arith.constant 0 : i32
    %gather3A_652 = arith.constant 0 : i32
    %gather3A_653 = tpu.memref_slice %arg8[%gather3A_650, %gather3A_651, %gather3A_652] : memref<4x64x128xf32, #tpu.memory_space<vmem>> -> memref<1x64x128xf32, #tpu.memory_space<vmem>>
    %gather3A_654 = tpu.memref_squeeze %gather3A_653 : memref<1x64x128xf32, #tpu.memory_space<vmem>> -> memref<64x128xf32, #tpu.memory_space<vmem>>
    %gather3A_655 = tpu.vector_load_idx %gather3A_654[%add3A_649, %add3A_646] : memref<64x128xf32, #tpu.memory_space<vmem>>[vector<16xi32>, vector<16xi32>], vector<16xf32>,
    %swap3A_656 = arith.constant 3968 : index
    %swap3A_657 = tpu.vector_load %arg10[%swap3A_656] {strides = array<i32>} : memref<4096xf32, #tpu.memory_space<vmem>>, vector<16xf32>,
    tpu.vector_store %arg10[%swap3A_656], %gather3A_655 {strides = array<i32>} : memref<4096xf32, #tpu.memory_space<vmem>>, vector<16xf32>,
    %gather3A_658 = arith.constant 3 : i32
    %gather3A_659 = arith.constant 0 : i32
    %gather3A_660 = arith.constant 0 : i32
    %gather3A_661 = tpu.memref_slice %arg9[%gather3A_658, %gather3A_659, %gather3A_660] : memref<4x64x128xf32, #tpu.memory_space<vmem>> -> memref<1x64x128xf32, #tpu.memory_space<vmem>>
    %gather3A_662 = tpu.memref_squeeze %gather3A_661 : memref<1x64x128xf32, #tpu.memory_space<vmem>> -> memref<64x128xf32, #tpu.memory_space<vmem>>
    %gather3A_663 = tpu.vector_load_idx %gather3A_662[%add3A_649, %add3A_646] : memref<64x128xf32, #tpu.memory_space<vmem>>[vector<16xi32>, vector<16xi32>], vector<16xf32>,
    %swap3A_664 = arith.constant 3968 : index
    %swap3A_665 = tpu.vector_load %arg11[%swap3A_664] {strides = array<i32>} : memref<4096xf32, #tpu.memory_space<vmem>>, vector<16xf32>,
    tpu.vector_store %arg11[%swap3A_664], %gather3A_663 {strides = array<i32>} : memref<4096xf32, #tpu.memory_space<vmem>>, vector<16xf32>,
    %add3A_666 = arith.constant 16 : i32
    %add3A_667 = vector.broadcast %add3A_666 : i32 to vector<16xi32>
    %add3A_668 = arith.addi %iota3A, %add3A_667 : vector<16xi32>
    %gather3A_669 = arith.constant 3 : i32
    %gather3A_670 = arith.constant 0 : i32
    %gather3A_671 = arith.constant 0 : i32
    %gather3A_672 = tpu.memref_slice %arg8[%gather3A_669, %gather3A_670, %gather3A_671] : memref<4x64x128xf32, #tpu.memory_space<vmem>> -> memref<1x64x128xf32, #tpu.memory_space<vmem>>
    %gather3A_673 = tpu.memref_squeeze %gather3A_672 : memref<1x64x128xf32, #tpu.memory_space<vmem>> -> memref<64x128xf32, #tpu.memory_space<vmem>>
    %gather3A_674 = tpu.vector_load_idx %gather3A_673[%add3A_668, %add3A_646] : memref<64x128xf32, #tpu.memory_space<vmem>>[vector<16xi32>, vector<16xi32>], vector<16xf32>,
    %swap3A_675 = arith.constant 3984 : index
    %swap3A_676 = tpu.vector_load %arg10[%swap3A_675] {strides = array<i32>} : memref<4096xf32, #tpu.memory_space<vmem>>, vector<16xf32>,
    tpu.vector_store %arg10[%swap3A_675], %gather3A_674 {strides = array<i32>} : memref<4096xf32, #tpu.memory_space<vmem>>, vector<16xf32>,
    %gather3A_677 = arith.constant 3 : i32
    %gather3A_678 = arith.constant 0 : i32
    %gather3A_679 = arith.constant 0 : i32
    %gather3A_680 = tpu.memref_slice %arg9[%gather3A_677, %gather3A_678, %gather3A_679] : memref<4x64x128xf32, #tpu.memory_space<vmem>> -> memref<1x64x128xf32, #tpu.memory_space<vmem>>
    %gather3A_681 = tpu.memref_squeeze %gather3A_680 : memref<1x64x128xf32, #tpu.memory_space<vmem>> -> memref<64x128xf32, #tpu.memory_space<vmem>>
    %gather3A_682 = tpu.vector_load_idx %gather3A_681[%add3A_668, %add3A_646] : memref<64x128xf32, #tpu.memory_space<vmem>>[vector<16xi32>, vector<16xi32>], vector<16xf32>,
    %swap3A_683 = arith.constant 3984 : index
    %swap3A_684 = tpu.vector_load %arg11[%swap3A_683] {strides = array<i32>} : memref<4096xf32, #tpu.memory_space<vmem>>, vector<16xf32>,
    tpu.vector_store %arg11[%swap3A_683], %gather3A_682 {strides = array<i32>} : memref<4096xf32, #tpu.memory_space<vmem>>, vector<16xf32>,
    %add3A_685 = arith.constant 32 : i32
    %add3A_686 = vector.broadcast %add3A_685 : i32 to vector<16xi32>
    %add3A_687 = arith.addi %iota3A, %add3A_686 : vector<16xi32>
    %gather3A_688 = arith.constant 3 : i32
    %gather3A_689 = arith.constant 0 : i32
    %gather3A_690 = arith.constant 0 : i32
    %gather3A_691 = tpu.memref_slice %arg8[%gather3A_688, %gather3A_689, %gather3A_690] : memref<4x64x128xf32, #tpu.memory_space<vmem>> -> memref<1x64x128xf32, #tpu.memory_space<vmem>>
    %gather3A_692 = tpu.memref_squeeze %gather3A_691 : memref<1x64x128xf32, #tpu.memory_space<vmem>> -> memref<64x128xf32, #tpu.memory_space<vmem>>
    %gather3A_693 = tpu.vector_load_idx %gather3A_692[%add3A_687, %add3A_646] : memref<64x128xf32, #tpu.memory_space<vmem>>[vector<16xi32>, vector<16xi32>], vector<16xf32>,
    %swap3A_694 = arith.constant 4000 : index
    %swap3A_695 = tpu.vector_load %arg10[%swap3A_694] {strides = array<i32>} : memref<4096xf32, #tpu.memory_space<vmem>>, vector<16xf32>,
    tpu.vector_store %arg10[%swap3A_694], %gather3A_693 {strides = array<i32>} : memref<4096xf32, #tpu.memory_space<vmem>>, vector<16xf32>,
    %gather3A_696 = arith.constant 3 : i32
    %gather3A_697 = arith.constant 0 : i32
    %gather3A_698 = arith.constant 0 : i32
    %gather3A_699 = tpu.memref_slice %arg9[%gather3A_696, %gather3A_697, %gather3A_698] : memref<4x64x128xf32, #tpu.memory_space<vmem>> -> memref<1x64x128xf32, #tpu.memory_space<vmem>>
    %gather3A_700 = tpu.memref_squeeze %gather3A_699 : memref<1x64x128xf32, #tpu.memory_space<vmem>> -> memref<64x128xf32, #tpu.memory_space<vmem>>
    %gather3A_701 = tpu.vector_load_idx %gather3A_700[%add3A_687, %add3A_646] : memref<64x128xf32, #tpu.memory_space<vmem>>[vector<16xi32>, vector<16xi32>], vector<16xf32>,
    %swap3A_702 = arith.constant 4000 : index
    %swap3A_703 = tpu.vector_load %arg11[%swap3A_702] {strides = array<i32>} : memref<4096xf32, #tpu.memory_space<vmem>>, vector<16xf32>,
    tpu.vector_store %arg11[%swap3A_702], %gather3A_701 {strides = array<i32>} : memref<4096xf32, #tpu.memory_space<vmem>>, vector<16xf32>,
    %add3A_704 = arith.constant 48 : i32
    %add3A_705 = vector.broadcast %add3A_704 : i32 to vector<16xi32>
    %add3A_706 = arith.addi %iota3A, %add3A_705 : vector<16xi32>
    %gather3A_707 = arith.constant 3 : i32
    %gather3A_708 = arith.constant 0 : i32
    %gather3A_709 = arith.constant 0 : i32
    %gather3A_710 = tpu.memref_slice %arg8[%gather3A_707, %gather3A_708, %gather3A_709] : memref<4x64x128xf32, #tpu.memory_space<vmem>> -> memref<1x64x128xf32, #tpu.memory_space<vmem>>
    %gather3A_711 = tpu.memref_squeeze %gather3A_710 : memref<1x64x128xf32, #tpu.memory_space<vmem>> -> memref<64x128xf32, #tpu.memory_space<vmem>>
    %gather3A_712 = tpu.vector_load_idx %gather3A_711[%add3A_706, %add3A_646] : memref<64x128xf32, #tpu.memory_space<vmem>>[vector<16xi32>, vector<16xi32>], vector<16xf32>,
    %swap3A_713 = arith.constant 4016 : index
    %swap3A_714 = tpu.vector_load %arg10[%swap3A_713] {strides = array<i32>} : memref<4096xf32, #tpu.memory_space<vmem>>, vector<16xf32>,
    tpu.vector_store %arg10[%swap3A_713], %gather3A_712 {strides = array<i32>} : memref<4096xf32, #tpu.memory_space<vmem>>, vector<16xf32>,
    %gather3A_715 = arith.constant 3 : i32
    %gather3A_716 = arith.constant 0 : i32
    %gather3A_717 = arith.constant 0 : i32
    %gather3A_718 = tpu.memref_slice %arg9[%gather3A_715, %gather3A_716, %gather3A_717] : memref<4x64x128xf32, #tpu.memory_space<vmem>> -> memref<1x64x128xf32, #tpu.memory_space<vmem>>
    %gather3A_719 = tpu.memref_squeeze %gather3A_718 : memref<1x64x128xf32, #tpu.memory_space<vmem>> -> memref<64x128xf32, #tpu.memory_space<vmem>>
    %gather3A_720 = tpu.vector_load_idx %gather3A_719[%add3A_706, %add3A_646] : memref<64x128xf32, #tpu.memory_space<vmem>>[vector<16xi32>, vector<16xi32>], vector<16xf32>,
    %swap3A_721 = arith.constant 4016 : index
    %swap3A_722 = tpu.vector_load %arg11[%swap3A_721] {strides = array<i32>} : memref<4096xf32, #tpu.memory_space<vmem>>, vector<16xf32>,
    tpu.vector_store %arg11[%swap3A_721], %gather3A_720 {strides = array<i32>} : memref<4096xf32, #tpu.memory_space<vmem>>, vector<16xf32>,
    %swap3A_723 = arith.constant 4032 : index
    %swap3A_724 = tpu.vector_load %arg10[%swap3A_723] {strides = array<i32>} : memref<4096xf32, #tpu.memory_space<vmem>>, vector<16xf32>,
    tpu.vector_store %arg10[%swap3A_723], %broadcast_in_dim3A_3 {strides = array<i32>} : memref<4096xf32, #tpu.memory_space<vmem>>, vector<16xf32>,
    %swap3A_725 = arith.constant 4032 : index
    %swap3A_726 = tpu.vector_load %arg11[%swap3A_725] {strides = array<i32>} : memref<4096xf32, #tpu.memory_space<vmem>>, vector<16xf32>,
    tpu.vector_store %arg11[%swap3A_725], %broadcast_in_dim3A_3 {strides = array<i32>} : memref<4096xf32, #tpu.memory_space<vmem>>, vector<16xf32>,
    %swap3A_727 = arith.constant 4048 : index
    %swap3A_728 = tpu.vector_load %arg10[%swap3A_727] {strides = array<i32>} : memref<4096xf32, #tpu.memory_space<vmem>>, vector<16xf32>,
    tpu.vector_store %arg10[%swap3A_727], %broadcast_in_dim3A_3 {strides = array<i32>} : memref<4096xf32, #tpu.memory_space<vmem>>, vector<16xf32>,
    %swap3A_729 = arith.constant 4048 : index
    %swap3A_730 = tpu.vector_load %arg11[%swap3A_729] {strides = array<i32>} : memref<4096xf32, #tpu.memory_space<vmem>>, vector<16xf32>,
    tpu.vector_store %arg11[%swap3A_729], %broadcast_in_dim3A_3 {strides = array<i32>} : memref<4096xf32, #tpu.memory_space<vmem>>, vector<16xf32>,
    %swap3A_731 = arith.constant 4064 : index
    %swap3A_732 = tpu.vector_load %arg10[%swap3A_731] {strides = array<i32>} : memref<4096xf32, #tpu.memory_space<vmem>>, vector<16xf32>,
    tpu.vector_store %arg10[%swap3A_731], %broadcast_in_dim3A_3 {strides = array<i32>} : memref<4096xf32, #tpu.memory_space<vmem>>, vector<16xf32>,
    %swap3A_733 = arith.constant 4064 : index
    %swap3A_734 = tpu.vector_load %arg11[%swap3A_733] {strides = array<i32>} : memref<4096xf32, #tpu.memory_space<vmem>>, vector<16xf32>,
    tpu.vector_store %arg11[%swap3A_733], %broadcast_in_dim3A_3 {strides = array<i32>} : memref<4096xf32, #tpu.memory_space<vmem>>, vector<16xf32>,
    %swap3A_735 = arith.constant 4080 : index
    %swap3A_736 = tpu.vector_load %arg10[%swap3A_735] {strides = array<i32>} : memref<4096xf32, #tpu.memory_space<vmem>>, vector<16xf32>,
    tpu.vector_store %arg10[%swap3A_735], %broadcast_in_dim3A_3 {strides = array<i32>} : memref<4096xf32, #tpu.memory_space<vmem>>, vector<16xf32>,
    %swap3A_737 = arith.constant 4080 : index
    %swap3A_738 = tpu.vector_load %arg11[%swap3A_737] {strides = array<i32>} : memref<4096xf32, #tpu.memory_space<vmem>>, vector<16xf32>,
    tpu.vector_store %arg11[%swap3A_737], %broadcast_in_dim3A_3 {strides = array<i32>} : memref<4096xf32, #tpu.memory_space<vmem>>, vector<16xf32>,
    %mul3A_739 = arith.constant 128 : i32
    %mul3A_740 = arith.muli %mul3A_2, %mul3A_739 : i32
    "tpu.region"() ({
      %run_scoped3A = tpu.sem_alloc : memref<!tpu.dma_semaphore, #tpu.memory_space<semaphore_mem>>
      %dma_start3A_743 = tpu.memref_slice %arg5[%mul3A_740] : memref<131072xf32, #tpu.memory_space<hbm>> -> memref<4096xf32, #tpu.memory_space<hbm>>
      %dma_start3A_744 = tpu.memref_slice %arg5[%mul3A_740] : memref<131072xf32, #tpu.memory_space<hbm>> -> memref<4096xf32, #tpu.memory_space<hbm>>
      tpu.enqueue_dma source(%arg10 : memref<4096xf32, #tpu.memory_space<vmem>>) target(%dma_start3A_744 : memref<4096xf32, #tpu.memory_space<hbm>>) target_semaphore(%run_scoped3A : memref<!tpu.dma_semaphore, #tpu.memory_space<semaphore_mem>>)
      %dma_wait3A_745 = tpu.memref_slice %arg5[%mul3A_740] : memref<131072xf32, #tpu.memory_space<hbm>> -> memref<4096xf32, #tpu.memory_space<hbm>>
      %dma_wait3A_746 = tpu.memref_slice %arg5[%mul3A_740] : memref<131072xf32, #tpu.memory_space<hbm>> -> memref<4096xf32, #tpu.memory_space<hbm>>
      tpu.wait_dma2 semaphore(%run_scoped3A : memref<!tpu.dma_semaphore, #tpu.memory_space<semaphore_mem>>) src(%arg10 : memref<4096xf32, #tpu.memory_space<vmem>>) dst(%dma_wait3A_746 : memref<4096xf32, #tpu.memory_space<hbm>>)
      tpu.yield
    }) : () -> ()
    %mul3A_741 = arith.constant 128 : i32
    %mul3A_742 = arith.muli %mul3A_2, %mul3A_741 : i32
    "tpu.region"() ({
      %run_scoped3A = tpu.sem_alloc : memref<!tpu.dma_semaphore, #tpu.memory_space<semaphore_mem>>
      %dma_start3A_743 = tpu.memref_slice %arg6[%mul3A_742] : memref<131072xf32, #tpu.memory_space<hbm>> -> memref<4096xf32, #tpu.memory_space<hbm>>
      %dma_start3A_744 = tpu.memref_slice %arg6[%mul3A_742] : memref<131072xf32, #tpu.memory_space<hbm>> -> memref<4096xf32, #tpu.memory_space<hbm>>
      tpu.enqueue_dma source(%arg11 : memref<4096xf32, #tpu.memory_space<vmem>>) target(%dma_start3A_744 : memref<4096xf32, #tpu.memory_space<hbm>>) target_semaphore(%run_scoped3A : memref<!tpu.dma_semaphore, #tpu.memory_space<semaphore_mem>>)
      %dma_wait3A_745 = tpu.memref_slice %arg6[%mul3A_742] : memref<131072xf32, #tpu.memory_space<hbm>> -> memref<4096xf32, #tpu.memory_space<hbm>>
      %dma_wait3A_746 = tpu.memref_slice %arg6[%mul3A_742] : memref<131072xf32, #tpu.memory_space<hbm>> -> memref<4096xf32, #tpu.memory_space<hbm>>
      tpu.wait_dma2 semaphore(%run_scoped3A : memref<!tpu.dma_semaphore, #tpu.memory_space<semaphore_mem>>) src(%arg11 : memref<4096xf32, #tpu.memory_space<vmem>>) dst(%dma_wait3A_746 : memref<4096xf32, #tpu.memory_space<hbm>>)
      tpu.yield
    }) : () -> ()
    return
  }
}

module attributes {stable_mosaic.version = 14 : i64} {
  func.func @_pdist_body(%arg0: memref<1x2xf32, #tpu.memory_space<vmem>>, %arg1: memref<1024x1xi32, #tpu.memory_space<vmem>>, %arg2: memref<32x128xf32, #tpu.memory_space<vmem>>, %arg3: memref<32x128xf32, #tpu.memory_space<vmem>>, %arg4: memref<1024x128xf32, #tpu.memory_space<vmem>>, %arg5: memref<1024x128xf32, #tpu.memory_space<vmem>>, %arg6: memref<1024x1024xf32, #tpu.memory_space<vmem>>) attributes {dimension_semantics = [], scalar_prefetch = 0 : i64, scratch_operands = 0 : i64, tpu.core_type = #tpu.core_type<tc>} {
    %get3A = arith.constant 0 : index
    %get3A_0 = arith.constant 0 : index
    %get3A_1 = vector.load %arg0[%get3A, %get3A_0] : memref<1x2xf32, #tpu.memory_space<vmem>>, vector<1x2xf32>
    %exp3A = math.exp %get3A_1 : vector<1x2xf32>
    %add3A = arith.constant 1.000000e+00 : f32
    %add3A_2 = vector.broadcast %add3A : f32 to vector<1x2xf32>
    %add3A_3 = arith.addf %add3A_2, %exp3A : vector<1x2xf32>
    %log3A = math.log %add3A_3 : vector<1x2xf32>
    %slice3A = vector.extract_strided_slice %log3A {offsets = [0, 0], sizes = [1, 1], strides = [1, 1]} : vector<1x2xf32> to vector<1x1xf32>
    %slice3A_4 = vector.extract_strided_slice %log3A {offsets = [0, 1], sizes = [1, 1], strides = [1, 1]} : vector<1x2xf32> to vector<1x1xf32>
    %get3A_5 = arith.constant 0 : index
    %get3A_6 = arith.constant 0 : index
    %get3A_7 = vector.load %arg1[%get3A_5, %get3A_6] : memref<1024x1xi32, #tpu.memory_space<vmem>>, vector<1024x1xi32>
    %sub3A = arith.constant 99968 : i32
    %sub3A_8 = vector.broadcast %sub3A : i32 to vector<1024x1xi32>
    %sub3A_9 = arith.subi %get3A_7, %sub3A_8 : vector<1024x1xi32>
    %iota3A = tpu.iota {dimensions = array<i32: 1>} : vector<1024x32xi32>
    %eq3A = vector.broadcast %sub3A_9 : vector<1024x1xi32> to vector<1024x32xi32>
    %eq3A_10 = arith.cmpi eq, %eq3A, %iota3A : vector<1024x32xi32>
    %convert_element_type3A = arith.extui %eq3A_10 : vector<1024x32xi1> to vector<1024x32xi32>
    %convert_element_type3A_11 = arith.sitofp %convert_element_type3A : vector<1024x32xi32> to vector<1024x32xf32>
    %get3A_12 = arith.constant 0 : index
    %get3A_13 = arith.constant 0 : index
    %get3A_14 = vector.load %arg2[%get3A_12, %get3A_13] : memref<32x128xf32, #tpu.memory_space<vmem>>, vector<32x128xf32>
    %dot_general3A = arith.constant dense<0.000000e+00> : vector<1024x128xf32>
    %dot_general3A_15 = tpu.matmul %convert_element_type3A_11, %get3A_14, %dot_general3A {dimension_numbers = #tpu.dot_dimension_numbers<[1], [0], [0], [1], [0, 0, 1, 1], [], []>, transpose_lhs_hint = false} : vector<1024x32xf32>, vector<32x128xf32>, vector<1024x128xf32> -> vector<1024x128xf32>
    %get3A_16 = arith.constant 0 : index
    %get3A_17 = arith.constant 0 : index
    %get3A_18 = vector.load %arg3[%get3A_16, %get3A_17] : memref<32x128xf32, #tpu.memory_space<vmem>>, vector<32x128xf32>
    %dot_general3A_19 = arith.constant dense<0.000000e+00> : vector<1024x128xf32>
    %dot_general3A_20 = tpu.matmul %convert_element_type3A_11, %get3A_18, %dot_general3A_19 {dimension_numbers = #tpu.dot_dimension_numbers<[1], [0], [0], [1], [0, 0, 1, 1], [], []>, transpose_lhs_hint = false} : vector<1024x32xf32>, vector<32x128xf32>, vector<1024x128xf32> -> vector<1024x128xf32>
    %ge3A = arith.constant 99968 : i32
    %ge3A_21 = vector.broadcast %ge3A : i32 to vector<1024x1xi32>
    %ge3A_22 = arith.cmpi sge, %get3A_7, %ge3A_21 : vector<1024x1xi32>
    %get3A_23 = arith.constant 0 : index
    %get3A_24 = arith.constant 0 : index
    %get3A_25 = vector.load %arg4[%get3A_23, %get3A_24] : memref<1024x128xf32, #tpu.memory_space<vmem>>, vector<1024x128xf32>
    %broadcast_in_dim3A = vector.shape_cast %ge3A_22 : vector<1024x1xi1> to vector<1024x1xi1>
    %broadcast_in_dim3A_26 = vector.broadcast %broadcast_in_dim3A : vector<1024x1xi1> to vector<1024x128xi1>
    %select_n3A = arith.select %broadcast_in_dim3A_26, %dot_general3A_15, %get3A_25 : vector<1024x128xi1>, vector<1024x128xf32>
    %get3A_27 = arith.constant 0 : index
    %get3A_28 = arith.constant 0 : index
    %get3A_29 = vector.load %arg5[%get3A_27, %get3A_28] : memref<1024x128xf32, #tpu.memory_space<vmem>>, vector<1024x128xf32>
    %broadcast_in_dim3A_30 = vector.shape_cast %ge3A_22 : vector<1024x1xi1> to vector<1024x1xi1>
    %broadcast_in_dim3A_31 = vector.broadcast %broadcast_in_dim3A_30 : vector<1024x1xi1> to vector<1024x128xi1>
    %select_n3A_32 = arith.select %broadcast_in_dim3A_31, %dot_general3A_20, %get3A_29 : vector<1024x128xi1>, vector<1024x128xf32>
    %mul3A = arith.mulf %select_n3A, %select_n3A : vector<1024x128xf32>
    %mul3A_33 = arith.mulf %select_n3A_32, %select_n3A_32 : vector<1024x128xf32>
    %broadcast_in_dim3A_34 = arith.constant 1.000000e+00 : f32
    %broadcast_in_dim3A_35 = vector.broadcast %broadcast_in_dim3A_34 : f32 to vector<1x128xf32>
    %reduce_sum3A = arith.constant dense<0.000000e+00> : vector<1024xf32>
    %reduce_sum3A_36 = vector.multi_reduction <add>, %mul3A, %reduce_sum3A [1] : vector<1024x128xf32> to vector<1024xf32>
    %broadcast_in_dim3A_37 = vector.shape_cast %reduce_sum3A_36 : vector<1024xf32> to vector<1024x1xf32>
    %reduce_sum3A_38 = arith.constant dense<0.000000e+00> : vector<1024xf32>
    %reduce_sum3A_39 = vector.multi_reduction <add>, %mul3A_33, %reduce_sum3A_38 [1] : vector<1024x128xf32> to vector<1024xf32>
    %broadcast_in_dim3A_40 = vector.shape_cast %reduce_sum3A_39 : vector<1024xf32> to vector<1024x1xf32>
    %dot_general3A_41 = arith.constant dense<0.000000e+00> : vector<1x1024xf32>
    %dot_general3A_42 = tpu.matmul %broadcast_in_dim3A_35, %mul3A, %dot_general3A_41 {dimension_numbers = #tpu.dot_dimension_numbers<[1], [1], [0], [0], [0, 0, 1, 0], [], []>, transpose_lhs_hint = false} : vector<1x128xf32>, vector<1024x128xf32>, vector<1x1024xf32> -> vector<1x1024xf32>
    %dot_general3A_43 = arith.constant dense<0.000000e+00> : vector<1x1024xf32>
    %dot_general3A_44 = tpu.matmul %broadcast_in_dim3A_35, %mul3A_33, %dot_general3A_43 {dimension_numbers = #tpu.dot_dimension_numbers<[1], [1], [0], [0], [0, 0, 1, 0], [], []>, transpose_lhs_hint = false} : vector<1x128xf32>, vector<1024x128xf32>, vector<1x1024xf32> -> vector<1x1024xf32>
    %dot_general3A_45 = arith.constant dense<0.000000e+00> : vector<1024x1024xf32>
    %dot_general3A_46 = tpu.matmul %select_n3A, %select_n3A, %dot_general3A_45 {dimension_numbers = #tpu.dot_dimension_numbers<[1], [1], [0], [0], [0, 0, 1, 0], [], []>, transpose_lhs_hint = false} : vector<1024x128xf32>, vector<1024x128xf32>, vector<1024x1024xf32> -> vector<1024x1024xf32>
    %dot_general3A_47 = arith.constant dense<0.000000e+00> : vector<1024x1024xf32>
    %dot_general3A_48 = tpu.matmul %select_n3A_32, %select_n3A_32, %dot_general3A_47 {dimension_numbers = #tpu.dot_dimension_numbers<[1], [1], [0], [0], [0, 0, 1, 0], [], []>, transpose_lhs_hint = false} : vector<1024x128xf32>, vector<1024x128xf32>, vector<1024x1024xf32> -> vector<1024x1024xf32>
    %add3A_49 = vector.broadcast %broadcast_in_dim3A_37 : vector<1024x1xf32> to vector<1024x1024xf32>
    %add3A_50 = vector.broadcast %dot_general3A_42 : vector<1x1024xf32> to vector<1024x1024xf32>
    %add3A_51 = arith.addf %add3A_49, %add3A_50 : vector<1024x1024xf32>
    %mul3A_52 = arith.constant 2.000000e+00 : f32
    %mul3A_53 = vector.broadcast %mul3A_52 : f32 to vector<1024x1024xf32>
    %mul3A_54 = arith.mulf %mul3A_53, %dot_general3A_46 : vector<1024x1024xf32>
    %sub3A_55 = arith.subf %add3A_51, %mul3A_54 : vector<1024x1024xf32>
    %max3A = arith.constant 0.000000e+00 : f32
    %max3A_56 = vector.broadcast %max3A : f32 to vector<1024x1024xf32>
    %max3A_57 = arith.maximumf %sub3A_55, %max3A_56 : vector<1024x1024xf32>
    %add3A_58 = vector.broadcast %broadcast_in_dim3A_40 : vector<1024x1xf32> to vector<1024x1024xf32>
    %add3A_59 = vector.broadcast %dot_general3A_44 : vector<1x1024xf32> to vector<1024x1024xf32>
    %add3A_60 = arith.addf %add3A_58, %add3A_59 : vector<1024x1024xf32>
    %mul3A_61 = arith.constant 2.000000e+00 : f32
    %mul3A_62 = vector.broadcast %mul3A_61 : f32 to vector<1024x1024xf32>
    %mul3A_63 = arith.mulf %mul3A_62, %dot_general3A_48 : vector<1024x1024xf32>
    %sub3A_64 = arith.subf %add3A_60, %mul3A_63 : vector<1024x1024xf32>
    %max3A_65 = arith.constant 0.000000e+00 : f32
    %max3A_66 = vector.broadcast %max3A_65 : f32 to vector<1024x1024xf32>
    %max3A_67 = arith.maximumf %sub3A_64, %max3A_66 : vector<1024x1024xf32>
    %mul3A_68 = vector.broadcast %slice3A : vector<1x1xf32> to vector<1024x1024xf32>
    %mul3A_69 = arith.mulf %mul3A_68, %max3A_57 : vector<1024x1024xf32>
    %mul3A_70 = vector.broadcast %slice3A_4 : vector<1x1xf32> to vector<1024x1024xf32>
    %mul3A_71 = arith.mulf %mul3A_70, %max3A_67 : vector<1024x1024xf32>
    %add3A_72 = arith.addf %mul3A_69, %mul3A_71 : vector<1024x1024xf32>
    %swap3A = arith.constant 0 : index
    %swap3A_73 = arith.constant 0 : index
    %swap3A_74 = vector.load %arg6[%swap3A, %swap3A_73] : memref<1024x1024xf32, #tpu.memory_space<vmem>>, vector<1024x1024xf32>
    tpu.vector_store %arg6[%swap3A, %swap3A_73], %add3A_72 {strides = array<i32>} : memref<1024x1024xf32, #tpu.memory_space<vmem>>, vector<1024x1024xf32>,
    return
  }
}

</mosaic_0001>

<sc_bundles>
// kernel: kernel.4.cloned.1.call-start
scs
__scs_entry_jumppad:
0x0: {  	(pc) =	sbr.rel $0x88, $3  }
0x1: {  	(tag) =	ssettag $0x0;
	lr =	simm.s32 $0x1  }
0x2: {  	[smem:$0x3F9C] =	sst lr;
	_ =	strace $0xD0000000  }
0x3: {  	_ = 	snop  }
0x4: {  	_ = 	snop  }
0x5: {  	_ = 	snop  }
0x6: {  	_ = 	snop  }
0x7: {  	_ = 	snop  }
__scs_overlays_trampoline_lowered:
0x8: {  	[smem:$0x3FAB] =	sst s0  }
0x9: {  	[smem:$0x3FAC] =	sst s1  }
0xa: {  	[smem:$0x3FAD] =	sst s2  }
0xb: {  	[smem:$0x3FAE] =	sst s3  }
0xc: {  	[smem:$0x3FAF] =	sst s4  }
0xd: {  	[smem:$0x3FB0] =	sst s5  }
0xe: {  	[smem:$0x3FB1] =	sst s6  }
0xf: {  	[smem:$0x3FB2] =	sst s7  }
0x10: {  	[smem:$0x3FB3] =	sst s8  }
0x11: {  	[smem:$0x3FB4] =	sst s9;
	s0 =	simm.s32 @!p0 $0x0  }
0x12: {  	s1 =	sld [smem:$0x3F9A];
	s0 =	simm.s32 @p0 $0x1  }
0x13: {  	[smem:$0x3FB5] =	sst s0;
	s0 =	simm.s32 @!p1 $0x0  }
0x14: {  	s2 =	sld [smem:$0x3F99];
	s0 =	simm.s32 @p1 $0x1  }
0x15: {  	[smem:$0x3FB6] =	sst s0;
	s0 =	simm.s32 @!p2 $0x0  }
0x16: {  	s3 =	sld [smem:$0x3FDB];
	s0 =	simm.s32 @p2 $0x1  }
0x17: {  	s4 =	simm.s32 $0x1BF5;
	[smem:$0x3FB8] =	sst s0  }
0x18: {  	s0 =	sld [smem:$0x3F9B];
	_ =	swait.ge [sflag:s4], $0x0  }
0x19: {  	s7 =	sld [smem:$0x3F9C]  }
0x1a: {  	s8 =	sadd.s32 $0xFFFFE003, lr  }
0x1b: {  	s9 =	sadd.s32 $0xFFFFFEF7, lr;
	s5 =	simm.s32 $0xFFFFFFFF;
	p2 =	slt.u32 s8, $0xFFFFF086  }
0x1c: {  	p1 =	slt.u32 s9, $0xF7A;
	s5 =	simm.s32 @!p2 $0x0  }
0x1d: {  	s5 =	simm.s32 @p1 $0x1;
	p0 =	seq.s32 s7, s2  }
0x1e: {  	s7 =	smul.u32 @!p0 $0xF7A, s2;
	p2 =	seq.s32 @!p0 s5, $0x0  }
0x1f: {  	s9 =	smul.u32 $0xF7A, s1;
	s8 =	simm.s32 @!p0 $0x1BF5;
	p2 =	por !p2, p0  }
0x20: {  	[sflag:s8] =	ssyncset.s32 @!p0 $0xFFFFF086;
	s6 =	sadd.s32 @!p0 s3, s7;
	s7 =	simm.s32 @!p0 $0x108  }
0x21: {  	s3 =	sadd.s32 s3, s9;
	s6 =	sadd.s32 @!p0 $0x88, s6;
	s7 =	simm.s32 @p2 $0x1082  }
0x22: {  	[simem:s7], [sflag:s8] =	dma.local @!p0 [hbm:s6], $0xF7A  }
0x23: {  	s9 =	sor.u32 $0xD0000000, s2;
	s6 =	simm.s32 $0x108;
	_ =	swait.ge @!p0 [sflag:s8], $0x0  }
0x24: {  	s3 =	sadd.s32 $0x88, s3;
	s6 =	simm.s32 @!p1 $0x1082;
	[sflag:s4] =	ssyncset.s32 $0xFFFFF086  }
0x25: {  	[simem:s6], [sflag:s4] =	dma.local [hbm:s3], $0xF7A  }
0x26: {  	[smem:$0x3F9C] =	sst s1;
	(tag) =	ssettag s2;
	_ =	strace s9  }
0x27: {  	s1 =	sld [smem:$0x3FAC]  }
0x28: {  	s2 =	sld [smem:$0x3FAD]  }
0x29: {  	s4 =	sld [smem:$0x3FAF]  }
0x2a: {  	p0 =	seq.s32 s5, $0x0;
	s5 =	sld [smem:$0x3FB0]  }
0x2b: {  	s6 =	sld [smem:$0x3FB1]  }
0x2c: {  	s7 =	sld [smem:$0x3FB2]  }
0x2d: {  	s3 =	simm.s32 $0x108;
	s8 =	sld [smem:$0x3FB3]  }
0x2e: {  	s3 =	simm.s32 @!p0 $0x1082;
	s9 =	sld [smem:$0x3FB4]  }
0x2f: {  	lr =	sadd.s32 s0, s3;
	s0 =	sld [smem:$0x3FAB]  }
0x30: {  	s3 =	sld [smem:$0x3FAE]  }
0x31: {  	[smem:$0x3FB7] =	sst s10  }
0x32: {  	s10 =	sld [smem:$0x3FB5];
	_ =	sdelay $0x3  }
0x33: {  	p0 =	seq.s32 s10, $0x1;
	s10 =	sld [smem:$0x3FB7];
	_ =	sdelay $0x3  }
0x34: {  	[smem:$0x3FB7] =	sst s10  }
0x35: {  	s10 =	sld [smem:$0x3FB6];
	_ =	sdelay $0x3  }
0x36: {  	p1 =	seq.s32 s10, $0x1;
	s10 =	sld [smem:$0x3FB7];
	_ =	sdelay $0x3  }
0x37: {  	[smem:$0x3FB7] =	sst s10  }
0x38: {  	s10 =	sld [smem:$0x3FB8]  }
0x39: {  	_ = 	snop;
	(pc) =	sbr.ind lr, $3  }
0x3a: {  	_ = 	snop  }
0x3b: {  	_ = 	snop  }
0x3c: {  	p2 =	seq.s32 s10, $0x1;
	s10 =	sld [smem:$0x3FB7]  }
0x3d: {  	_ =	shalt  }
0x3e: {  	_ =	shalt  }
0x3f: {  	_ =	shalt  }
0x40: {  	_ =	shalt  }
0x41: {  	_ =	shalt  }
0x42: {  	_ =	shalt  }
0x43: {  	_ =	shalt  }
0x44: {  	_ =	shalt  }
0x45: {  	_ =	shalt  }
0x46: {  	_ =	shalt  }
0x47: {  	_ =	shalt  }
0x48: {  	_ =	shalt  }
0x49: {  	_ =	shalt  }
0x4a: {  	_ =	shalt  }
0x4b: {  	_ =	shalt  }
0x4c: {  	_ =	shalt  }
0x4d: {  	_ =	shalt  }
0x4e: {  	_ =	shalt  }
0x4f: {  	_ =	shalt  }
0x50: {  	_ =	shalt  }
0x51: {  	_ =	shalt  }
0x52: {  	_ =	shalt  }
0x53: {  	_ =	shalt  }
0x54: {  	_ =	shalt  }
0x55: {  	_ =	shalt  }
0x56: {  	_ =	shalt  }
0x57: {  	_ =	shalt  }
0x58: {  	_ =	shalt  }
0x59: {  	_ =	shalt  }
0x5a: {  	_ =	shalt  }
0x5b: {  	_ =	shalt  }
0x5c: {  	_ =	shalt  }
0x5d: {  	_ =	shalt  }
0x5e: {  	_ =	shalt  }
0x5f: {  	_ =	shalt  }
0x60: {  	_ =	shalt  }
0x61: {  	_ =	shalt  }
0x62: {  	_ =	shalt  }
0x63: {  	_ =	shalt  }
0x64: {  	_ =	shalt  }
0x65: {  	_ =	shalt  }
0x66: {  	_ =	shalt  }
0x67: {  	_ =	shalt  }
0x68: {  	_ =	shalt  }
0x69: {  	_ =	shalt  }
0x6a: {  	_ =	shalt  }
0x6b: {  	_ =	shalt  }
0x6c: {  	_ =	shalt  }
0x6d: {  	_ =	shalt  }
0x6e: {  	_ =	shalt  }
0x6f: {  	_ =	shalt  }
0x70: {  	_ =	shalt  }
0x71: {  	_ =	shalt  }
0x72: {  	_ =	shalt  }
0x73: {  	_ =	shalt  }
0x74: {  	_ =	shalt  }
0x75: {  	_ =	shalt  }
0x76: {  	_ =	shalt  }
0x77: {  	_ =	shalt  }
0x78: {  	_ =	shalt  }
0x79: {  	_ =	shalt  }
0x7a: {  	_ =	shalt  }
0x7b: {  	_ =	shalt  }
0x7c: {  	_ =	shalt  }
0x7d: {  	_ =	shalt  }
0x7e: {  	_ =	shalt  }
0x7f: {  	_ =	shalt  }
0x80: {  	_ =	shalt  }
0x81: {  	_ =	shalt  }
0x82: {  	_ =	shalt  }
0x83: {  	_ =	shalt  }
0x84: {  	_ =	shalt  }
0x85: {  	_ =	shalt  }
0x86: {  	_ =	shalt  }
0x87: {  	_ =	shalt  }
.Lfunc_end0:
.L_simem_size_0:
called_computation_lowered:
.L_overlay_start_0:
0x88: {  	s2 =	sld [smem:$0x3FD9]  }
0x89: {  	s3 =	sld [smem:$0x3FFE];
	_ =	sdelay $0x1  }
0x8a: {  	s1 =	srdreg.scid  }
0x8b: {  	s0 =	sand.u32 $0x1, s1  }
0x8c: {  	s17 =	sshll.u32 s0, $0xA;
	s2 =	sadd.s32 s3, s2  }
0x8d: {  	s2 =	sadd.s32 s2, s17  }
0x8e: {  	[smem:$0x3FC3] =	sst s2  }
0x8f: {  	_ = 	snop  }
0x90: {  	s2 =	sld [smem:$0x3FC9]  }
0x91: {  	s18 =	sld [smem:$0x3FC8]  }
0x92: {  	s4 =	sld [smem:$0x3FC5]  }
0x93: {  	s5 =	sld [smem:$0x3FD0];
	(tm) =	ssettm $0x1  }
0x94: {  	s6 =	sld [smem:$0x3FFB];
	_ =	sdelay $0x3  }
0x95: {  	_ =	strace s6  }
0x96: {  	s6 =	sld [smem:$0x3FFC];
	_ =	sdelay $0x3  }
0x97: {  	_ =	strace s6  }
0x98: {  	s6 =	sld [smem:$0x3FFD];
	_ =	sdelay $0x3  }
0x99: {  	_ =	strace s6  }
0x9a: {  	_ =	strace $0x8FFFFFFF  }
0x9b: {  	s19 =	sld [smem:$0x3FDB];
	_ =	sdelay $0x1  }
0x9c: {  	s7 =	simm.s32 $_scs_section_size  }
0x9d: {  	s8 =	simm.s32 $_size__tile_overlayer_lowered;
	s9 =	simm.s32 $_tile_overlayer_lowered  }
0x9e: {  	s22 =	simm.s32 $0x1BFF;
	s21 =	sshll.u32 s9, $0x1;
	s6 =	sadd.s32 s7, s19  }
0x9f: {  	s10 =	simm.s32 $0x0;
	s20 =	sshll.u32 s8, $0x1;
	s8 =	sadd.s32 s21, s6  }
0xa0: {  	[timem:s10], [sflag:s22] =	dma.local [hbm:s8], s20  }
0xa1: {  	_ =	swait.ge [sflag:s22], s20  }
0xa2: {  	s7 =	ssub.s32 $0x0, s20;
	[sflag:s22] =	ssyncset.done $0x0  }
0xa3: {  	[sflag:s22] =	ssyncadd.s32 s7;
	_ =	sdelay $0x1  }
0xa4: {  	s23 =	simm.s32 $0x1B8B  }
0xa5: {  	_ =	swait.ge [sflag:s23], $0x1  }
0xa6: {  	[sflag:s23] =	ssyncset.done $0x0  }
0xa7: {  	s25 =	simm.s32 $0x1B8E;
	s24 =	sld [smem:$0x3FFE];
	[sflag:s23] =	ssyncadd.s32 $0xFFFFFFFF  }
0xa8: {  	s26 =	simm.s32 $execute0_lowered;
	[smem:$0x3FD2] =	sst s25  }
0xa9: {  	s8 =	sshll.u32 s26, $0x1;
	_ =	strace $0x80000046;
	[dreg:$0x1] =	wrdreg $0xFFFFFFFF  }
0xaa: {  	s28 =	simm.s32 $_size_execute0_lowered;
	s6 =	sadd.s32 s6, s8;
	[dreg:$0x0] =	wrdreg $0x0  }
0xab: {  	s8 =	sshll.u32 s28, $0x1;
	[dreg:$0x2] =	wrdreg s6  }
0xac: {  	[dreg:$0x3] =	wrdreg s8  }
0xad: {  	[dreg:$0x4] =	wrdreg $0xC0  }
0xae: {  	_ =	task [dreg:s10], $0x5FFFF  }
0xaf: {  	[dreg:$0x1] =	wrdreg $0xFFFFFFFF  }
0xb0: {  	[dreg:$0x0] =	wrdreg $0x60  }
0xb1: {  	[dreg:$0x2] =	wrdreg s2  }
0xb2: {  	[dreg:$0x3] =	wrdreg s18  }
0xb3: {  	[dreg:$0x4] =	wrdreg s4  }
0xb4: {  	[dreg:$0x5] =	wrdreg s5  }
0xb5: {  	[dreg:$0x6] =	wrdreg s24  }
0xb6: {  	[dreg:$0x7] =	wrdreg $0x9  }
0xb7: {  	_ =	task.clear_ibuf [dreg:s10], $0x8FFFF;
	_ =	strace $0x90000046  }
0xb8: {  	s29 =	simm.s32 $0x9;
	_ =	strace $0x80000048  }
0xb9: {  	_ =	swait.ge [sflag:s29], $0x1  }
0xba: {  	[sflag:s29] =	ssyncadd.s32 $0xFFFFFFFF  }
0xbb: {  	_ =	strace $0x90000048  }
0xbc: {  	_ =	sfence  }
0xbd: {  	s30 =	sld [smem:$0x0];
	_ =	sdelay $0x2  }
0xbe: {  	s31 =	sshll.u32 s1, $0xD;
	s1 =	sshrl.u32 s1, $0x2  }
0xbf: {  	s3 =	sand.u32 $0x4000, s31;
	s1 =	sadd.s32 s1, s30  }
0xc0: {  	s0 =	sor.u32 s3, s0;
	s1 =	sshll.u32 s1, $0x11  }
0xc1: {  	s0 =	sor.u32 s1, s0  }
0xc2: {  	s0 =	sadd.s32 $0x8F2B, s0  }
0xc3: {  	[sflag:s0] =	ssyncadd.remote.s32 $0x1  }
0xc4: {  	_ =	sfence.sel $0xFFFF  }
0xc5: {  	[dreg:$0x0] =	wrdreg $0xFFFFFFFF;
	(pc) =	sbr.abs _section_cstart, $3  }
0xc6: {  	[dreg:$0x1] =	wrdreg $0xFFFFFFFF  }
0xc7: {  	_ =	task.clear_ibuf [dreg:s10], $0x2FFFF;
	_ =	strace $0x9FFFFFFF  }
0xc8: {  	(tm) =	ssettm $0x7FFFFFFF  }
0xc9: {  	_ =	shalt  }
tec
execute0_lowered:
.L_overlay_start_1:
0x0: {  	(tag) =	ssettag $0x1  }
0x1: {  	s1 =	rddreg [dreg:$0x0]  }
0x2: {  	s2 =	rddreg [dreg:$0x1]  }
0x3: {  	s0 =	rddreg [dreg:$0x3]  }
0x4: {  	s3 =	rddreg [dreg:$0x4]  }
0x5: {  	s4 =	srdreg.scid;
	s11 =	stileid.u32  }
0x6: {  	s5 =	simm.s32 $0x0;
	s14 =	simm.s32 $0xA400;
	s15 =	simm.s32 $0x4400  }
0x7: {  	s16 =	simm.s32 $0xC400;
	s17 =	simm.s32 $0x6400;
	s20 =	simm.s32 $0x5  }
0x8: {  	s22 =	simm.s32 $0x6;
	s23 =	simm.s32 $0x3;
	s25 =	simm.s32 $0x4  }
0x9: {  	s26 =	simm.s32 $0x8;
	s30 =	simm.s32 $0x0;
	s4 =	sand.u32 $0x1, s4  }
0xa: {  	s6 =	sshll.u32 s11, $0x1;
	[smem:$0x7FF] =	sst s5;
	s11 =	sshll.u32 s11, $0x6  }
0xb: {  	s6 =	sor.u32 s4, s6;
	_ =	strace $0x80000047;
	s8 =	ssub.s32 $0x2, s4  }
0xc: {  	v4 =	vlaneseq.u32;
	s4 =	sshll.u32 s4, $0x5;
	s7 =	sshll.u32 s6, $0x9;
	s9 =	sshrl.u32 s8, $0x1  }
0xd: {  	v4 =	vmul.u32 $0x80, v4;
	s10 =	sshll.u32 s6, $0x5;
	s24 =	sshllo.u32 s6, $0x5;
	s31 =	sor.u32 s4, s11  }
0xe: {  	v12 =	vimm.f32 $0.0e+00;
	s11 =	simm.s32 $0x400;
	s3 =	sadd.s32 s7, s3;
	s8 =	ssub.s32 s8, s9  }
0xf: {  	v9 =	vor.u32 $0x800, v4;
	v10 =	vor.u32 $0x1000, v4;
	s29 =	sor.u32 $0x1, s10;
	s12 =	sor.u32 $0x2, s10;
	s13 =	sor.u32 $0x3, s10;
	v0 =	vmov s10  }
0x10: {  	s18 =	sor.u32 $0x1C, s10;
	s19 =	sor.u32 $0x1D, s10;
	s21 =	sor.u32 $0x1E, s10;
	v8 =	vmov s24;
	v0 =	vbroadcast v0, $0x0;
	v1 =	vmov s29  }
0x11: {  	s6 =	sadd.s32 s0, s7;
	[dreg:$0x6] =	wrdreg s31;
	s9 =	simm.s32 $0x9;
	v2 =	vmov s12;
	v3 =	vmov s13;
	v5 =	vmov s18  }
0x12: {  	s10 =	simm.s32 $0xC3800;
	s24 =	simm.s32 $0x7;
	s7 =	sadd.s32 $0xE00, s3;
	v6 =	vmov s19;
	v1 =	vbroadcast v1, $0x0;
	v2 =	vbroadcast v2, $0x0  }
0x13: {  	s8 =	smax.u32 s8, $0x1;
	s12 =	simm.s32 $0x8400;
	s13 =	simm.s32 $0x2400;
	v7 =	vmov s21;
	v3 =	vbroadcast v3, $0x0;
	v5 =	vbroadcast v5, $0x0  }
0x14: {  	v11 =	vor.u32 $0x1800, v4;
	s18 =	simm.s32 $0xE400;
	s19 =	simm.s32 $0x1;
	s21 =	simm.s32 $0x2;
	v6 =	vbroadcast v6, $0x0;
	v7 =	vbroadcast v7, $0x0  }
.LBB2_1:
0x15: {  	s0 =	rddreg [dreg:$0x2]  }
0x16: {  	[tilespmem:s5], [sflag:$0x9] =	stream.linear.gather [hbm4b:s0+s5], $0x400, $0x38;
	[tilespmem:$0x12400] =	vst v63  }
0x17: {  	_ =	swait.ge [sflag:s9], $0x400  }
0x18: {  	[sflag:s9] =	ssyncset.done $0x0  }
0x19: {  	[sflag:s9] =	ssyncadd.s32 $0xFFFFFC00  }
0x1a: {  	v13 =	vld.idx.msk [tilespmem:v0+s5+$0x0], $0xffff;
	_ =	sdelay $0x4  }
0x1b: {  	(v2sf) =	vpush v13, $0x0;
	_ =	sdelay $0xe  }
0x1c: {  	s4 =	spop (v2sf)  }
0x1d: {  	s0 =	sshrl.u32 s4, $0x7  }
0x1e: {  	s0 =	smin.u32 s0, $0x30C  }
0x1f: {  	s0 =	sshll.u32 s0, $0x7  }
0x20: {  	s3 =	sadd.s32 s1, s0  }
0x21: {  	[tilespmem:s11], [sflag:$0x1] =	stream.strided.gather [hbm4b:s3+s11], $0x2000, s10, s11, $0x38;
	[tilespmem:$0x12400] =	vst v63  }
0x22: {  	s0 =	sadd.s32 s2, s0  }
0x23: {  	[tilespmem:s12], [sflag:$0x5] =	stream.strided.gather [hbm4b:s0+s11], $0x2000, s10, s11, $0x38;
	[tilespmem:$0x12400] =	vst v63  }
0x24: {  	v13 =	vld.idx.msk [tilespmem:v1+s5+$0x0], $0xffff;
	_ =	sdelay $0x4  }
0x25: {  	(v2sf) =	vpush v13, $0x0;
	_ =	sdelay $0xe  }
0x26: {  	s28 =	spop (v2sf)  }
0x27: {  	s0 =	sshrl.u32 s28, $0x7  }
0x28: {  	s0 =	smin.u32 s0, $0x30C  }
0x29: {  	s0 =	sshll.u32 s0, $0x7  }
0x2a: {  	s29 =	sadd.s32 s1, s0  }
0x2b: {  	[tilespmem:s13], [sflag:$0x2] =	stream.strided.gather [hbm4b:s29+s11], $0x2000, s10, s11, $0x38;
	[tilespmem:$0x12400] =	vst v63  }
0x2c: {  	s0 =	sadd.s32 s2, s0  }
0x2d: {  	[tilespmem:s14], [sflag:$0x6] =	stream.strided.gather [hbm4b:s0+s11], $0x2000, s10, s11, $0x38;
	[tilespmem:$0x12400] =	vst v63  }
0x2e: {  	v13 =	vld.idx.msk [tilespmem:v2+s5+$0x0], $0xffff;
	_ =	sdelay $0x4  }
0x2f: {  	(v2sf) =	vpush v13, $0x0;
	_ =	sdelay $0xe  }
0x30: {  	s3 =	spop (v2sf)  }
0x31: {  	s0 =	sshrl.u32 s3, $0x7  }
0x32: {  	s0 =	smin.u32 s0, $0x30C  }
0x33: {  	s0 =	sshll.u32 s0, $0x7  }
0x34: {  	s4 =	sadd.s32 s1, s0  }
0x35: {  	[tilespmem:s15], [sflag:$0x3] =	stream.strided.gather [hbm4b:s4+s11], $0x2000, s10, s11, $0x38;
	[tilespmem:$0x12400] =	vst v63  }
0x36: {  	s0 =	sadd.s32 s2, s0  }
0x37: {  	[tilespmem:s16], [sflag:$0x7] =	stream.strided.gather [hbm4b:s0+s11], $0x2000, s10, s11, $0x38;
	[tilespmem:$0x12400] =	vst v63  }
0x38: {  	v13 =	vld.idx.msk [tilespmem:v3+s5+$0x0], $0xffff;
	_ =	sdelay $0x4  }
0x39: {  	(v2sf) =	vpush v13, $0x0;
	_ =	sdelay $0xe  }
0x3a: {  	s28 =	spop (v2sf)  }
0x3b: {  	s0 =	sshrl.u32 s28, $0x7  }
0x3c: {  	s0 =	smin.u32 s0, $0x30C  }
0x3d: {  	s0 =	sshll.u32 s0, $0x7  }
0x3e: {  	s29 =	sadd.s32 s1, s0  }
0x3f: {  	[tilespmem:s17], [sflag:$0x4] =	stream.strided.gather [hbm4b:s29+s11], $0x2000, s10, s11, $0x38;
	[tilespmem:$0x12400] =	vst v63  }
0x40: {  	s0 =	sadd.s32 s2, s0  }
0x41: {  	[tilespmem:s18], [sflag:$0x8] =	stream.strided.gather [hbm4b:s0+s11], $0x2000, s10, s11, $0x38;
	[tilespmem:$0x12400] =	vst v63  }
0x42: {  	s31 =	simm.s32 $0x11500;
	s4 =	simm.s32 $0x0;
	s0 =	simm.s32 $0x10500  }
.LBB2_2:
0x43: {  	_ =	swait.ge [sflag:s19], $0x2000  }
0x44: {  	[sflag:s19] =	ssyncset.done $0x0  }
0x45: {  	[sflag:s19] =	ssyncadd.s32 $0xFFFFE000  }
0x46: {  	_ =	swait.ge [sflag:s20], $0x2000  }
0x47: {  	s3 =	rddreg [dreg:$0x6]  }
0x48: {  	s3 =	sadd.s32 s4, s3  }
0x49: {  	v13 =	vmov s3  }
0x4a: {  	v13 =	vand.u32 $0xFFFFFFFC, v13  }
0x4b: {  	v13 =	vbroadcast v13, $0x0;
	_ =	sdelay $0x3  }
0x4c: {  	[sflag:s20] =	ssyncset.done $0x0  }
0x4d: {  	[sflag:s20] =	ssyncadd.s32 $0xFFFFE000  }
0x4e: {  	v13 =	vld.idx.msk [tilespmem:v13+s5+$0x0], $0xffff;
	_ =	sdelay $0x4  }
0x4f: {  	(v2sf) =	vpush v13, $0x0;
	_ =	sdelay $0xe  }
0x50: {  	s28 =	spop (v2sf)  }
0x51: {  	s28 =	sand.u32 $0x7F, s28  }
0x52: {  	v13 =	vor.u32 s28, v4;
	_ =	sdelay $0x4  }
0x53: {  	v14 =	vld.idx.msk [tilespmem:v13+s11+$0x0], $0xffff;
	_ =	sdelay $0x4  }
0x54: {  	[tilespmem:s0+$0xFFFFFF00] =	vst v14  }
0x55: {  	v13 =	vld.idx.msk [tilespmem:v13+s12+$0x0], $0xffff  }
0x56: {  	v14 =	vor.u32 s28, v9;
	_ =	sdelay $0x3  }
0x57: {  	[tilespmem:s31+$0xFFFFFF00] =	vst v13  }
0x58: {  	v13 =	vld.idx.msk [tilespmem:v14+s11+$0x0], $0xffff;
	_ =	sdelay $0x4  }
0x59: {  	[tilespmem:s0+$0xFFFFFF10] =	vst v13  }
0x5a: {  	v13 =	vld.idx.msk [tilespmem:v14+s12+$0x0], $0xffff  }
0x5b: {  	v14 =	vor.u32 s28, v10;
	_ =	sdelay $0x3  }
0x5c: {  	[tilespmem:s31+$0xFFFFFF10] =	vst v13  }
0x5d: {  	v13 =	vld.idx.msk [tilespmem:v14+s11+$0x0], $0xffff;
	_ =	sdelay $0x4  }
0x5e: {  	[tilespmem:s0+$0xFFFFFF20] =	vst v13  }
0x5f: {  	v13 =	vld.idx.msk [tilespmem:v14+s12+$0x0], $0xffff  }
0x60: {  	v14 =	vor.u32 s28, v11;
	_ =	sdelay $0x3  }
0x61: {  	[tilespmem:s31+$0xFFFFFF20] =	vst v13  }
0x62: {  	v13 =	vld.idx.msk [tilespmem:v14+s11+$0x0], $0xffff;
	_ =	sdelay $0x4  }
0x63: {  	[tilespmem:s0+$0xFFFFFF30] =	vst v13  }
0x64: {  	v13 =	vld.idx.msk [tilespmem:v14+s12+$0x0], $0xffff;
	_ =	sdelay $0x4  }
0x65: {  	s29 =	sadd.s32 $0x4, s3;
	[tilespmem:s31+$0xFFFFFF30] =	vst v13  }
0x66: {  	v13 =	vmov s29;
	[tilespmem:s0+$0xFFFFFF40] =	vst v12  }
0x67: {  	v13 =	vand.u32 $0xFFFFFFFC, v13;
	[tilespmem:s31+$0xFFFFFF40] =	vst v12  }
0x68: {  	v13 =	vbroadcast v13, $0x0;
	[tilespmem:s0+$0xFFFFFF50] =	vst v12  }
0x69: {  	[tilespmem:s31+$0xFFFFFF50] =	vst v12  }
0x6a: {  	[tilespmem:s0+$0xFFFFFF60] =	vst v12  }
0x6b: {  	[tilespmem:s31+$0xFFFFFF60] =	vst v12  }
0x6c: {  	[tilespmem:s0+$0xFFFFFF70] =	vst v12  }
0x6d: {  	[tilespmem:s31+$0xFFFFFF70] =	vst v12  }
0x6e: {  	v13 =	vld.idx.msk [tilespmem:v13+s5+$0x0], $0xffff;
	_ =	sdelay $0x4  }
0x6f: {  	(v2sf) =	vpush v13, $0x0;
	_ =	sdelay $0xe  }
0x70: {  	s29 =	spop (v2sf)  }
0x71: {  	s28 =	sshrl.u32 s29, $0x7  }
0x72: {  	s28 =	smin.u32 s28, $0x30C  }
0x73: {  	s28 =	sshll.u32 s28, $0x7  }
0x74: {  	s29 =	sadd.s32 s1, s28  }
0x75: {  	[tilespmem:s11], [sflag:$0x1] =	stream.strided.gather [hbm4b:s29+s11], $0x2000, s10, s11, $0x38;
	[tilespmem:$0x12400] =	vst v63  }
0x76: {  	s29 =	sadd.s32 $0x1, s3  }
0x77: {  	s28 =	sadd.s32 s2, s28;
	v13 =	vmov s29  }
0x78: {  	[tilespmem:s12], [sflag:$0x5] =	stream.strided.gather [hbm4b:s28+s11], $0x2000, s10, s11, $0x38;
	v13 =	vand.u32 $0xFFFFFFFD, v13;
	[tilespmem:$0x12400] =	vst v63  }
0x79: {  	_ =	swait.ge [sflag:s21], $0x2000;
	v13 =	vbroadcast v13, $0x0  }
0x7a: {  	[sflag:s21] =	ssyncset.done $0x0  }
0x7b: {  	[sflag:s21] =	ssyncadd.s32 $0xFFFFE000  }
0x7c: {  	_ =	swait.ge [sflag:s22], $0x2000  }
0x7d: {  	[sflag:s22] =	ssyncset.done $0x0  }
0x7e: {  	[sflag:s22] =	ssyncadd.s32 $0xFFFFE000  }
0x7f: {  	v13 =	vld.idx.msk [tilespmem:v13+s5+$0x0], $0xffff;
	_ =	sdelay $0x4  }
0x80: {  	(v2sf) =	vpush v13, $0x0;
	_ =	sdelay $0xe  }
0x81: {  	s29 =	spop (v2sf)  }
0x82: {  	s28 =	sand.u32 $0x7F, s29  }
0x83: {  	v13 =	vor.u32 s28, v4;
	_ =	sdelay $0x4  }
0x84: {  	v14 =	vld.idx.msk [tilespmem:v13+s13+$0x0], $0xffff;
	_ =	sdelay $0x4  }
0x85: {  	[tilespmem:s0+$0xFFFFFF80] =	vst v14  }
0x86: {  	v13 =	vld.idx.msk [tilespmem:v13+s14+$0x0], $0xffff  }
0x87: {  	v14 =	vor.u32 s28, v9;
	_ =	sdelay $0x3  }
0x88: {  	[tilespmem:s31+$0xFFFFFF80] =	vst v13  }
0x89: {  	v13 =	vld.idx.msk [tilespmem:v14+s13+$0x0], $0xffff;
	_ =	sdelay $0x4  }
0x8a: {  	[tilespmem:s0+$0xFFFFFF90] =	vst v13  }
0x8b: {  	v13 =	vld.idx.msk [tilespmem:v14+s14+$0x0], $0xffff  }
0x8c: {  	v14 =	vor.u32 s28, v10;
	_ =	sdelay $0x3  }
0x8d: {  	[tilespmem:s31+$0xFFFFFF90] =	vst v13  }
0x8e: {  	v13 =	vld.idx.msk [tilespmem:v14+s13+$0x0], $0xffff;
	_ =	sdelay $0x4  }
0x8f: {  	[tilespmem:s0+$0xFFFFFFA0] =	vst v13  }
0x90: {  	v13 =	vld.idx.msk [tilespmem:v14+s14+$0x0], $0xffff  }
0x91: {  	v14 =	vor.u32 s28, v11;
	_ =	sdelay $0x3  }
0x92: {  	[tilespmem:s31+$0xFFFFFFA0] =	vst v13  }
0x93: {  	v13 =	vld.idx.msk [tilespmem:v14+s13+$0x0], $0xffff;
	_ =	sdelay $0x4  }
0x94: {  	[tilespmem:s0+$0xFFFFFFB0] =	vst v13  }
0x95: {  	v13 =	vld.idx.msk [tilespmem:v14+s14+$0x0], $0xffff;
	_ =	sdelay $0x4  }
0x96: {  	s29 =	sadd.s32 $0x5, s3;
	[tilespmem:s31+$0xFFFFFFB0] =	vst v13  }
0x97: {  	v13 =	vmov s29;
	[tilespmem:s0+$0xFFFFFFC0] =	vst v12  }
0x98: {  	v13 =	vand.u32 $0xFFFFFFFD, v13;
	[tilespmem:s31+$0xFFFFFFC0] =	vst v12  }
0x99: {  	v13 =	vbroadcast v13, $0x0;
	[tilespmem:s0+$0xFFFFFFD0] =	vst v12  }
0x9a: {  	[tilespmem:s31+$0xFFFFFFD0] =	vst v12  }
0x9b: {  	[tilespmem:s0+$0xFFFFFFE0] =	vst v12  }
0x9c: {  	[tilespmem:s31+$0xFFFFFFE0] =	vst v12  }
0x9d: {  	[tilespmem:s0+$0xFFFFFFF0] =	vst v12  }
0x9e: {  	[tilespmem:s31+$0xFFFFFFF0] =	vst v12  }
0x9f: {  	v13 =	vld.idx.msk [tilespmem:v13+s5+$0x0], $0xffff;
	_ =	sdelay $0x4  }
0xa0: {  	(v2sf) =	vpush v13, $0x0;
	_ =	sdelay $0xe  }
0xa1: {  	s29 =	spop (v2sf)  }
0xa2: {  	s28 =	sshrl.u32 s29, $0x7  }
0xa3: {  	s28 =	smin.u32 s28, $0x30C  }
0xa4: {  	s28 =	sshll.u32 s28, $0x7  }
0xa5: {  	s29 =	sadd.s32 s1, s28  }
0xa6: {  	[tilespmem:s13], [sflag:$0x2] =	stream.strided.gather [hbm4b:s29+s11], $0x2000, s10, s11, $0x38;
	[tilespmem:$0x12400] =	vst v63  }
0xa7: {  	s29 =	sadd.s32 $0x2, s3  }
0xa8: {  	s28 =	sadd.s32 s2, s28;
	v13 =	vmov s29  }
0xa9: {  	[tilespmem:s14], [sflag:$0x6] =	stream.strided.gather [hbm4b:s28+s11], $0x2000, s10, s11, $0x38;
	v13 =	vand.u32 $0xFFFFFFFE, v13;
	[tilespmem:$0x12400] =	vst v63  }
0xaa: {  	_ =	swait.ge [sflag:s23], $0x2000;
	v13 =	vbroadcast v13, $0x0  }
0xab: {  	[sflag:s23] =	ssyncset.done $0x0  }
0xac: {  	[sflag:s23] =	ssyncadd.s32 $0xFFFFE000  }
0xad: {  	_ =	swait.ge [sflag:s24], $0x2000  }
0xae: {  	[sflag:s24] =	ssyncset.done $0x0  }
0xaf: {  	[sflag:s24] =	ssyncadd.s32 $0xFFFFE000  }
0xb0: {  	v13 =	vld.idx.msk [tilespmem:v13+s5+$0x0], $0xffff;
	_ =	sdelay $0x4  }
0xb1: {  	(v2sf) =	vpush v13, $0x0;
	_ =	sdelay $0xe  }
0xb2: {  	s29 =	spop (v2sf)  }
0xb3: {  	s28 =	sand.u32 $0x7F, s29  }
0xb4: {  	v13 =	vor.u32 s28, v4;
	_ =	sdelay $0x4  }
0xb5: {  	v14 =	vld.idx.msk [tilespmem:v13+s15+$0x0], $0xffff;
	_ =	sdelay $0x4  }
0xb6: {  	[tilespmem:s0+$0x0] =	vst v14  }
0xb7: {  	v13 =	vld.idx.msk [tilespmem:v13+s16+$0x0], $0xffff  }
0xb8: {  	v14 =	vor.u32 s28, v9;
	_ =	sdelay $0x3  }
0xb9: {  	[tilespmem:s31+$0x0] =	vst v13  }
0xba: {  	v13 =	vld.idx.msk [tilespmem:v14+s15+$0x0], $0xffff;
	_ =	sdelay $0x4  }
0xbb: {  	[tilespmem:s0+$0x10] =	vst v13  }
0xbc: {  	v13 =	vld.idx.msk [tilespmem:v14+s16+$0x0], $0xffff  }
0xbd: {  	v14 =	vor.u32 s28, v10;
	_ =	sdelay $0x3  }
0xbe: {  	[tilespmem:s31+$0x10] =	vst v13  }
0xbf: {  	v13 =	vld.idx.msk [tilespmem:v14+s15+$0x0], $0xffff;
	_ =	sdelay $0x4  }
0xc0: {  	[tilespmem:s0+$0x20] =	vst v13  }
0xc1: {  	v13 =	vld.idx.msk [tilespmem:v14+s16+$0x0], $0xffff  }
0xc2: {  	v14 =	vor.u32 s28, v11;
	_ =	sdelay $0x3  }
0xc3: {  	[tilespmem:s31+$0x20] =	vst v13  }
0xc4: {  	v13 =	vld.idx.msk [tilespmem:v14+s15+$0x0], $0xffff;
	_ =	sdelay $0x4  }
0xc5: {  	[tilespmem:s0+$0x30] =	vst v13  }
0xc6: {  	v13 =	vld.idx.msk [tilespmem:v14+s16+$0x0], $0xffff;
	_ =	sdelay $0x4  }
0xc7: {  	s29 =	sadd.s32 $0x6, s3;
	[tilespmem:s31+$0x30] =	vst v13  }
0xc8: {  	v13 =	vmov s29;
	[tilespmem:s0+$0x40] =	vst v12  }
0xc9: {  	v13 =	vand.u32 $0xFFFFFFFE, v13;
	[tilespmem:s31+$0x40] =	vst v12  }
0xca: {  	v13 =	vbroadcast v13, $0x0;
	[tilespmem:s0+$0x50] =	vst v12  }
0xcb: {  	[tilespmem:s31+$0x50] =	vst v12  }
0xcc: {  	[tilespmem:s0+$0x60] =	vst v12  }
0xcd: {  	[tilespmem:s31+$0x60] =	vst v12  }
0xce: {  	[tilespmem:s0+$0x70] =	vst v12  }
0xcf: {  	[tilespmem:s31+$0x70] =	vst v12  }
0xd0: {  	v13 =	vld.idx.msk [tilespmem:v13+s5+$0x0], $0xffff;
	_ =	sdelay $0x4  }
0xd1: {  	(v2sf) =	vpush v13, $0x0;
	_ =	sdelay $0xe  }
0xd2: {  	s29 =	spop (v2sf)  }
0xd3: {  	s28 =	sshrl.u32 s29, $0x7  }
0xd4: {  	s28 =	smin.u32 s28, $0x30C  }
0xd5: {  	s28 =	sshll.u32 s28, $0x7  }
0xd6: {  	s29 =	sadd.s32 s1, s28  }
0xd7: {  	[tilespmem:s15], [sflag:$0x3] =	stream.strided.gather [hbm4b:s29+s11], $0x2000, s10, s11, $0x38;
	[tilespmem:$0x12400] =	vst v63  }
0xd8: {  	s28 =	sadd.s32 s2, s28  }
0xd9: {  	[tilespmem:s16], [sflag:$0x7] =	stream.strided.gather [hbm4b:s28+s11], $0x2000, s10, s11, $0x38;
	[tilespmem:$0x12400] =	vst v63  }
0xda: {  	s29 =	sadd.s32 $0x3, s3;
	_ =	swait.ge [sflag:s25], $0x2000  }
0xdb: {  	v13 =	vmov s29;
	[sflag:s25] =	ssyncset.done $0x0  }
0xdc: {  	[sflag:s25] =	ssyncadd.s32 $0xFFFFE000  }
0xdd: {  	_ =	swait.ge [sflag:s26], $0x2000  }
0xde: {  	[sflag:s26] =	ssyncset.done $0x0  }
0xdf: {  	[sflag:s26] =	ssyncadd.s32 $0xFFFFE000  }
0xe0: {  	v13 =	vld.idx.msk [tilespmem:v13+s5+$0x0], $0xffff;
	_ =	sdelay $0x4  }
0xe1: {  	(v2sf) =	vpush v13, $0x0;
	_ =	sdelay $0xe  }
0xe2: {  	s29 =	spop (v2sf)  }
0xe3: {  	s28 =	sand.u32 $0x7F, s29  }
0xe4: {  	v13 =	vor.u32 s28, v4;
	_ =	sdelay $0x4  }
0xe5: {  	v14 =	vld.idx.msk [tilespmem:v13+s17+$0x0], $0xffff;
	_ =	sdelay $0x4  }
0xe6: {  	[tilespmem:s0+$0x80] =	vst v14  }
0xe7: {  	v13 =	vld.idx.msk [tilespmem:v13+s18+$0x0], $0xffff  }
0xe8: {  	v14 =	vor.u32 s28, v9;
	_ =	sdelay $0x3  }
0xe9: {  	[tilespmem:s31+$0x80] =	vst v13  }
0xea: {  	v13 =	vld.idx.msk [tilespmem:v14+s17+$0x0], $0xffff;
	_ =	sdelay $0x4  }
0xeb: {  	[tilespmem:s0+$0x90] =	vst v13  }
0xec: {  	v13 =	vld.idx.msk [tilespmem:v14+s18+$0x0], $0xffff  }
0xed: {  	v14 =	vor.u32 s28, v10;
	_ =	sdelay $0x3  }
0xee: {  	[tilespmem:s31+$0x90] =	vst v13  }
0xef: {  	v13 =	vld.idx.msk [tilespmem:v14+s17+$0x0], $0xffff;
	_ =	sdelay $0x4  }
0xf0: {  	[tilespmem:s0+$0xA0] =	vst v13  }
0xf1: {  	v13 =	vld.idx.msk [tilespmem:v14+s18+$0x0], $0xffff  }
0xf2: {  	v14 =	vor.u32 s28, v11;
	_ =	sdelay $0x3  }
0xf3: {  	[tilespmem:s31+$0xA0] =	vst v13  }
0xf4: {  	v13 =	vld.idx.msk [tilespmem:v14+s17+$0x0], $0xffff;
	_ =	sdelay $0x4  }
0xf5: {  	[tilespmem:s0+$0xB0] =	vst v13  }
0xf6: {  	v13 =	vld.idx.msk [tilespmem:v14+s18+$0x0], $0xffff;
	_ =	sdelay $0x4  }
0xf7: {  	[tilespmem:s31+$0xB0] =	vst v13  }
0xf8: {  	[tilespmem:s0+$0xC0] =	vst v12  }
0xf9: {  	[tilespmem:s31+$0xC0] =	vst v12  }
0xfa: {  	s3 =	sadd.s32 $0x7, s3;
	[tilespmem:s0+$0xD0] =	vst v12  }
0xfb: {  	v13 =	vmov s3;
	[tilespmem:s31+$0xD0] =	vst v12  }
0xfc: {  	[tilespmem:s0+$0xE0] =	vst v12  }
0xfd: {  	[tilespmem:s31+$0xE0] =	vst v12  }
0xfe: {  	[tilespmem:s0+$0xF0] =	vst v12  }
0xff: {  	[tilespmem:s31+$0xF0] =	vst v12  }
0x100: {  	v13 =	vld.idx.msk [tilespmem:v13+s5+$0x0], $0xffff;
	_ =	sdelay $0x4  }
0x101: {  	(v2sf) =	vpush v13, $0x0;
	_ =	sdelay $0xe  }
0x102: {  	s28 =	spop (v2sf)  }
0x103: {  	s3 =	sshrl.u32 s28, $0x7  }
0x104: {  	p0 =	sne.s32 s4, $0x18;
	s3 =	smin.u32 s3, $0x30C  }
.Ltmp0:
0x105: {  	s3 =	sshll.u32 s3, $0x7;
	(pc) =	sbr.rel @p0 .LBB2_2-.Ltmp0, $4  }
0x106: {  	s4 =	sadd.s32 $0x4, s4;
	s29 =	sadd.s32 s1, s3  }
0x107: {  	[tilespmem:s17], [sflag:$0x4] =	stream.strided.gather [hbm4b:s29+s11], $0x2000, s10, s11, $0x38;
	[tilespmem:$0x12400] =	vst v63  }
0x108: {  	s0 =	sadd.s32 $0x200, s0;
	s31 =	sadd.s32 $0x200, s31;
	s3 =	sadd.s32 s2, s3  }
0x109: {  	[tilespmem:s18], [sflag:$0x8] =	stream.strided.gather [hbm4b:s3+s11], $0x2000, s10, s11, $0x38;
	[tilespmem:$0x12400] =	vst v63  }
0x10a: {  	_ =	swait.ge [sflag:s19], $0x2000  }
0x10b: {  	[sflag:s19] =	ssyncset.done $0x0  }
0x10c: {  	[sflag:s19] =	ssyncadd.s32 $0xFFFFE000  }
0x10d: {  	_ =	swait.ge [sflag:s20], $0x2000  }
0x10e: {  	[sflag:s20] =	ssyncset.done $0x0  }
0x10f: {  	[sflag:s20] =	ssyncadd.s32 $0xFFFFE000  }
0x110: {  	v13 =	vld.idx.msk [tilespmem:v5+s5+$0x0], $0xffff;
	_ =	sdelay $0x4  }
0x111: {  	(v2sf) =	vpush v13, $0x0;
	_ =	sdelay $0xe  }
0x112: {  	s0 =	spop (v2sf)  }
0x113: {  	s0 =	sand.u32 $0x7F, s0  }
0x114: {  	v13 =	vor.u32 s0, v4;
	_ =	sdelay $0x4  }
0x115: {  	v14 =	vld.idx.msk [tilespmem:v13+s11+$0x0], $0xffff;
	_ =	sdelay $0x4  }
0x116: {  	[tilespmem:$0x11200] =	vst v14  }
0x117: {  	v13 =	vld.idx.msk [tilespmem:v13+s12+$0x0], $0xffff  }
0x118: {  	v14 =	vor.u32 s0, v9;
	_ =	sdelay $0x3  }
0x119: {  	[tilespmem:$0x12200] =	vst v13  }
0x11a: {  	v13 =	vld.idx.msk [tilespmem:v14+s11+$0x0], $0xffff;
	_ =	sdelay $0x4  }
0x11b: {  	[tilespmem:$0x11210] =	vst v13  }
0x11c: {  	v13 =	vld.idx.msk [tilespmem:v14+s12+$0x0], $0xffff  }
0x11d: {  	v14 =	vor.u32 s0, v10;
	_ =	sdelay $0x3  }
0x11e: {  	[tilespmem:$0x12210] =	vst v13  }
0x11f: {  	v13 =	vld.idx.msk [tilespmem:v14+s11+$0x0], $0xffff;
	_ =	sdelay $0x4  }
0x120: {  	[tilespmem:$0x11220] =	vst v13  }
0x121: {  	v13 =	vld.idx.msk [tilespmem:v14+s12+$0x0], $0xffff  }
0x122: {  	v14 =	vor.u32 s0, v11;
	_ =	sdelay $0x3  }
0x123: {  	[tilespmem:$0x12220] =	vst v13  }
0x124: {  	v13 =	vld.idx.msk [tilespmem:v14+s11+$0x0], $0xffff;
	_ =	sdelay $0x4  }
0x125: {  	[tilespmem:$0x11230] =	vst v13  }
0x126: {  	v13 =	vld.idx.msk [tilespmem:v14+s12+$0x0], $0xffff;
	[tilespmem:$0x11240] =	vst v12  }
0x127: {  	[tilespmem:$0x12240] =	vst v12  }
0x128: {  	[tilespmem:$0x11250] =	vst v12  }
0x129: {  	[tilespmem:$0x12250] =	vst v12  }
0x12a: {  	[tilespmem:$0x11260] =	vst v12  }
0x12b: {  	[tilespmem:$0x12260] =	vst v12  }
0x12c: {  	[tilespmem:$0x11270] =	vst v12  }
0x12d: {  	[tilespmem:$0x12270] =	vst v12  }
0x12e: {  	[tilespmem:$0x12230] =	vst v13  }
0x12f: {  	_ =	swait.ge [sflag:s21], $0x2000  }
0x130: {  	[sflag:s21] =	ssyncset.done $0x0  }
0x131: {  	[sflag:s21] =	ssyncadd.s32 $0xFFFFE000  }
0x132: {  	_ =	swait.ge [sflag:s22], $0x2000  }
0x133: {  	[sflag:s22] =	ssyncset.done $0x0  }
0x134: {  	[sflag:s22] =	ssyncadd.s32 $0xFFFFE000  }
0x135: {  	v13 =	vld.idx.msk [tilespmem:v6+s5+$0x0], $0xffff;
	_ =	sdelay $0x4  }
0x136: {  	(v2sf) =	vpush v13, $0x0;
	_ =	sdelay $0xe  }
0x137: {  	s3 =	spop (v2sf)  }
0x138: {  	s0 =	sand.u32 $0x7F, s3  }
0x139: {  	v13 =	vor.u32 s0, v4;
	_ =	sdelay $0x4  }
0x13a: {  	v14 =	vld.idx.msk [tilespmem:v13+s13+$0x0], $0xffff;
	_ =	sdelay $0x4  }
0x13b: {  	[tilespmem:$0x11280] =	vst v14  }
0x13c: {  	v13 =	vld.idx.msk [tilespmem:v13+s14+$0x0], $0xffff  }
0x13d: {  	v14 =	vor.u32 s0, v9;
	_ =	sdelay $0x3  }
0x13e: {  	[tilespmem:$0x12280] =	vst v13  }
0x13f: {  	v13 =	vld.idx.msk [tilespmem:v14+s13+$0x0], $0xffff;
	_ =	sdelay $0x4  }
0x140: {  	[tilespmem:$0x11290] =	vst v13  }
0x141: {  	v13 =	vld.idx.msk [tilespmem:v14+s14+$0x0], $0xffff  }
0x142: {  	v14 =	vor.u32 s0, v10;
	_ =	sdelay $0x3  }
0x143: {  	[tilespmem:$0x12290] =	vst v13  }
0x144: {  	v13 =	vld.idx.msk [tilespmem:v14+s13+$0x0], $0xffff;
	_ =	sdelay $0x4  }
0x145: {  	[tilespmem:$0x112A0] =	vst v13  }
0x146: {  	v13 =	vld.idx.msk [tilespmem:v14+s14+$0x0], $0xffff  }
0x147: {  	v14 =	vor.u32 s0, v11;
	_ =	sdelay $0x3  }
0x148: {  	[tilespmem:$0x122A0] =	vst v13  }
0x149: {  	v13 =	vld.idx.msk [tilespmem:v14+s13+$0x0], $0xffff;
	_ =	sdelay $0x4  }
0x14a: {  	[tilespmem:$0x112B0] =	vst v13  }
0x14b: {  	v13 =	vld.idx.msk [tilespmem:v14+s14+$0x0], $0xffff;
	[tilespmem:$0x112C0] =	vst v12  }
0x14c: {  	[tilespmem:$0x122C0] =	vst v12  }
0x14d: {  	[tilespmem:$0x112D0] =	vst v12  }
0x14e: {  	[tilespmem:$0x122D0] =	vst v12  }
0x14f: {  	[tilespmem:$0x112E0] =	vst v12  }
0x150: {  	[tilespmem:$0x122E0] =	vst v12  }
0x151: {  	[tilespmem:$0x112F0] =	vst v12  }
0x152: {  	[tilespmem:$0x122F0] =	vst v12  }
0x153: {  	[tilespmem:$0x122B0] =	vst v13  }
0x154: {  	_ =	swait.ge [sflag:s23], $0x2000  }
0x155: {  	[sflag:s23] =	ssyncset.done $0x0  }
0x156: {  	[sflag:s23] =	ssyncadd.s32 $0xFFFFE000  }
0x157: {  	_ =	swait.ge [sflag:s24], $0x2000  }
0x158: {  	[sflag:s24] =	ssyncset.done $0x0  }
0x159: {  	[sflag:s24] =	ssyncadd.s32 $0xFFFFE000  }
0x15a: {  	v13 =	vld.idx.msk [tilespmem:v7+s5+$0x0], $0xffff;
	_ =	sdelay $0x4  }
0x15b: {  	(v2sf) =	vpush v13, $0x0;
	_ =	sdelay $0xe  }
0x15c: {  	s4 =	spop (v2sf)  }
0x15d: {  	s0 =	sand.u32 $0x7F, s4  }
0x15e: {  	v13 =	vor.u32 s0, v4;
	_ =	sdelay $0x4  }
0x15f: {  	v14 =	vld.idx.msk [tilespmem:v13+s15+$0x0], $0xffff;
	_ =	sdelay $0x4  }
0x160: {  	[tilespmem:$0x11300] =	vst v14  }
0x161: {  	v13 =	vld.idx.msk [tilespmem:v13+s16+$0x0], $0xffff  }
0x162: {  	v14 =	vor.u32 s0, v9;
	_ =	sdelay $0x3  }
0x163: {  	[tilespmem:$0x12300] =	vst v13  }
0x164: {  	v13 =	vld.idx.msk [tilespmem:v14+s15+$0x0], $0xffff;
	_ =	sdelay $0x4  }
0x165: {  	[tilespmem:$0x11310] =	vst v13  }
0x166: {  	v13 =	vld.idx.msk [tilespmem:v14+s16+$0x0], $0xffff  }
0x167: {  	v14 =	vor.u32 s0, v10;
	_ =	sdelay $0x3  }
0x168: {  	[tilespmem:$0x12310] =	vst v13  }
0x169: {  	v13 =	vld.idx.msk [tilespmem:v14+s15+$0x0], $0xffff;
	_ =	sdelay $0x4  }
0x16a: {  	[tilespmem:$0x11320] =	vst v13  }
0x16b: {  	v13 =	vld.idx.msk [tilespmem:v14+s16+$0x0], $0xffff  }
0x16c: {  	v14 =	vor.u32 s0, v11;
	_ =	sdelay $0x3  }
0x16d: {  	[tilespmem:$0x12320] =	vst v13  }
0x16e: {  	v13 =	vld.idx.msk [tilespmem:v14+s15+$0x0], $0xffff;
	_ =	sdelay $0x4  }
0x16f: {  	[tilespmem:$0x11330] =	vst v13  }
0x170: {  	v13 =	vld.idx.msk [tilespmem:v14+s16+$0x0], $0xffff;
	[tilespmem:$0x11340] =	vst v12  }
0x171: {  	[tilespmem:$0x12340] =	vst v12  }
0x172: {  	[tilespmem:$0x11350] =	vst v12  }
0x173: {  	[tilespmem:$0x12350] =	vst v12  }
0x174: {  	[tilespmem:$0x11360] =	vst v12  }
0x175: {  	[tilespmem:$0x12360] =	vst v12  }
0x176: {  	[tilespmem:$0x11370] =	vst v12  }
0x177: {  	[tilespmem:$0x12370] =	vst v12  }
0x178: {  	[tilespmem:$0x12330] =	vst v13  }
0x179: {  	_ =	swait.ge [sflag:s25], $0x2000  }
0x17a: {  	[sflag:s25] =	ssyncset.done $0x0  }
0x17b: {  	[sflag:s25] =	ssyncadd.s32 $0xFFFFE000  }
0x17c: {  	_ =	swait.ge [sflag:s26], $0x2000  }
0x17d: {  	[sflag:s26] =	ssyncset.done $0x0  }
0x17e: {  	[sflag:s26] =	ssyncadd.s32 $0xFFFFE000  }
0x17f: {  	v13 =	vld.idx.msk [tilespmem:v8+s5+$0x0], $0xffff;
	_ =	sdelay $0x4  }
0x180: {  	(v2sf) =	vpush v13, $0x0;
	_ =	sdelay $0xe  }
0x181: {  	s28 =	spop (v2sf)  }
0x182: {  	s0 =	sand.u32 $0x7F, s28  }
0x183: {  	v13 =	vor.u32 s0, v4;
	_ =	sdelay $0x4  }
0x184: {  	v14 =	vld.idx.msk [tilespmem:v13+s17+$0x0], $0xffff;
	_ =	sdelay $0x4  }
0x185: {  	[tilespmem:$0x11380] =	vst v14  }
0x186: {  	v13 =	vld.idx.msk [tilespmem:v13+s18+$0x0], $0xffff  }
0x187: {  	v14 =	vor.u32 s0, v9;
	_ =	sdelay $0x3  }
0x188: {  	[tilespmem:$0x12380] =	vst v13  }
0x189: {  	v13 =	vld.idx.msk [tilespmem:v14+s17+$0x0], $0xffff;
	_ =	sdelay $0x4  }
0x18a: {  	[tilespmem:$0x11390] =	vst v13  }
0x18b: {  	v13 =	vld.idx.msk [tilespmem:v14+s18+$0x0], $0xffff  }
0x18c: {  	v14 =	vor.u32 s0, v10;
	_ =	sdelay $0x3  }
0x18d: {  	[tilespmem:$0x12390] =	vst v13  }
0x18e: {  	v13 =	vld.idx.msk [tilespmem:v14+s17+$0x0], $0xffff;
	_ =	sdelay $0x4  }
0x18f: {  	[tilespmem:$0x113A0] =	vst v13  }
0x190: {  	v13 =	vld.idx.msk [tilespmem:v14+s18+$0x0], $0xffff  }
0x191: {  	v14 =	vor.u32 s0, v11;
	_ =	sdelay $0x3  }
0x192: {  	[tilespmem:$0x123A0] =	vst v13  }
0x193: {  	v13 =	vld.idx.msk [tilespmem:v14+s17+$0x0], $0xffff;
	_ =	sdelay $0x4  }
0x194: {  	[tilespmem:$0x113B0] =	vst v13  }
0x195: {  	v13 =	vld.idx.msk [tilespmem:v14+s18+$0x0], $0xffff;
	[tilespmem:$0x113C0] =	vst v12  }
0x196: {  	[tilespmem:$0x123C0] =	vst v12  }
0x197: {  	[tilespmem:$0x113D0] =	vst v12  }
0x198: {  	[tilespmem:$0x123D0] =	vst v12  }
0x199: {  	[tilespmem:$0x113E0] =	vst v12  }
0x19a: {  	[tilespmem:$0x123E0] =	vst v12  }
0x19b: {  	[tilespmem:$0x113F0] =	vst v12  }
0x19c: {  	[tilespmem:$0x123F0] =	vst v12  }
0x19d: {  	s29 =	simm.s32 $0x10400;
	[tilespmem:$0x123B0] =	vst v13  }
0x19e: {  	[hbm4b:s6+s5] =	stream.linear.scatter [tilespmem:s29], [sflag:$0x9], $0x1000, $0x38;
	[tilespmem:$0x12400] =	vst v63  }
0x19f: {  	s30 =	sadd.s32 $0x1, s30;
	_ =	swait.ge [sflag:s9], $0x1000  }
0x1a0: {  	p0 =	sne.s32 s30, s8;
	[sflag:s9] =	ssyncset.done $0x0  }
.Ltmp1:
0x1a1: {  	s31 =	simm.s32 $0x11400;
	[sflag:s9] =	ssyncadd.s32 $0xFFFFF000;
	(pc) =	sbr.rel @p0 .LBB2_1-.Ltmp1, $4  }
0x1a2: {  	[hbm4b:s7+s5] =	stream.linear.scatter [tilespmem:s31], [sflag:$0x9], $0x1000, $0x38;
	[tilespmem:$0x12400] =	vst v63  }
0x1a3: {  	_ =	swait.ge [sflag:s9], $0x1000  }
0x1a4: {  	[sflag:s9] =	ssyncset.done $0x0  }
0x1a5: {  	[sflag:s9] =	ssyncadd.s32 $0xFFFFF000  }
0x1a6: {  	_ =	sfence.sel $0x180000  }
0x1a7: {  	[bflag:$0x0] =	sbarrier.arrive $0xFFFF  }
0x1a8: {  	_ =	strace $0x90000047  }
0x1a9: {  	s0 =	stileid.u32;
	[bflag:$0x2] =	sbarrier.arrive $0xFFFF  }
0x1aa: {  	p0 =	sne.s32 s0, $0x0;
	s0 =	rddreg [dreg:$0x5]  }
0x1ab: {  	s0 =	sadd.s32 @!p0 $0x100000, s0  }
0x1ac: {  	[sflag:s0] =	ssyncadd.tile.s32 @!p0 $0x1;
	_ =	shalt  }
.Lfunc_end2:
_tile_overlayer_lowered:
.L_overlay_start_2:
0x1ad: {  	(tag) =	ssettag $0x2  }
0x1ae: {  	s0 =	rddreg [dreg:$0x0];
	s2 =	stileid.u32  }
0x1af: {  	s1 =	rddreg [dreg:$0x1];
	p0 =	sne.s32 s2, $0x0  }
0x1b0: {  	s3 =	rddreg [dreg:$0x2];
	[bflag:$0x3] =	sbarrier.arrive $0xFFFF;
	s2 =	simm.s32 @!p0 $0x1C09  }
0x1b1: {  	[timem:s3], [sflag:s2] =	dma.local @!p0 [hbm:s0], s1  }
0x1b2: {  	s0 =	simm.s32 @!p0 $0x9  }
0x1b3: {  	_ =	swait.ge @!p0 [sflag:s0], s1  }
0x1b4: {  	s1 =	ssub.s32 @!p0 $0x0, s1;
	[sflag:s0] =	ssyncset.done @!p0 $0x0  }
0x1b5: {  	[sflag:s0] =	ssyncadd.s32 @!p0 s1  }
0x1b6: {  	[bflag:$0x3] =	sbarrier.arrive $0xFFFF  }
0x1b7: {  	_ =	shalt  }

</sc_bundles>
